<compile_context>
chip_gen: v7x
topology: tpu7x:2x2x1
jax: 0.10.2.dev20260603
libtpu: 0.0.44.dev20260713+nightly
codegen_flags: <defaults>
</compile_context>

<pallas_src>
import functools

import jax
import jax.numpy as jnp
from jax import lax
from jax.experimental import pallas as pl
from jax.experimental.pallas import tpu as pltpu
from jax.experimental.pallas import tpu_sc as plsc

N = 10000
D = 128
E = 320000
BN_EPS = 1e-5

NC = 2
NS = 16
EPS_ = E // (NC * NS)
CH = 40
NCHUNK = EPS_ // CH
DEPTH = 5
N_PAD = 10240
RPS = N_PAD // NS


def _sc_aggregate(x, src2, dst4, zrows):
    mesh = plsc.VectorSubcoreMesh(core_axis_name="c", subcore_axis_name="s",
                                  num_cores=NC, num_subcores=NS)

    @functools.partial(
        pl.kernel,
        out_type=jax.ShapeDtypeStruct((NC, N_PAD, D), jnp.float32),
        mesh=mesh,
        scratch_types=(
            [pltpu.VMEM((EPS_,), jnp.int32),
             pltpu.VMEM((NCHUNK, CH), jnp.int32)]
            + [pltpu.VMEM((CH, D), jnp.float32)] * DEPTH
            + [pltpu.VMEM_SHARED((N_PAD, D), jnp.float32)]
            + [pltpu.SemaphoreType.DMA] * DEPTH
        ),
        compiler_params=pltpu.CompilerParams(use_tc_tiling_on_sc=False),
    )
    def agg_kernel(x_hbm, src_hbm, dst_hbm, z_hbm, out_hbm,
                   src_v, dst_v, *rest):
        bufs = rest[:DEPTH]
        acc = rest[DEPTH]
        sems = rest[DEPTH + 1:]
        cid = lax.axis_index("c")
        sid = lax.axis_index("s")

        pltpu.sync_copy(src_hbm.at[cid].at[sid], src_v)
        pltpu.sync_copy(dst_hbm.at[cid].at[sid], dst_v)

        for k in range(DEPTH):
            pltpu.async_copy(x_hbm.at[src_v.at[pl.ds(k * CH, CH)]],
                             bufs[k], sems[k])

        pltpu.sync_copy(z_hbm, acc.at[pl.ds(sid * RPS, RPS)])
        plsc.subcore_barrier()

        @pl.loop(0, NCHUNK - DEPTH, step=DEPTH)
        def _(g):
            for k in range(DEPTH):
                pltpu.make_async_copy(
                    x_hbm.at[pl.ds(0, CH)], bufs[k], sems[k]).wait()
                pltpu.sync_copy(bufs[k], acc.at[dst_v.at[g + k]], add=True)
                pltpu.async_copy(
                    x_hbm.at[src_v.at[pl.ds((g + DEPTH + k) * CH, CH)]],
                    bufs[k], sems[k])

        for k in range(DEPTH):
            pltpu.make_async_copy(
                x_hbm.at[pl.ds(0, CH)], bufs[k], sems[k]).wait()
            pltpu.sync_copy(bufs[k], acc.at[dst_v.at[NCHUNK - DEPTH + k]],
                            add=True)

        plsc.subcore_barrier()
        pltpu.sync_copy(acc.at[pl.ds(sid * RPS, RPS)],
                        out_hbm.at[cid].at[pl.ds(sid * RPS, RPS)])

    return agg_kernel(x, src2, dst4, zrows)


BM = 1000


def _split_edges(edge_index):
    def body(e_ref, s_ref, d_ref):
        s_ref[...] = e_ref[0].reshape(E // 128, 128)
        d_ref[...] = e_ref[1].reshape(E // 128, 128)

    return pl.pallas_call(
        body,
        out_shape=[jax.ShapeDtypeStruct((E // 128, 128), jnp.int32)] * 2,
    )(edge_index)


def _mlp(x, a, w, b):
    def body(x_ref, a_ref, w_ref, b_ref, o_ref):
        h = x_ref[...] + a_ref[0] + a_ref[1]
        y = jnp.dot(h, w_ref[...], preferred_element_type=jnp.float32)
        o_ref[...] = jnp.maximum(y + b_ref[...], 0.0)

    return pl.pallas_call(
        body,
        grid=(N // BM,),
        in_specs=[
            pl.BlockSpec((BM, D), lambda i: (i, 0)),
            pl.BlockSpec((NC, BM, D), lambda i: (0, i, 0)),
            pl.BlockSpec((D, D), lambda i: (0, 0)),
            pl.BlockSpec((1, D), lambda i: (0, 0)),
        ],
        out_specs=pl.BlockSpec((BM, D), lambda i: (i, 0)),
        out_shape=jax.ShapeDtypeStruct((N, D), jnp.float32),
    )(x, a, w, b)


def _tail(x, a, w, b, wl1, bl1, wl2, bl2):
    def body(x_ref, a_ref, w_ref, b_ref,
             wl1_ref, bl1_ref, wl2_ref, bl2_ref, o_ref):
        h = x_ref[...] + a_ref[0] + a_ref[1]
        t = jnp.dot(h, w_ref[...], preferred_element_type=jnp.float32)
        t = jnp.maximum(t + b_ref[...], 0.0)
        t = jnp.dot(t, wl1_ref[...], preferred_element_type=jnp.float32)
        t = jnp.maximum(t + bl1_ref[...], 0.0)
        t = jnp.dot(t, wl2_ref[...], preferred_element_type=jnp.float32)
        o_ref[...] = t + bl2_ref[...]

    full = lambda i: (0, 0)
    return pl.pallas_call(
        body,
        grid=(N // BM,),
        in_specs=[
            pl.BlockSpec((BM, D), lambda i: (i, 0)),
            pl.BlockSpec((NC, BM, D), lambda i: (0, i, 0)),
            pl.BlockSpec((D, D), full),
            pl.BlockSpec((1, D), full),
            pl.BlockSpec((D, D), full),
            pl.BlockSpec((1, D), full),
            pl.BlockSpec((D, D), full),
            pl.BlockSpec((1, D), full),
        ],
        out_specs=pl.BlockSpec((BM, D), lambda i: (i, 0)),
        out_shape=jax.ShapeDtypeStruct((N, D), jnp.float32),
    )(x, a, w, b, wl1, bl1, wl2, bl2)


def _fold_bn(w, b, g, bt, m, v):
    s = g / jnp.sqrt(v + BN_EPS)
    return w * s[None, :], ((b - m) * s + bt)[None, :]


def kernel(x, edge_index,
           W0, b0, g0, bt0, m0, v0,
           W1, b1, g1, bt1, m1, v1,
           W2, b2, g2, bt2, m2, v2,
           Wl1, bl1, Wl2, bl2):
    src_p, dst_p = _split_edges(edge_index)
    src2 = src_p.reshape(NC, NS, EPS_)
    dst4 = dst_p.reshape(NC, NS, NCHUNK, CH)
    zrows = jnp.zeros((RPS, D), dtype=jnp.float32)

    w0, c0 = _fold_bn(W0, b0, g0, bt0, m0, v0)
    w1, c1 = _fold_bn(W1, b1, g1, bt1, m1, v1)
    w2, c2 = _fold_bn(W2, b2, g2, bt2, m2, v2)

    a = _sc_aggregate(x, src2, dst4, zrows)
    h = _mlp(x, a, w0, c0)
    a = _sc_aggregate(h, src2, dst4, zrows)
    h = _mlp(h, a, w1, c1)
    a = _sc_aggregate(h, src2, dst4, zrows)
    return _tail(h, a, w2, c2, Wl1, bl1[None, :], Wl2, bl2[None, :])

# --- scband reference (transcript-rebuilt; emitter-appended) ---
"""Pipeline reference for scband-qgin-22239340659478 (READ-ONLY COPY).

The authoritative reference and input builder live on the scoring server;
editing this copy changes nothing except your own understanding.
"""

import jax, jax.numpy as jnp
import numpy as np

N = 10000
E = 320000
D = 128
H = 128
O = 128
BN_EPS = 1e-5


def setup_inputs(seed: int = 0) -> dict:
    key = jax.random.key(seed)
    ks = jax.random.split(key, 32)
    inp = {}
    inp["x"] = jax.random.normal(ks[0], (N, D), dtype=jnp.float32)
    inp["edge_index"] = jax.random.randint(ks[1], (2, E), 0, N, dtype=jnp.int32)
    dims = [(D, H), (H, H), (H, H)]
    for i, (di, do) in enumerate(dims):
        inp[f"W{i}"] = jax.random.normal(ks[2 + 4 * i], (di, do), dtype=jnp.float32) * (1.0 / np.sqrt(di))
        inp[f"b{i}"] = jnp.zeros((do,), dtype=jnp.float32)
        inp[f"g{i}"] = jnp.ones((do,), dtype=jnp.float32)
        inp[f"bt{i}"] = jnp.zeros((do,), dtype=jnp.float32)
        inp[f"m{i}"] = jnp.zeros((do,), dtype=jnp.float32)
        inp[f"v{i}"] = jnp.ones((do,), dtype=jnp.float32)
    inp["Wl1"] = jax.random.normal(ks[20], (H, H), dtype=jnp.float32) * (1.0 / np.sqrt(H))
    inp["bl1"] = jnp.zeros((H,), dtype=jnp.float32)
    inp["Wl2"] = jax.random.normal(ks[21], (H, O), dtype=jnp.float32) * (1.0 / np.sqrt(H))
    inp["bl2"] = jnp.zeros((O,), dtype=jnp.float32)
    return inp


def _gin_layer(x, edge_index, W, b, g, bt, m, v):
    # GIN aggregation: h_i = (1 + eps) * x_i + sum_{j in N(i)} x_j, eps = 0
    src = edge_index[0]
    dst = edge_index[1]
    agg = jnp.zeros_like(x).at[dst].add(x[src])
    h = x + agg
    # QLinearBatchNormReLU MLP (eval-mode BN with running stats)
    h = h @ W + b
    h = g * (h - m) / jnp.sqrt(v + BN_EPS) + bt
    return jax.nn.relu(h)


def reference(x, edge_index, W0, b0, g0, bt0, m0, v0, W1, b1, g1, bt1, m1, v1, W2, b2, g2, bt2, m2, v2, Wl1, bl1, Wl2, bl2):
    # full_precision_forward with dropout in eval mode (identity)
    h = _gin_layer(x, edge_index, W0, b0, g0, bt0, m0, v0)
    h = _gin_layer(h, edge_index, W1, b1, g1, bt1, m1, v1)
    h = _gin_layer(h, edge_index, W2, b2, g2, bt2, m2, v2)
    h = h @ Wl1 + bl1
    h = jax.nn.relu(h)
    h = h @ Wl2 + bl2
    return h

if __name__ == "__main__":
    import jax
    _d = setup_inputs()
    print(jax.jit(kernel)(*tuple(_d.values())))

</pallas_src>

<mosaic_0001>
#map = affine_map<(d0, d1) -> (0, 0)>
#map1 = affine_map<(d0, d1) -> (0, 0, 0)>
#map2 = affine_map<(d0, d1) -> (0, 0, 0, 0)>
module attributes {stable_mosaic.version = 14 : i64} {
  func.func @agg_kernel(%arg0: i32, %arg1: i32, %arg2: memref<10000x128xf32, #tpu.memory_space<hbm>>, %arg3: memref<2x16x10000xi32, #tpu.memory_space<hbm>>, %arg4: memref<2x16x250x40xi32, #tpu.memory_space<hbm>>, %arg5: memref<640x128xf32, #tpu.memory_space<hbm>>, %arg6: memref<2x10240x128xf32, #tpu.memory_space<hbm>>, %arg7: memref<10000xi32, #tpu.memory_space<vmem>>, %arg8: memref<250x40xi32, #tpu.memory_space<vmem>>, %arg9: memref<40x128xf32, #tpu.memory_space<vmem>>, %arg10: memref<40x128xf32, #tpu.memory_space<vmem>>, %arg11: memref<40x128xf32, #tpu.memory_space<vmem>>, %arg12: memref<40x128xf32, #tpu.memory_space<vmem>>, %arg13: memref<40x128xf32, #tpu.memory_space<vmem>>, %arg14: memref<10240x128xf32, #tpu.memory_space<vmem_shared>>, %arg15: memref<!tpu.dma_semaphore, #tpu.memory_space<semaphore_mem>>, %arg16: memref<!tpu.dma_semaphore, #tpu.memory_space<semaphore_mem>>, %arg17: memref<!tpu.dma_semaphore, #tpu.memory_space<semaphore_mem>>, %arg18: memref<!tpu.dma_semaphore, #tpu.memory_space<semaphore_mem>>, %arg19: memref<!tpu.dma_semaphore, #tpu.memory_space<semaphore_mem>>) attributes {dimension_semantics = [#tpu.dimension_semantics<core_parallel>, #tpu.dimension_semantics<subcore_parallel>], iteration_bounds = array<i64: 2, 16>, scalar_prefetch = 0 : i64, scratch_operands = 13 : i64, tpu.core_type = #tpu.core_type<sc_vector_subcore>, window_params = [{transform_indices = #map}, {transform_indices = #map1}, {transform_indices = #map2}, {transform_indices = #map}, {transform_indices = #map1}]} {
    "tpu.region"() ({
      %run_scoped3A_67 = tpu.sem_alloc : memref<!tpu.dma_semaphore, #tpu.memory_space<semaphore_mem>>
      %dma_start3A_68 = arith.constant 0 : i32
      %dma_start3A_69 = arith.constant 0 : i32
      %dma_start3A_70 = tpu.memref_slice %arg3[%arg0, %dma_start3A_68, %dma_start3A_69] : memref<2x16x10000xi32, #tpu.memory_space<hbm>> -> memref<1x16x10000xi32, #tpu.memory_space<hbm>>
      %dma_start3A_71 = tpu.memref_squeeze %dma_start3A_70 : memref<1x16x10000xi32, #tpu.memory_space<hbm>> -> memref<16x10000xi32, #tpu.memory_space<hbm>>
      %dma_start3A_72 = arith.constant 0 : i32
      %dma_start3A_73 = tpu.memref_slice %dma_start3A_71[%arg1, %dma_start3A_72] : memref<16x10000xi32, #tpu.memory_space<hbm>> -> memref<1x10000xi32, #tpu.memory_space<hbm>>
      %dma_start3A_74 = tpu.memref_squeeze %dma_start3A_73 : memref<1x10000xi32, #tpu.memory_space<hbm>> -> memref<10000xi32, #tpu.memory_space<hbm>>
      %dma_start3A_75 = arith.constant 0 : i32
      %dma_start3A_76 = arith.constant 0 : i32
      %dma_start3A_77 = tpu.memref_slice %arg3[%arg0, %dma_start3A_75, %dma_start3A_76] : memref<2x16x10000xi32, #tpu.memory_space<hbm>> -> memref<1x16x10000xi32, #tpu.memory_space<hbm>>
      %dma_start3A_78 = tpu.memref_squeeze %dma_start3A_77 : memref<1x16x10000xi32, #tpu.memory_space<hbm>> -> memref<16x10000xi32, #tpu.memory_space<hbm>>
      %dma_start3A_79 = arith.constant 0 : i32
      %dma_start3A_80 = tpu.memref_slice %dma_start3A_78[%arg1, %dma_start3A_79] : memref<16x10000xi32, #tpu.memory_space<hbm>> -> memref<1x10000xi32, #tpu.memory_space<hbm>>
      %dma_start3A_81 = tpu.memref_squeeze %dma_start3A_80 : memref<1x10000xi32, #tpu.memory_space<hbm>> -> memref<10000xi32, #tpu.memory_space<hbm>>
      tpu.enqueue_dma source(%dma_start3A_81 : memref<10000xi32, #tpu.memory_space<hbm>>) target(%arg7 : memref<10000xi32, #tpu.memory_space<vmem>>) target_semaphore(%run_scoped3A_67 : memref<!tpu.dma_semaphore, #tpu.memory_space<semaphore_mem>>)
      %dma_wait3A_82 = arith.constant 0 : i32
      %dma_wait3A_83 = arith.constant 0 : i32
      %dma_wait3A_84 = tpu.memref_slice %arg3[%arg0, %dma_wait3A_82, %dma_wait3A_83] : memref<2x16x10000xi32, #tpu.memory_space<hbm>> -> memref<1x16x10000xi32, #tpu.memory_space<hbm>>
      %dma_wait3A_85 = tpu.memref_squeeze %dma_wait3A_84 : memref<1x16x10000xi32, #tpu.memory_space<hbm>> -> memref<16x10000xi32, #tpu.memory_space<hbm>>
      %dma_wait3A_86 = arith.constant 0 : i32
      %dma_wait3A_87 = tpu.memref_slice %dma_wait3A_85[%arg1, %dma_wait3A_86] : memref<16x10000xi32, #tpu.memory_space<hbm>> -> memref<1x10000xi32, #tpu.memory_space<hbm>>
      %dma_wait3A_88 = tpu.memref_squeeze %dma_wait3A_87 : memref<1x10000xi32, #tpu.memory_space<hbm>> -> memref<10000xi32, #tpu.memory_space<hbm>>
      %dma_wait3A_89 = arith.constant 0 : i32
      %dma_wait3A_90 = arith.constant 0 : i32
      %dma_wait3A_91 = tpu.memref_slice %arg3[%arg0, %dma_wait3A_89, %dma_wait3A_90] : memref<2x16x10000xi32, #tpu.memory_space<hbm>> -> memref<1x16x10000xi32, #tpu.memory_space<hbm>>
      %dma_wait3A_92 = tpu.memref_squeeze %dma_wait3A_91 : memref<1x16x10000xi32, #tpu.memory_space<hbm>> -> memref<16x10000xi32, #tpu.memory_space<hbm>>
      %dma_wait3A_93 = arith.constant 0 : i32
      %dma_wait3A_94 = tpu.memref_slice %dma_wait3A_92[%arg1, %dma_wait3A_93] : memref<16x10000xi32, #tpu.memory_space<hbm>> -> memref<1x10000xi32, #tpu.memory_space<hbm>>
      %dma_wait3A_95 = tpu.memref_squeeze %dma_wait3A_94 : memref<1x10000xi32, #tpu.memory_space<hbm>> -> memref<10000xi32, #tpu.memory_space<hbm>>
      tpu.wait_dma2 semaphore(%run_scoped3A_67 : memref<!tpu.dma_semaphore, #tpu.memory_space<semaphore_mem>>) src(%dma_wait3A_95 : memref<10000xi32, #tpu.memory_space<hbm>>) dst(%arg7 : memref<10000xi32, #tpu.memory_space<vmem>>)
      tpu.yield
    }) : () -> ()
    "tpu.region"() ({
      %run_scoped3A_67 = tpu.sem_alloc : memref<!tpu.dma_semaphore, #tpu.memory_space<semaphore_mem>>
      %dma_start3A_68 = arith.constant 0 : i32
      %dma_start3A_69 = arith.constant 0 : i32
      %dma_start3A_70 = arith.constant 0 : i32
      %dma_start3A_71 = tpu.memref_slice %arg4[%arg0, %dma_start3A_68, %dma_start3A_69, %dma_start3A_70] : memref<2x16x250x40xi32, #tpu.memory_space<hbm>> -> memref<1x16x250x40xi32, #tpu.memory_space<hbm>>
      %dma_start3A_72 = tpu.memref_squeeze %dma_start3A_71 : memref<1x16x250x40xi32, #tpu.memory_space<hbm>> -> memref<16x250x40xi32, #tpu.memory_space<hbm>>
      %dma_start3A_73 = arith.constant 0 : i32
      %dma_start3A_74 = arith.constant 0 : i32
      %dma_start3A_75 = tpu.memref_slice %dma_start3A_72[%arg1, %dma_start3A_73, %dma_start3A_74] : memref<16x250x40xi32, #tpu.memory_space<hbm>> -> memref<1x250x40xi32, #tpu.memory_space<hbm>>
      %dma_start3A_76 = tpu.memref_squeeze %dma_start3A_75 : memref<1x250x40xi32, #tpu.memory_space<hbm>> -> memref<250x40xi32, #tpu.memory_space<hbm>>
      %dma_start3A_77 = arith.constant 0 : i32
      %dma_start3A_78 = arith.constant 0 : i32
      %dma_start3A_79 = arith.constant 0 : i32
      %dma_start3A_80 = tpu.memref_slice %arg4[%arg0, %dma_start3A_77, %dma_start3A_78, %dma_start3A_79] : memref<2x16x250x40xi32, #tpu.memory_space<hbm>> -> memref<1x16x250x40xi32, #tpu.memory_space<hbm>>
      %dma_start3A_81 = tpu.memref_squeeze %dma_start3A_80 : memref<1x16x250x40xi32, #tpu.memory_space<hbm>> -> memref<16x250x40xi32, #tpu.memory_space<hbm>>
      %dma_start3A_82 = arith.constant 0 : i32
      %dma_start3A_83 = arith.constant 0 : i32
      %dma_start3A_84 = tpu.memref_slice %dma_start3A_81[%arg1, %dma_start3A_82, %dma_start3A_83] : memref<16x250x40xi32, #tpu.memory_space<hbm>> -> memref<1x250x40xi32, #tpu.memory_space<hbm>>
      %dma_start3A_85 = tpu.memref_squeeze %dma_start3A_84 : memref<1x250x40xi32, #tpu.memory_space<hbm>> -> memref<250x40xi32, #tpu.memory_space<hbm>>
      tpu.enqueue_dma source(%dma_start3A_85 : memref<250x40xi32, #tpu.memory_space<hbm>>) target(%arg8 : memref<250x40xi32, #tpu.memory_space<vmem>>) target_semaphore(%run_scoped3A_67 : memref<!tpu.dma_semaphore, #tpu.memory_space<semaphore_mem>>)
      %dma_wait3A_86 = arith.constant 0 : i32
      %dma_wait3A_87 = arith.constant 0 : i32
      %dma_wait3A_88 = arith.constant 0 : i32
      %dma_wait3A_89 = tpu.memref_slice %arg4[%arg0, %dma_wait3A_86, %dma_wait3A_87, %dma_wait3A_88] : memref<2x16x250x40xi32, #tpu.memory_space<hbm>> -> memref<1x16x250x40xi32, #tpu.memory_space<hbm>>
      %dma_wait3A_90 = tpu.memref_squeeze %dma_wait3A_89 : memref<1x16x250x40xi32, #tpu.memory_space<hbm>> -> memref<16x250x40xi32, #tpu.memory_space<hbm>>
      %dma_wait3A_91 = arith.constant 0 : i32
      %dma_wait3A_92 = arith.constant 0 : i32
      %dma_wait3A_93 = tpu.memref_slice %dma_wait3A_90[%arg1, %dma_wait3A_91, %dma_wait3A_92] : memref<16x250x40xi32, #tpu.memory_space<hbm>> -> memref<1x250x40xi32, #tpu.memory_space<hbm>>
      %dma_wait3A_94 = tpu.memref_squeeze %dma_wait3A_93 : memref<1x250x40xi32, #tpu.memory_space<hbm>> -> memref<250x40xi32, #tpu.memory_space<hbm>>
      %dma_wait3A_95 = arith.constant 0 : i32
      %dma_wait3A_96 = arith.constant 0 : i32
      %dma_wait3A_97 = arith.constant 0 : i32
      %dma_wait3A_98 = tpu.memref_slice %arg4[%arg0, %dma_wait3A_95, %dma_wait3A_96, %dma_wait3A_97] : memref<2x16x250x40xi32, #tpu.memory_space<hbm>> -> memref<1x16x250x40xi32, #tpu.memory_space<hbm>>
      %dma_wait3A_99 = tpu.memref_squeeze %dma_wait3A_98 : memref<1x16x250x40xi32, #tpu.memory_space<hbm>> -> memref<16x250x40xi32, #tpu.memory_space<hbm>>
      %dma_wait3A_100 = arith.constant 0 : i32
      %dma_wait3A_101 = arith.constant 0 : i32
      %dma_wait3A_102 = tpu.memref_slice %dma_wait3A_99[%arg1, %dma_wait3A_100, %dma_wait3A_101] : memref<16x250x40xi32, #tpu.memory_space<hbm>> -> memref<1x250x40xi32, #tpu.memory_space<hbm>>
      %dma_wait3A_103 = tpu.memref_squeeze %dma_wait3A_102 : memref<1x250x40xi32, #tpu.memory_space<hbm>> -> memref<250x40xi32, #tpu.memory_space<hbm>>
      tpu.wait_dma2 semaphore(%run_scoped3A_67 : memref<!tpu.dma_semaphore, #tpu.memory_space<semaphore_mem>>) src(%dma_wait3A_103 : memref<250x40xi32, #tpu.memory_space<hbm>>) dst(%arg8 : memref<250x40xi32, #tpu.memory_space<vmem>>)
      tpu.yield
    }) : () -> ()
    %dma_start3A = arith.constant 0 : i32
    %dma_start3A_0 = tpu.memref_slice %arg7[%dma_start3A] : memref<10000xi32, #tpu.memory_space<vmem>> -> memref<40xi32, #tpu.memory_space<vmem>>
    %dma_start3A_1 = arith.constant 0 : i32
    %dma_start3A_2 = arith.constant 0 : i32
    %dma_start3A_3 = tpu.memref_slice %arg2[%dma_start3A_1, %dma_start3A_2] : memref<10000x128xf32, #tpu.memory_space<hbm>> -> memref<10000x128xf32, #tpu.memory_space<hbm>>
    tpu.enqueue_indirect_dma source(%dma_start3A_3 : memref<10000x128xf32, #tpu.memory_space<hbm>>) target(%arg9 : memref<40x128xf32, #tpu.memory_space<vmem>>) offsets(%dma_start3A_0 : memref<40xi32, #tpu.memory_space<vmem>>) semaphore(%arg15 : memref<!tpu.dma_semaphore, #tpu.memory_space<semaphore_mem>>)
    %dma_start3A_4 = arith.constant 40 : i32
    %dma_start3A_5 = tpu.memref_slice %arg7[%dma_start3A_4] : memref<10000xi32, #tpu.memory_space<vmem>> -> memref<40xi32, #tpu.memory_space<vmem>>
    %dma_start3A_6 = arith.constant 0 : i32
    %dma_start3A_7 = arith.constant 0 : i32
    %dma_start3A_8 = tpu.memref_slice %arg2[%dma_start3A_6, %dma_start3A_7] : memref<10000x128xf32, #tpu.memory_space<hbm>> -> memref<10000x128xf32, #tpu.memory_space<hbm>>
    tpu.enqueue_indirect_dma source(%dma_start3A_8 : memref<10000x128xf32, #tpu.memory_space<hbm>>) target(%arg10 : memref<40x128xf32, #tpu.memory_space<vmem>>) offsets(%dma_start3A_5 : memref<40xi32, #tpu.memory_space<vmem>>) semaphore(%arg16 : memref<!tpu.dma_semaphore, #tpu.memory_space<semaphore_mem>>)
    %dma_start3A_9 = arith.constant 80 : i32
    %dma_start3A_10 = tpu.memref_slice %arg7[%dma_start3A_9] : memref<10000xi32, #tpu.memory_space<vmem>> -> memref<40xi32, #tpu.memory_space<vmem>>
    %dma_start3A_11 = arith.constant 0 : i32
    %dma_start3A_12 = arith.constant 0 : i32
    %dma_start3A_13 = tpu.memref_slice %arg2[%dma_start3A_11, %dma_start3A_12] : memref<10000x128xf32, #tpu.memory_space<hbm>> -> memref<10000x128xf32, #tpu.memory_space<hbm>>
    tpu.enqueue_indirect_dma source(%dma_start3A_13 : memref<10000x128xf32, #tpu.memory_space<hbm>>) target(%arg11 : memref<40x128xf32, #tpu.memory_space<vmem>>) offsets(%dma_start3A_10 : memref<40xi32, #tpu.memory_space<vmem>>) semaphore(%arg17 : memref<!tpu.dma_semaphore, #tpu.memory_space<semaphore_mem>>)
    %dma_start3A_14 = arith.constant 120 : i32
    %dma_start3A_15 = tpu.memref_slice %arg7[%dma_start3A_14] : memref<10000xi32, #tpu.memory_space<vmem>> -> memref<40xi32, #tpu.memory_space<vmem>>
    %dma_start3A_16 = arith.constant 0 : i32
    %dma_start3A_17 = arith.constant 0 : i32
    %dma_start3A_18 = tpu.memref_slice %arg2[%dma_start3A_16, %dma_start3A_17] : memref<10000x128xf32, #tpu.memory_space<hbm>> -> memref<10000x128xf32, #tpu.memory_space<hbm>>
    tpu.enqueue_indirect_dma source(%dma_start3A_18 : memref<10000x128xf32, #tpu.memory_space<hbm>>) target(%arg12 : memref<40x128xf32, #tpu.memory_space<vmem>>) offsets(%dma_start3A_15 : memref<40xi32, #tpu.memory_space<vmem>>) semaphore(%arg18 : memref<!tpu.dma_semaphore, #tpu.memory_space<semaphore_mem>>)
    %dma_start3A_19 = arith.constant 160 : i32
    %dma_start3A_20 = tpu.memref_slice %arg7[%dma_start3A_19] : memref<10000xi32, #tpu.memory_space<vmem>> -> memref<40xi32, #tpu.memory_space<vmem>>
    %dma_start3A_21 = arith.constant 0 : i32
    %dma_start3A_22 = arith.constant 0 : i32
    %dma_start3A_23 = tpu.memref_slice %arg2[%dma_start3A_21, %dma_start3A_22] : memref<10000x128xf32, #tpu.memory_space<hbm>> -> memref<10000x128xf32, #tpu.memory_space<hbm>>
    tpu.enqueue_indirect_dma source(%dma_start3A_23 : memref<10000x128xf32, #tpu.memory_space<hbm>>) target(%arg13 : memref<40x128xf32, #tpu.memory_space<vmem>>) offsets(%dma_start3A_20 : memref<40xi32, #tpu.memory_space<vmem>>) semaphore(%arg19 : memref<!tpu.dma_semaphore, #tpu.memory_space<semaphore_mem>>)
    %mul3A = arith.constant 640 : i32
    %mul3A_24 = arith.muli %arg1, %mul3A : i32
    "tpu.region"() ({
      %run_scoped3A_67 = tpu.sem_alloc : memref<!tpu.dma_semaphore, #tpu.memory_space<semaphore_mem>>
      %dma_start3A_68 = arith.constant 0 : i32
      %dma_start3A_69 = tpu.memref_slice %arg14[%mul3A_24, %dma_start3A_68] : memref<10240x128xf32, #tpu.memory_space<vmem_shared>> -> memref<640x128xf32, #tpu.memory_space<vmem_shared>>
      tpu.enqueue_dma source(%arg5 : memref<640x128xf32, #tpu.memory_space<hbm>>) target(%dma_start3A_69 : memref<640x128xf32, #tpu.memory_space<vmem_shared>>) target_semaphore(%run_scoped3A_67 : memref<!tpu.dma_semaphore, #tpu.memory_space<semaphore_mem>>)
      %dma_wait3A_70 = arith.constant 0 : i32
      %dma_wait3A_71 = tpu.memref_slice %arg14[%mul3A_24, %dma_wait3A_70] : memref<10240x128xf32, #tpu.memory_space<vmem_shared>> -> memref<640x128xf32, #tpu.memory_space<vmem_shared>>
      tpu.wait_dma2 semaphore(%run_scoped3A_67 : memref<!tpu.dma_semaphore, #tpu.memory_space<semaphore_mem>>) src(%arg5 : memref<640x128xf32, #tpu.memory_space<hbm>>) dst(%dma_wait3A_71 : memref<640x128xf32, #tpu.memory_space<vmem_shared>>)
      tpu.yield
    }) : () -> ()
    %barrier3A = arith.constant 0 : index
    tpu.barrier barrier_id(%barrier3A)
    %scan3A = arith.constant 0 : i32
    %scan3A_25 = arith.constant 49 : i32
    %scan3A_26 = arith.addi %scan3A, %scan3A_25 : i32
    %scan3A_27 = arith.constant 1 : i32
    scf.for %scan3A_67 = %scan3A to %scan3A_26 step %scan3A_27  : i32 {
      %mul3A_68 = arith.constant 5 : i32
      %mul3A_69 = arith.muli %scan3A_67, %mul3A_68 : i32
      %add3A = arith.constant 0 : i32
      %add3A_70 = arith.addi %add3A, %mul3A_69 : i32
      %dma_wait3A_71 = arith.constant 0 : i32
      %dma_wait3A_72 = arith.constant 0 : i32
      %dma_wait3A_73 = tpu.memref_slice %arg2[%dma_wait3A_71, %dma_wait3A_72] : memref<10000x128xf32, #tpu.memory_space<hbm>> -> memref<40x128xf32, #tpu.memory_space<hbm>>
      %dma_wait3A_74 = arith.constant 0 : i32
      %dma_wait3A_75 = arith.constant 0 : i32
      %dma_wait3A_76 = tpu.memref_slice %arg2[%dma_wait3A_74, %dma_wait3A_75] : memref<10000x128xf32, #tpu.memory_space<hbm>> -> memref<40x128xf32, #tpu.memory_space<hbm>>
      tpu.wait_dma2 semaphore(%arg15 : memref<!tpu.dma_semaphore, #tpu.memory_space<semaphore_mem>>) src(%dma_wait3A_76 : memref<40x128xf32, #tpu.memory_space<hbm>>) dst(%arg9 : memref<40x128xf32, #tpu.memory_space<vmem>>)
      %add3A_77 = arith.constant 0 : i32
      %add3A_78 = arith.addi %add3A_70, %add3A_77 : i32
      "tpu.region"() ({
        %run_scoped3A_161 = tpu.sem_alloc : memref<!tpu.dma_semaphore, #tpu.memory_space<semaphore_mem>>
        %dma_start3A_162 = arith.constant 0 : i32
        %dma_start3A_163 = tpu.memref_slice %arg8[%add3A_78, %dma_start3A_162] : memref<250x40xi32, #tpu.memory_space<vmem>> -> memref<1x40xi32, #tpu.memory_space<vmem>>
        %dma_start3A_164 = tpu.memref_squeeze %dma_start3A_163 : memref<1x40xi32, #tpu.memory_space<vmem>> -> memref<40xi32, #tpu.memory_space<vmem>>
        %dma_start3A_165 = arith.constant 0 : i32
        %dma_start3A_166 = arith.constant 0 : i32
        %dma_start3A_167 = tpu.memref_slice %arg14[%dma_start3A_165, %dma_start3A_166] : memref<10240x128xf32, #tpu.memory_space<vmem_shared>> -> memref<10240x128xf32, #tpu.memory_space<vmem_shared>>
        tpu.enqueue_indirect_dma source(%arg9 : memref<40x128xf32, #tpu.memory_space<vmem>>) target(%dma_start3A_167 : memref<10240x128xf32, #tpu.memory_space<vmem_shared>>) offsets(%dma_start3A_164 : memref<40xi32, #tpu.memory_space<vmem>>) semaphore(%run_scoped3A_161 : memref<!tpu.dma_semaphore, #tpu.memory_space<semaphore_mem>>) {add = true}
        %dma_wait3A_168 = arith.constant 0 : i32
        %dma_wait3A_169 = tpu.memref_slice %arg8[%add3A_78, %dma_wait3A_168] : memref<250x40xi32, #tpu.memory_space<vmem>> -> memref<1x40xi32, #tpu.memory_space<vmem>>
        %dma_wait3A_170 = tpu.memref_squeeze %dma_wait3A_169 : memref<1x40xi32, #tpu.memory_space<vmem>> -> memref<40xi32, #tpu.memory_space<vmem>>
        %dma_wait3A_171 = arith.constant 0 : i32
        %dma_wait3A_172 = arith.constant 0 : i32
        %dma_wait3A_173 = tpu.memref_slice %arg14[%dma_wait3A_171, %dma_wait3A_172] : memref<10240x128xf32, #tpu.memory_space<vmem_shared>> -> memref<10240x128xf32, #tpu.memory_space<vmem_shared>>
        tpu.wait_indirect_dma semaphore(%run_scoped3A_161 : memref<!tpu.dma_semaphore, #tpu.memory_space<semaphore_mem>>) src(%arg9 : memref<40x128xf32, #tpu.memory_space<vmem>>) dst(%dma_wait3A_173 : memref<10240x128xf32, #tpu.memory_space<vmem_shared>>)
        tpu.yield
      }) : () -> ()
      %add3A_79 = arith.constant 5 : i32
      %add3A_80 = arith.addi %add3A_70, %add3A_79 : i32
      %add3A_81 = arith.constant 0 : i32
      %add3A_82 = arith.addi %add3A_80, %add3A_81 : i32
      %mul3A_83 = arith.constant 40 : i32
      %mul3A_84 = arith.muli %add3A_82, %mul3A_83 : i32
      %dma_start3A_85 = tpu.memref_slice %arg7[%mul3A_84] : memref<10000xi32, #tpu.memory_space<vmem>> -> memref<40xi32, #tpu.memory_space<vmem>>
      %dma_start3A_86 = arith.constant 0 : i32
      %dma_start3A_87 = arith.constant 0 : i32
      %dma_start3A_88 = tpu.memref_slice %arg2[%dma_start3A_86, %dma_start3A_87] : memref<10000x128xf32, #tpu.memory_space<hbm>> -> memref<10000x128xf32, #tpu.memory_space<hbm>>
      tpu.enqueue_indirect_dma source(%dma_start3A_88 : memref<10000x128xf32, #tpu.memory_space<hbm>>) target(%arg9 : memref<40x128xf32, #tpu.memory_space<vmem>>) offsets(%dma_start3A_85 : memref<40xi32, #tpu.memory_space<vmem>>) semaphore(%arg15 : memref<!tpu.dma_semaphore, #tpu.memory_space<semaphore_mem>>)
      %dma_wait3A_89 = arith.constant 0 : i32
      %dma_wait3A_90 = arith.constant 0 : i32
      %dma_wait3A_91 = tpu.memref_slice %arg2[%dma_wait3A_89, %dma_wait3A_90] : memref<10000x128xf32, #tpu.memory_space<hbm>> -> memref<40x128xf32, #tpu.memory_space<hbm>>
      %dma_wait3A_92 = arith.constant 0 : i32
      %dma_wait3A_93 = arith.constant 0 : i32
      %dma_wait3A_94 = tpu.memref_slice %arg2[%dma_wait3A_92, %dma_wait3A_93] : memref<10000x128xf32, #tpu.memory_space<hbm>> -> memref<40x128xf32, #tpu.memory_space<hbm>>
      tpu.wait_dma2 semaphore(%arg16 : memref<!tpu.dma_semaphore, #tpu.memory_space<semaphore_mem>>) src(%dma_wait3A_94 : memref<40x128xf32, #tpu.memory_space<hbm>>) dst(%arg10 : memref<40x128xf32, #tpu.memory_space<vmem>>)
      %add3A_95 = arith.constant 1 : i32
      %add3A_96 = arith.addi %add3A_70, %add3A_95 : i32
      "tpu.region"() ({
        %run_scoped3A_161 = tpu.sem_alloc : memref<!tpu.dma_semaphore, #tpu.memory_space<semaphore_mem>>
        %dma_start3A_162 = arith.constant 0 : i32
        %dma_start3A_163 = tpu.memref_slice %arg8[%add3A_96, %dma_start3A_162] : memref<250x40xi32, #tpu.memory_space<vmem>> -> memref<1x40xi32, #tpu.memory_space<vmem>>
        %dma_start3A_164 = tpu.memref_squeeze %dma_start3A_163 : memref<1x40xi32, #tpu.memory_space<vmem>> -> memref<40xi32, #tpu.memory_space<vmem>>
        %dma_start3A_165 = arith.constant 0 : i32
        %dma_start3A_166 = arith.constant 0 : i32
        %dma_start3A_167 = tpu.memref_slice %arg14[%dma_start3A_165, %dma_start3A_166] : memref<10240x128xf32, #tpu.memory_space<vmem_shared>> -> memref<10240x128xf32, #tpu.memory_space<vmem_shared>>
        tpu.enqueue_indirect_dma source(%arg10 : memref<40x128xf32, #tpu.memory_space<vmem>>) target(%dma_start3A_167 : memref<10240x128xf32, #tpu.memory_space<vmem_shared>>) offsets(%dma_start3A_164 : memref<40xi32, #tpu.memory_space<vmem>>) semaphore(%run_scoped3A_161 : memref<!tpu.dma_semaphore, #tpu.memory_space<semaphore_mem>>) {add = true}
        %dma_wait3A_168 = arith.constant 0 : i32
        %dma_wait3A_169 = tpu.memref_slice %arg8[%add3A_96, %dma_wait3A_168] : memref<250x40xi32, #tpu.memory_space<vmem>> -> memref<1x40xi32, #tpu.memory_space<vmem>>
        %dma_wait3A_170 = tpu.memref_squeeze %dma_wait3A_169 : memref<1x40xi32, #tpu.memory_space<vmem>> -> memref<40xi32, #tpu.memory_space<vmem>>
        %dma_wait3A_171 = arith.constant 0 : i32
        %dma_wait3A_172 = arith.constant 0 : i32
        %dma_wait3A_173 = tpu.memref_slice %arg14[%dma_wait3A_171, %dma_wait3A_172] : memref<10240x128xf32, #tpu.memory_space<vmem_shared>> -> memref<10240x128xf32, #tpu.memory_space<vmem_shared>>
        tpu.wait_indirect_dma semaphore(%run_scoped3A_161 : memref<!tpu.dma_semaphore, #tpu.memory_space<semaphore_mem>>) src(%arg10 : memref<40x128xf32, #tpu.memory_space<vmem>>) dst(%dma_wait3A_173 : memref<10240x128xf32, #tpu.memory_space<vmem_shared>>)
        tpu.yield
      }) : () -> ()
      %add3A_97 = arith.constant 5 : i32
      %add3A_98 = arith.addi %add3A_70, %add3A_97 : i32
      %add3A_99 = arith.constant 1 : i32
      %add3A_100 = arith.addi %add3A_98, %add3A_99 : i32
      %mul3A_101 = arith.constant 40 : i32
      %mul3A_102 = arith.muli %add3A_100, %mul3A_101 : i32
      %dma_start3A_103 = tpu.memref_slice %arg7[%mul3A_102] : memref<10000xi32, #tpu.memory_space<vmem>> -> memref<40xi32, #tpu.memory_space<vmem>>
      %dma_start3A_104 = arith.constant 0 : i32
      %dma_start3A_105 = arith.constant 0 : i32
      %dma_start3A_106 = tpu.memref_slice %arg2[%dma_start3A_104, %dma_start3A_105] : memref<10000x128xf32, #tpu.memory_space<hbm>> -> memref<10000x128xf32, #tpu.memory_space<hbm>>
      tpu.enqueue_indirect_dma source(%dma_start3A_106 : memref<10000x128xf32, #tpu.memory_space<hbm>>) target(%arg10 : memref<40x128xf32, #tpu.memory_space<vmem>>) offsets(%dma_start3A_103 : memref<40xi32, #tpu.memory_space<vmem>>) semaphore(%arg16 : memref<!tpu.dma_semaphore, #tpu.memory_space<semaphore_mem>>)
      %dma_wait3A_107 = arith.constant 0 : i32
      %dma_wait3A_108 = arith.constant 0 : i32
      %dma_wait3A_109 = tpu.memref_slice %arg2[%dma_wait3A_107, %dma_wait3A_108] : memref<10000x128xf32, #tpu.memory_space<hbm>> -> memref<40x128xf32, #tpu.memory_space<hbm>>
      %dma_wait3A_110 = arith.constant 0 : i32
      %dma_wait3A_111 = arith.constant 0 : i32
      %dma_wait3A_112 = tpu.memref_slice %arg2[%dma_wait3A_110, %dma_wait3A_111] : memref<10000x128xf32, #tpu.memory_space<hbm>> -> memref<40x128xf32, #tpu.memory_space<hbm>>
      tpu.wait_dma2 semaphore(%arg17 : memref<!tpu.dma_semaphore, #tpu.memory_space<semaphore_mem>>) src(%dma_wait3A_112 : memref<40x128xf32, #tpu.memory_space<hbm>>) dst(%arg11 : memref<40x128xf32, #tpu.memory_space<vmem>>)
      %add3A_113 = arith.constant 2 : i32
      %add3A_114 = arith.addi %add3A_70, %add3A_113 : i32
      "tpu.region"() ({
        %run_scoped3A_161 = tpu.sem_alloc : memref<!tpu.dma_semaphore, #tpu.memory_space<semaphore_mem>>
        %dma_start3A_162 = arith.constant 0 : i32
        %dma_start3A_163 = tpu.memref_slice %arg8[%add3A_114, %dma_start3A_162] : memref<250x40xi32, #tpu.memory_space<vmem>> -> memref<1x40xi32, #tpu.memory_space<vmem>>
        %dma_start3A_164 = tpu.memref_squeeze %dma_start3A_163 : memref<1x40xi32, #tpu.memory_space<vmem>> -> memref<40xi32, #tpu.memory_space<vmem>>
        %dma_start3A_165 = arith.constant 0 : i32
        %dma_start3A_166 = arith.constant 0 : i32
        %dma_start3A_167 = tpu.memref_slice %arg14[%dma_start3A_165, %dma_start3A_166] : memref<10240x128xf32, #tpu.memory_space<vmem_shared>> -> memref<10240x128xf32, #tpu.memory_space<vmem_shared>>
        tpu.enqueue_indirect_dma source(%arg11 : memref<40x128xf32, #tpu.memory_space<vmem>>) target(%dma_start3A_167 : memref<10240x128xf32, #tpu.memory_space<vmem_shared>>) offsets(%dma_start3A_164 : memref<40xi32, #tpu.memory_space<vmem>>) semaphore(%run_scoped3A_161 : memref<!tpu.dma_semaphore, #tpu.memory_space<semaphore_mem>>) {add = true}
        %dma_wait3A_168 = arith.constant 0 : i32
        %dma_wait3A_169 = tpu.memref_slice %arg8[%add3A_114, %dma_wait3A_168] : memref<250x40xi32, #tpu.memory_space<vmem>> -> memref<1x40xi32, #tpu.memory_space<vmem>>
        %dma_wait3A_170 = tpu.memref_squeeze %dma_wait3A_169 : memref<1x40xi32, #tpu.memory_space<vmem>> -> memref<40xi32, #tpu.memory_space<vmem>>
        %dma_wait3A_171 = arith.constant 0 : i32
        %dma_wait3A_172 = arith.constant 0 : i32
        %dma_wait3A_173 = tpu.memref_slice %arg14[%dma_wait3A_171, %dma_wait3A_172] : memref<10240x128xf32, #tpu.memory_space<vmem_shared>> -> memref<10240x128xf32, #tpu.memory_space<vmem_shared>>
        tpu.wait_indirect_dma semaphore(%run_scoped3A_161 : memref<!tpu.dma_semaphore, #tpu.memory_space<semaphore_mem>>) src(%arg11 : memref<40x128xf32, #tpu.memory_space<vmem>>) dst(%dma_wait3A_173 : memref<10240x128xf32, #tpu.memory_space<vmem_shared>>)
        tpu.yield
      }) : () -> ()
      %add3A_115 = arith.constant 5 : i32
      %add3A_116 = arith.addi %add3A_70, %add3A_115 : i32
      %add3A_117 = arith.constant 2 : i32
      %add3A_118 = arith.addi %add3A_116, %add3A_117 : i32
      %mul3A_119 = arith.constant 40 : i32
      %mul3A_120 = arith.muli %add3A_118, %mul3A_119 : i32
      %dma_start3A_121 = tpu.memref_slice %arg7[%mul3A_120] : memref<10000xi32, #tpu.memory_space<vmem>> -> memref<40xi32, #tpu.memory_space<vmem>>
      %dma_start3A_122 = arith.constant 0 : i32
      %dma_start3A_123 = arith.constant 0 : i32
      %dma_start3A_124 = tpu.memref_slice %arg2[%dma_start3A_122, %dma_start3A_123] : memref<10000x128xf32, #tpu.memory_space<hbm>> -> memref<10000x128xf32, #tpu.memory_space<hbm>>
      tpu.enqueue_indirect_dma source(%dma_start3A_124 : memref<10000x128xf32, #tpu.memory_space<hbm>>) target(%arg11 : memref<40x128xf32, #tpu.memory_space<vmem>>) offsets(%dma_start3A_121 : memref<40xi32, #tpu.memory_space<vmem>>) semaphore(%arg17 : memref<!tpu.dma_semaphore, #tpu.memory_space<semaphore_mem>>)
      %dma_wait3A_125 = arith.constant 0 : i32
      %dma_wait3A_126 = arith.constant 0 : i32
      %dma_wait3A_127 = tpu.memref_slice %arg2[%dma_wait3A_125, %dma_wait3A_126] : memref<10000x128xf32, #tpu.memory_space<hbm>> -> memref<40x128xf32, #tpu.memory_space<hbm>>
      %dma_wait3A_128 = arith.constant 0 : i32
      %dma_wait3A_129 = arith.constant 0 : i32
      %dma_wait3A_130 = tpu.memref_slice %arg2[%dma_wait3A_128, %dma_wait3A_129] : memref<10000x128xf32, #tpu.memory_space<hbm>> -> memref<40x128xf32, #tpu.memory_space<hbm>>
      tpu.wait_dma2 semaphore(%arg18 : memref<!tpu.dma_semaphore, #tpu.memory_space<semaphore_mem>>) src(%dma_wait3A_130 : memref<40x128xf32, #tpu.memory_space<hbm>>) dst(%arg12 : memref<40x128xf32, #tpu.memory_space<vmem>>)
      %add3A_131 = arith.constant 3 : i32
      %add3A_132 = arith.addi %add3A_70, %add3A_131 : i32
      "tpu.region"() ({
        %run_scoped3A_161 = tpu.sem_alloc : memref<!tpu.dma_semaphore, #tpu.memory_space<semaphore_mem>>
        %dma_start3A_162 = arith.constant 0 : i32
        %dma_start3A_163 = tpu.memref_slice %arg8[%add3A_132, %dma_start3A_162] : memref<250x40xi32, #tpu.memory_space<vmem>> -> memref<1x40xi32, #tpu.memory_space<vmem>>
        %dma_start3A_164 = tpu.memref_squeeze %dma_start3A_163 : memref<1x40xi32, #tpu.memory_space<vmem>> -> memref<40xi32, #tpu.memory_space<vmem>>
        %dma_start3A_165 = arith.constant 0 : i32
        %dma_start3A_166 = arith.constant 0 : i32
        %dma_start3A_167 = tpu.memref_slice %arg14[%dma_start3A_165, %dma_start3A_166] : memref<10240x128xf32, #tpu.memory_space<vmem_shared>> -> memref<10240x128xf32, #tpu.memory_space<vmem_shared>>
        tpu.enqueue_indirect_dma source(%arg12 : memref<40x128xf32, #tpu.memory_space<vmem>>) target(%dma_start3A_167 : memref<10240x128xf32, #tpu.memory_space<vmem_shared>>) offsets(%dma_start3A_164 : memref<40xi32, #tpu.memory_space<vmem>>) semaphore(%run_scoped3A_161 : memref<!tpu.dma_semaphore, #tpu.memory_space<semaphore_mem>>) {add = true}
        %dma_wait3A_168 = arith.constant 0 : i32
        %dma_wait3A_169 = tpu.memref_slice %arg8[%add3A_132, %dma_wait3A_168] : memref<250x40xi32, #tpu.memory_space<vmem>> -> memref<1x40xi32, #tpu.memory_space<vmem>>
        %dma_wait3A_170 = tpu.memref_squeeze %dma_wait3A_169 : memref<1x40xi32, #tpu.memory_space<vmem>> -> memref<40xi32, #tpu.memory_space<vmem>>
        %dma_wait3A_171 = arith.constant 0 : i32
        %dma_wait3A_172 = arith.constant 0 : i32
        %dma_wait3A_173 = tpu.memref_slice %arg14[%dma_wait3A_171, %dma_wait3A_172] : memref<10240x128xf32, #tpu.memory_space<vmem_shared>> -> memref<10240x128xf32, #tpu.memory_space<vmem_shared>>
        tpu.wait_indirect_dma semaphore(%run_scoped3A_161 : memref<!tpu.dma_semaphore, #tpu.memory_space<semaphore_mem>>) src(%arg12 : memref<40x128xf32, #tpu.memory_space<vmem>>) dst(%dma_wait3A_173 : memref<10240x128xf32, #tpu.memory_space<vmem_shared>>)
        tpu.yield
      }) : () -> ()
      %add3A_133 = arith.constant 5 : i32
      %add3A_134 = arith.addi %add3A_70, %add3A_133 : i32
      %add3A_135 = arith.constant 3 : i32
      %add3A_136 = arith.addi %add3A_134, %add3A_135 : i32
      %mul3A_137 = arith.constant 40 : i32
      %mul3A_138 = arith.muli %add3A_136, %mul3A_137 : i32
      %dma_start3A_139 = tpu.memref_slice %arg7[%mul3A_138] : memref<10000xi32, #tpu.memory_space<vmem>> -> memref<40xi32, #tpu.memory_space<vmem>>
      %dma_start3A_140 = arith.constant 0 : i32
      %dma_start3A_141 = arith.constant 0 : i32
      %dma_start3A_142 = tpu.memref_slice %arg2[%dma_start3A_140, %dma_start3A_141] : memref<10000x128xf32, #tpu.memory_space<hbm>> -> memref<10000x128xf32, #tpu.memory_space<hbm>>
      tpu.enqueue_indirect_dma source(%dma_start3A_142 : memref<10000x128xf32, #tpu.memory_space<hbm>>) target(%arg12 : memref<40x128xf32, #tpu.memory_space<vmem>>) offsets(%dma_start3A_139 : memref<40xi32, #tpu.memory_space<vmem>>) semaphore(%arg18 : memref<!tpu.dma_semaphore, #tpu.memory_space<semaphore_mem>>)
      %dma_wait3A_143 = arith.constant 0 : i32
      %dma_wait3A_144 = arith.constant 0 : i32
      %dma_wait3A_145 = tpu.memref_slice %arg2[%dma_wait3A_143, %dma_wait3A_144] : memref<10000x128xf32, #tpu.memory_space<hbm>> -> memref<40x128xf32, #tpu.memory_space<hbm>>
      %dma_wait3A_146 = arith.constant 0 : i32
      %dma_wait3A_147 = arith.constant 0 : i32
      %dma_wait3A_148 = tpu.memref_slice %arg2[%dma_wait3A_146, %dma_wait3A_147] : memref<10000x128xf32, #tpu.memory_space<hbm>> -> memref<40x128xf32, #tpu.memory_space<hbm>>
      tpu.wait_dma2 semaphore(%arg19 : memref<!tpu.dma_semaphore, #tpu.memory_space<semaphore_mem>>) src(%dma_wait3A_148 : memref<40x128xf32, #tpu.memory_space<hbm>>) dst(%arg13 : memref<40x128xf32, #tpu.memory_space<vmem>>)
      %add3A_149 = arith.constant 4 : i32
      %add3A_150 = arith.addi %add3A_70, %add3A_149 : i32
      "tpu.region"() ({
        %run_scoped3A_161 = tpu.sem_alloc : memref<!tpu.dma_semaphore, #tpu.memory_space<semaphore_mem>>
        %dma_start3A_162 = arith.constant 0 : i32
        %dma_start3A_163 = tpu.memref_slice %arg8[%add3A_150, %dma_start3A_162] : memref<250x40xi32, #tpu.memory_space<vmem>> -> memref<1x40xi32, #tpu.memory_space<vmem>>
        %dma_start3A_164 = tpu.memref_squeeze %dma_start3A_163 : memref<1x40xi32, #tpu.memory_space<vmem>> -> memref<40xi32, #tpu.memory_space<vmem>>
        %dma_start3A_165 = arith.constant 0 : i32
        %dma_start3A_166 = arith.constant 0 : i32
        %dma_start3A_167 = tpu.memref_slice %arg14[%dma_start3A_165, %dma_start3A_166] : memref<10240x128xf32, #tpu.memory_space<vmem_shared>> -> memref<10240x128xf32, #tpu.memory_space<vmem_shared>>
        tpu.enqueue_indirect_dma source(%arg13 : memref<40x128xf32, #tpu.memory_space<vmem>>) target(%dma_start3A_167 : memref<10240x128xf32, #tpu.memory_space<vmem_shared>>) offsets(%dma_start3A_164 : memref<40xi32, #tpu.memory_space<vmem>>) semaphore(%run_scoped3A_161 : memref<!tpu.dma_semaphore, #tpu.memory_space<semaphore_mem>>) {add = true}
        %dma_wait3A_168 = arith.constant 0 : i32
        %dma_wait3A_169 = tpu.memref_slice %arg8[%add3A_150, %dma_wait3A_168] : memref<250x40xi32, #tpu.memory_space<vmem>> -> memref<1x40xi32, #tpu.memory_space<vmem>>
        %dma_wait3A_170 = tpu.memref_squeeze %dma_wait3A_169 : memref<1x40xi32, #tpu.memory_space<vmem>> -> memref<40xi32, #tpu.memory_space<vmem>>
        %dma_wait3A_171 = arith.constant 0 : i32
        %dma_wait3A_172 = arith.constant 0 : i32
        %dma_wait3A_173 = tpu.memref_slice %arg14[%dma_wait3A_171, %dma_wait3A_172] : memref<10240x128xf32, #tpu.memory_space<vmem_shared>> -> memref<10240x128xf32, #tpu.memory_space<vmem_shared>>
        tpu.wait_indirect_dma semaphore(%run_scoped3A_161 : memref<!tpu.dma_semaphore, #tpu.memory_space<semaphore_mem>>) src(%arg13 : memref<40x128xf32, #tpu.memory_space<vmem>>) dst(%dma_wait3A_173 : memref<10240x128xf32, #tpu.memory_space<vmem_shared>>)
        tpu.yield
      }) : () -> ()
      %add3A_151 = arith.constant 5 : i32
      %add3A_152 = arith.addi %add3A_70, %add3A_151 : i32
      %add3A_153 = arith.constant 4 : i32
      %add3A_154 = arith.addi %add3A_152, %add3A_153 : i32
      %mul3A_155 = arith.constant 40 : i32
      %mul3A_156 = arith.muli %add3A_154, %mul3A_155 : i32
      %dma_start3A_157 = tpu.memref_slice %arg7[%mul3A_156] : memref<10000xi32, #tpu.memory_space<vmem>> -> memref<40xi32, #tpu.memory_space<vmem>>
      %dma_start3A_158 = arith.constant 0 : i32
      %dma_start3A_159 = arith.constant 0 : i32
      %dma_start3A_160 = tpu.memref_slice %arg2[%dma_start3A_158, %dma_start3A_159] : memref<10000x128xf32, #tpu.memory_space<hbm>> -> memref<10000x128xf32, #tpu.memory_space<hbm>>
      tpu.enqueue_indirect_dma source(%dma_start3A_160 : memref<10000x128xf32, #tpu.memory_space<hbm>>) target(%arg13 : memref<40x128xf32, #tpu.memory_space<vmem>>) offsets(%dma_start3A_157 : memref<40xi32, #tpu.memory_space<vmem>>) semaphore(%arg19 : memref<!tpu.dma_semaphore, #tpu.memory_space<semaphore_mem>>)
    }
    %scan3A_28 = arith.constant 49 : i32
    %dma_wait3A = arith.constant 0 : i32
    %dma_wait3A_29 = arith.constant 0 : i32
    %dma_wait3A_30 = tpu.memref_slice %arg2[%dma_wait3A, %dma_wait3A_29] : memref<10000x128xf32, #tpu.memory_space<hbm>> -> memref<40x128xf32, #tpu.memory_space<hbm>>
    %dma_wait3A_31 = arith.constant 0 : i32
    %dma_wait3A_32 = arith.constant 0 : i32
    %dma_wait3A_33 = tpu.memref_slice %arg2[%dma_wait3A_31, %dma_wait3A_32] : memref<10000x128xf32, #tpu.memory_space<hbm>> -> memref<40x128xf32, #tpu.memory_space<hbm>>
    tpu.wait_dma2 semaphore(%arg15 : memref<!tpu.dma_semaphore, #tpu.memory_space<semaphore_mem>>) src(%dma_wait3A_33 : memref<40x128xf32, #tpu.memory_space<hbm>>) dst(%arg9 : memref<40x128xf32, #tpu.memory_space<vmem>>)
    %run_scoped3A = arith.constant 245 : i32
    "tpu.region"() ({
      %run_scoped3A_67 = tpu.sem_alloc : memref<!tpu.dma_semaphore, #tpu.memory_space<semaphore_mem>>
      %dma_start3A_68 = arith.constant 0 : i32
      %dma_start3A_69 = tpu.memref_slice %arg8[%run_scoped3A, %dma_start3A_68] : memref<250x40xi32, #tpu.memory_space<vmem>> -> memref<1x40xi32, #tpu.memory_space<vmem>>
      %dma_start3A_70 = tpu.memref_squeeze %dma_start3A_69 : memref<1x40xi32, #tpu.memory_space<vmem>> -> memref<40xi32, #tpu.memory_space<vmem>>
      %dma_start3A_71 = arith.constant 0 : i32
      %dma_start3A_72 = arith.constant 0 : i32
      %dma_start3A_73 = tpu.memref_slice %arg14[%dma_start3A_71, %dma_start3A_72] : memref<10240x128xf32, #tpu.memory_space<vmem_shared>> -> memref<10240x128xf32, #tpu.memory_space<vmem_shared>>
      tpu.enqueue_indirect_dma source(%arg9 : memref<40x128xf32, #tpu.memory_space<vmem>>) target(%dma_start3A_73 : memref<10240x128xf32, #tpu.memory_space<vmem_shared>>) offsets(%dma_start3A_70 : memref<40xi32, #tpu.memory_space<vmem>>) semaphore(%run_scoped3A_67 : memref<!tpu.dma_semaphore, #tpu.memory_space<semaphore_mem>>) {add = true}
      %dma_wait3A_74 = arith.constant 0 : i32
      %dma_wait3A_75 = tpu.memref_slice %arg8[%run_scoped3A, %dma_wait3A_74] : memref<250x40xi32, #tpu.memory_space<vmem>> -> memref<1x40xi32, #tpu.memory_space<vmem>>
      %dma_wait3A_76 = tpu.memref_squeeze %dma_wait3A_75 : memref<1x40xi32, #tpu.memory_space<vmem>> -> memref<40xi32, #tpu.memory_space<vmem>>
      %dma_wait3A_77 = arith.constant 0 : i32
      %dma_wait3A_78 = arith.constant 0 : i32
      %dma_wait3A_79 = tpu.memref_slice %arg14[%dma_wait3A_77, %dma_wait3A_78] : memref<10240x128xf32, #tpu.memory_space<vmem_shared>> -> memref<10240x128xf32, #tpu.memory_space<vmem_shared>>
      tpu.wait_indirect_dma semaphore(%run_scoped3A_67 : memref<!tpu.dma_semaphore, #tpu.memory_space<semaphore_mem>>) src(%arg9 : memref<40x128xf32, #tpu.memory_space<vmem>>) dst(%dma_wait3A_79 : memref<10240x128xf32, #tpu.memory_space<vmem_shared>>)
      tpu.yield
    }) : () -> ()
    %dma_wait3A_34 = arith.constant 0 : i32
    %dma_wait3A_35 = arith.constant 0 : i32
    %dma_wait3A_36 = tpu.memref_slice %arg2[%dma_wait3A_34, %dma_wait3A_35] : memref<10000x128xf32, #tpu.memory_space<hbm>> -> memref<40x128xf32, #tpu.memory_space<hbm>>
    %dma_wait3A_37 = arith.constant 0 : i32
    %dma_wait3A_38 = arith.constant 0 : i32
    %dma_wait3A_39 = tpu.memref_slice %arg2[%dma_wait3A_37, %dma_wait3A_38] : memref<10000x128xf32, #tpu.memory_space<hbm>> -> memref<40x128xf32, #tpu.memory_space<hbm>>
    tpu.wait_dma2 semaphore(%arg16 : memref<!tpu.dma_semaphore, #tpu.memory_space<semaphore_mem>>) src(%dma_wait3A_39 : memref<40x128xf32, #tpu.memory_space<hbm>>) dst(%arg10 : memref<40x128xf32, #tpu.memory_space<vmem>>)
    %run_scoped3A_40 = arith.constant 246 : i32
    "tpu.region"() ({
      %run_scoped3A_67 = tpu.sem_alloc : memref<!tpu.dma_semaphore, #tpu.memory_space<semaphore_mem>>
      %dma_start3A_68 = arith.constant 0 : i32
      %dma_start3A_69 = tpu.memref_slice %arg8[%run_scoped3A_40, %dma_start3A_68] : memref<250x40xi32, #tpu.memory_space<vmem>> -> memref<1x40xi32, #tpu.memory_space<vmem>>
      %dma_start3A_70 = tpu.memref_squeeze %dma_start3A_69 : memref<1x40xi32, #tpu.memory_space<vmem>> -> memref<40xi32, #tpu.memory_space<vmem>>
      %dma_start3A_71 = arith.constant 0 : i32
      %dma_start3A_72 = arith.constant 0 : i32
      %dma_start3A_73 = tpu.memref_slice %arg14[%dma_start3A_71, %dma_start3A_72] : memref<10240x128xf32, #tpu.memory_space<vmem_shared>> -> memref<10240x128xf32, #tpu.memory_space<vmem_shared>>
      tpu.enqueue_indirect_dma source(%arg10 : memref<40x128xf32, #tpu.memory_space<vmem>>) target(%dma_start3A_73 : memref<10240x128xf32, #tpu.memory_space<vmem_shared>>) offsets(%dma_start3A_70 : memref<40xi32, #tpu.memory_space<vmem>>) semaphore(%run_scoped3A_67 : memref<!tpu.dma_semaphore, #tpu.memory_space<semaphore_mem>>) {add = true}
      %dma_wait3A_74 = arith.constant 0 : i32
      %dma_wait3A_75 = tpu.memref_slice %arg8[%run_scoped3A_40, %dma_wait3A_74] : memref<250x40xi32, #tpu.memory_space<vmem>> -> memref<1x40xi32, #tpu.memory_space<vmem>>
      %dma_wait3A_76 = tpu.memref_squeeze %dma_wait3A_75 : memref<1x40xi32, #tpu.memory_space<vmem>> -> memref<40xi32, #tpu.memory_space<vmem>>
      %dma_wait3A_77 = arith.constant 0 : i32
      %dma_wait3A_78 = arith.constant 0 : i32
      %dma_wait3A_79 = tpu.memref_slice %arg14[%dma_wait3A_77, %dma_wait3A_78] : memref<10240x128xf32, #tpu.memory_space<vmem_shared>> -> memref<10240x128xf32, #tpu.memory_space<vmem_shared>>
      tpu.wait_indirect_dma semaphore(%run_scoped3A_67 : memref<!tpu.dma_semaphore, #tpu.memory_space<semaphore_mem>>) src(%arg10 : memref<40x128xf32, #tpu.memory_space<vmem>>) dst(%dma_wait3A_79 : memref<10240x128xf32, #tpu.memory_space<vmem_shared>>)
      tpu.yield
    }) : () -> ()
    %dma_wait3A_41 = arith.constant 0 : i32
    %dma_wait3A_42 = arith.constant 0 : i32
    %dma_wait3A_43 = tpu.memref_slice %arg2[%dma_wait3A_41, %dma_wait3A_42] : memref<10000x128xf32, #tpu.memory_space<hbm>> -> memref<40x128xf32, #tpu.memory_space<hbm>>
    %dma_wait3A_44 = arith.constant 0 : i32
    %dma_wait3A_45 = arith.constant 0 : i32
    %dma_wait3A_46 = tpu.memref_slice %arg2[%dma_wait3A_44, %dma_wait3A_45] : memref<10000x128xf32, #tpu.memory_space<hbm>> -> memref<40x128xf32, #tpu.memory_space<hbm>>
    tpu.wait_dma2 semaphore(%arg17 : memref<!tpu.dma_semaphore, #tpu.memory_space<semaphore_mem>>) src(%dma_wait3A_46 : memref<40x128xf32, #tpu.memory_space<hbm>>) dst(%arg11 : memref<40x128xf32, #tpu.memory_space<vmem>>)
    %run_scoped3A_47 = arith.constant 247 : i32
    "tpu.region"() ({
      %run_scoped3A_67 = tpu.sem_alloc : memref<!tpu.dma_semaphore, #tpu.memory_space<semaphore_mem>>
      %dma_start3A_68 = arith.constant 0 : i32
      %dma_start3A_69 = tpu.memref_slice %arg8[%run_scoped3A_47, %dma_start3A_68] : memref<250x40xi32, #tpu.memory_space<vmem>> -> memref<1x40xi32, #tpu.memory_space<vmem>>
      %dma_start3A_70 = tpu.memref_squeeze %dma_start3A_69 : memref<1x40xi32, #tpu.memory_space<vmem>> -> memref<40xi32, #tpu.memory_space<vmem>>
      %dma_start3A_71 = arith.constant 0 : i32
      %dma_start3A_72 = arith.constant 0 : i32
      %dma_start3A_73 = tpu.memref_slice %arg14[%dma_start3A_71, %dma_start3A_72] : memref<10240x128xf32, #tpu.memory_space<vmem_shared>> -> memref<10240x128xf32, #tpu.memory_space<vmem_shared>>
      tpu.enqueue_indirect_dma source(%arg11 : memref<40x128xf32, #tpu.memory_space<vmem>>) target(%dma_start3A_73 : memref<10240x128xf32, #tpu.memory_space<vmem_shared>>) offsets(%dma_start3A_70 : memref<40xi32, #tpu.memory_space<vmem>>) semaphore(%run_scoped3A_67 : memref<!tpu.dma_semaphore, #tpu.memory_space<semaphore_mem>>) {add = true}
      %dma_wait3A_74 = arith.constant 0 : i32
      %dma_wait3A_75 = tpu.memref_slice %arg8[%run_scoped3A_47, %dma_wait3A_74] : memref<250x40xi32, #tpu.memory_space<vmem>> -> memref<1x40xi32, #tpu.memory_space<vmem>>
      %dma_wait3A_76 = tpu.memref_squeeze %dma_wait3A_75 : memref<1x40xi32, #tpu.memory_space<vmem>> -> memref<40xi32, #tpu.memory_space<vmem>>
      %dma_wait3A_77 = arith.constant 0 : i32
      %dma_wait3A_78 = arith.constant 0 : i32
      %dma_wait3A_79 = tpu.memref_slice %arg14[%dma_wait3A_77, %dma_wait3A_78] : memref<10240x128xf32, #tpu.memory_space<vmem_shared>> -> memref<10240x128xf32, #tpu.memory_space<vmem_shared>>
      tpu.wait_indirect_dma semaphore(%run_scoped3A_67 : memref<!tpu.dma_semaphore, #tpu.memory_space<semaphore_mem>>) src(%arg11 : memref<40x128xf32, #tpu.memory_space<vmem>>) dst(%dma_wait3A_79 : memref<10240x128xf32, #tpu.memory_space<vmem_shared>>)
      tpu.yield
    }) : () -> ()
    %dma_wait3A_48 = arith.constant 0 : i32
    %dma_wait3A_49 = arith.constant 0 : i32
    %dma_wait3A_50 = tpu.memref_slice %arg2[%dma_wait3A_48, %dma_wait3A_49] : memref<10000x128xf32, #tpu.memory_space<hbm>> -> memref<40x128xf32, #tpu.memory_space<hbm>>
    %dma_wait3A_51 = arith.constant 0 : i32
    %dma_wait3A_52 = arith.constant 0 : i32
    %dma_wait3A_53 = tpu.memref_slice %arg2[%dma_wait3A_51, %dma_wait3A_52] : memref<10000x128xf32, #tpu.memory_space<hbm>> -> memref<40x128xf32, #tpu.memory_space<hbm>>
    tpu.wait_dma2 semaphore(%arg18 : memref<!tpu.dma_semaphore, #tpu.memory_space<semaphore_mem>>) src(%dma_wait3A_53 : memref<40x128xf32, #tpu.memory_space<hbm>>) dst(%arg12 : memref<40x128xf32, #tpu.memory_space<vmem>>)
    %run_scoped3A_54 = arith.constant 248 : i32
    "tpu.region"() ({
      %run_scoped3A_67 = tpu.sem_alloc : memref<!tpu.dma_semaphore, #tpu.memory_space<semaphore_mem>>
      %dma_start3A_68 = arith.constant 0 : i32
      %dma_start3A_69 = tpu.memref_slice %arg8[%run_scoped3A_54, %dma_start3A_68] : memref<250x40xi32, #tpu.memory_space<vmem>> -> memref<1x40xi32, #tpu.memory_space<vmem>>
      %dma_start3A_70 = tpu.memref_squeeze %dma_start3A_69 : memref<1x40xi32, #tpu.memory_space<vmem>> -> memref<40xi32, #tpu.memory_space<vmem>>
      %dma_start3A_71 = arith.constant 0 : i32
      %dma_start3A_72 = arith.constant 0 : i32
      %dma_start3A_73 = tpu.memref_slice %arg14[%dma_start3A_71, %dma_start3A_72] : memref<10240x128xf32, #tpu.memory_space<vmem_shared>> -> memref<10240x128xf32, #tpu.memory_space<vmem_shared>>
      tpu.enqueue_indirect_dma source(%arg12 : memref<40x128xf32, #tpu.memory_space<vmem>>) target(%dma_start3A_73 : memref<10240x128xf32, #tpu.memory_space<vmem_shared>>) offsets(%dma_start3A_70 : memref<40xi32, #tpu.memory_space<vmem>>) semaphore(%run_scoped3A_67 : memref<!tpu.dma_semaphore, #tpu.memory_space<semaphore_mem>>) {add = true}
      %dma_wait3A_74 = arith.constant 0 : i32
      %dma_wait3A_75 = tpu.memref_slice %arg8[%run_scoped3A_54, %dma_wait3A_74] : memref<250x40xi32, #tpu.memory_space<vmem>> -> memref<1x40xi32, #tpu.memory_space<vmem>>
      %dma_wait3A_76 = tpu.memref_squeeze %dma_wait3A_75 : memref<1x40xi32, #tpu.memory_space<vmem>> -> memref<40xi32, #tpu.memory_space<vmem>>
      %dma_wait3A_77 = arith.constant 0 : i32
      %dma_wait3A_78 = arith.constant 0 : i32
      %dma_wait3A_79 = tpu.memref_slice %arg14[%dma_wait3A_77, %dma_wait3A_78] : memref<10240x128xf32, #tpu.memory_space<vmem_shared>> -> memref<10240x128xf32, #tpu.memory_space<vmem_shared>>
      tpu.wait_indirect_dma semaphore(%run_scoped3A_67 : memref<!tpu.dma_semaphore, #tpu.memory_space<semaphore_mem>>) src(%arg12 : memref<40x128xf32, #tpu.memory_space<vmem>>) dst(%dma_wait3A_79 : memref<10240x128xf32, #tpu.memory_space<vmem_shared>>)
      tpu.yield
    }) : () -> ()
    %dma_wait3A_55 = arith.constant 0 : i32
    %dma_wait3A_56 = arith.constant 0 : i32
    %dma_wait3A_57 = tpu.memref_slice %arg2[%dma_wait3A_55, %dma_wait3A_56] : memref<10000x128xf32, #tpu.memory_space<hbm>> -> memref<40x128xf32, #tpu.memory_space<hbm>>
    %dma_wait3A_58 = arith.constant 0 : i32
    %dma_wait3A_59 = arith.constant 0 : i32
    %dma_wait3A_60 = tpu.memref_slice %arg2[%dma_wait3A_58, %dma_wait3A_59] : memref<10000x128xf32, #tpu.memory_space<hbm>> -> memref<40x128xf32, #tpu.memory_space<hbm>>
    tpu.wait_dma2 semaphore(%arg19 : memref<!tpu.dma_semaphore, #tpu.memory_space<semaphore_mem>>) src(%dma_wait3A_60 : memref<40x128xf32, #tpu.memory_space<hbm>>) dst(%arg13 : memref<40x128xf32, #tpu.memory_space<vmem>>)
    %run_scoped3A_61 = arith.constant 249 : i32
    "tpu.region"() ({
      %run_scoped3A_67 = tpu.sem_alloc : memref<!tpu.dma_semaphore, #tpu.memory_space<semaphore_mem>>
      %dma_start3A_68 = arith.constant 0 : i32
      %dma_start3A_69 = tpu.memref_slice %arg8[%run_scoped3A_61, %dma_start3A_68] : memref<250x40xi32, #tpu.memory_space<vmem>> -> memref<1x40xi32, #tpu.memory_space<vmem>>
      %dma_start3A_70 = tpu.memref_squeeze %dma_start3A_69 : memref<1x40xi32, #tpu.memory_space<vmem>> -> memref<40xi32, #tpu.memory_space<vmem>>
      %dma_start3A_71 = arith.constant 0 : i32
      %dma_start3A_72 = arith.constant 0 : i32
      %dma_start3A_73 = tpu.memref_slice %arg14[%dma_start3A_71, %dma_start3A_72] : memref<10240x128xf32, #tpu.memory_space<vmem_shared>> -> memref<10240x128xf32, #tpu.memory_space<vmem_shared>>
      tpu.enqueue_indirect_dma source(%arg13 : memref<40x128xf32, #tpu.memory_space<vmem>>) target(%dma_start3A_73 : memref<10240x128xf32, #tpu.memory_space<vmem_shared>>) offsets(%dma_start3A_70 : memref<40xi32, #tpu.memory_space<vmem>>) semaphore(%run_scoped3A_67 : memref<!tpu.dma_semaphore, #tpu.memory_space<semaphore_mem>>) {add = true}
      %dma_wait3A_74 = arith.constant 0 : i32
      %dma_wait3A_75 = tpu.memref_slice %arg8[%run_scoped3A_61, %dma_wait3A_74] : memref<250x40xi32, #tpu.memory_space<vmem>> -> memref<1x40xi32, #tpu.memory_space<vmem>>
      %dma_wait3A_76 = tpu.memref_squeeze %dma_wait3A_75 : memref<1x40xi32, #tpu.memory_space<vmem>> -> memref<40xi32, #tpu.memory_space<vmem>>
      %dma_wait3A_77 = arith.constant 0 : i32
      %dma_wait3A_78 = arith.constant 0 : i32
      %dma_wait3A_79 = tpu.memref_slice %arg14[%dma_wait3A_77, %dma_wait3A_78] : memref<10240x128xf32, #tpu.memory_space<vmem_shared>> -> memref<10240x128xf32, #tpu.memory_space<vmem_shared>>
      tpu.wait_indirect_dma semaphore(%run_scoped3A_67 : memref<!tpu.dma_semaphore, #tpu.memory_space<semaphore_mem>>) src(%arg13 : memref<40x128xf32, #tpu.memory_space<vmem>>) dst(%dma_wait3A_79 : memref<10240x128xf32, #tpu.memory_space<vmem_shared>>)
      tpu.yield
    }) : () -> ()
    %barrier3A_62 = arith.constant 0 : index
    tpu.barrier barrier_id(%barrier3A_62)
    %mul3A_63 = arith.constant 640 : i32
    %mul3A_64 = arith.muli %arg1, %mul3A_63 : i32
    %mul3A_65 = arith.constant 640 : i32
    %mul3A_66 = arith.muli %arg1, %mul3A_65 : i32
    "tpu.region"() ({
      %run_scoped3A_67 = tpu.sem_alloc : memref<!tpu.dma_semaphore, #tpu.memory_space<semaphore_mem>>
      %dma_start3A_68 = arith.constant 0 : i32
      %dma_start3A_69 = arith.constant 0 : i32
      %dma_start3A_70 = tpu.memref_slice %arg6[%arg0, %dma_start3A_68, %dma_start3A_69] : memref<2x10240x128xf32, #tpu.memory_space<hbm>> -> memref<1x10240x128xf32, #tpu.memory_space<hbm>>
      %dma_start3A_71 = tpu.memref_squeeze %dma_start3A_70 : memref<1x10240x128xf32, #tpu.memory_space<hbm>> -> memref<10240x128xf32, #tpu.memory_space<hbm>>
      %dma_start3A_72 = arith.constant 0 : i32
      %dma_start3A_73 = tpu.memref_slice %dma_start3A_71[%mul3A_66, %dma_start3A_72] : memref<10240x128xf32, #tpu.memory_space<hbm>> -> memref<640x128xf32, #tpu.memory_space<hbm>>
      %dma_start3A_74 = arith.constant 0 : i32
      %dma_start3A_75 = tpu.memref_slice %arg14[%mul3A_64, %dma_start3A_74] : memref<10240x128xf32, #tpu.memory_space<vmem_shared>> -> memref<640x128xf32, #tpu.memory_space<vmem_shared>>
      tpu.enqueue_dma source(%dma_start3A_75 : memref<640x128xf32, #tpu.memory_space<vmem_shared>>) target(%dma_start3A_73 : memref<640x128xf32, #tpu.memory_space<hbm>>) target_semaphore(%run_scoped3A_67 : memref<!tpu.dma_semaphore, #tpu.memory_space<semaphore_mem>>)
      %dma_wait3A_76 = arith.constant 0 : i32
      %dma_wait3A_77 = arith.constant 0 : i32
      %dma_wait3A_78 = tpu.memref_slice %arg6[%arg0, %dma_wait3A_76, %dma_wait3A_77] : memref<2x10240x128xf32, #tpu.memory_space<hbm>> -> memref<1x10240x128xf32, #tpu.memory_space<hbm>>
      %dma_wait3A_79 = tpu.memref_squeeze %dma_wait3A_78 : memref<1x10240x128xf32, #tpu.memory_space<hbm>> -> memref<10240x128xf32, #tpu.memory_space<hbm>>
      %dma_wait3A_80 = arith.constant 0 : i32
      %dma_wait3A_81 = tpu.memref_slice %dma_wait3A_79[%mul3A_66, %dma_wait3A_80] : memref<10240x128xf32, #tpu.memory_space<hbm>> -> memref<640x128xf32, #tpu.memory_space<hbm>>
      %dma_wait3A_82 = arith.constant 0 : i32
      %dma_wait3A_83 = tpu.memref_slice %arg14[%mul3A_64, %dma_wait3A_82] : memref<10240x128xf32, #tpu.memory_space<vmem_shared>> -> memref<640x128xf32, #tpu.memory_space<vmem_shared>>
      tpu.wait_dma2 semaphore(%run_scoped3A_67 : memref<!tpu.dma_semaphore, #tpu.memory_space<semaphore_mem>>) src(%dma_wait3A_83 : memref<640x128xf32, #tpu.memory_space<vmem_shared>>) dst(%dma_wait3A_81 : memref<640x128xf32, #tpu.memory_space<hbm>>)
      tpu.yield
    }) : () -> ()
    return
  }
}

#map = affine_map<(d0, d1) -> (0, 0)>
#map1 = affine_map<(d0, d1) -> (0, 0, 0)>
#map2 = affine_map<(d0, d1) -> (0, 0, 0, 0)>
module attributes {stable_mosaic.version = 14 : i64} {
  func.func @agg_kernel(%arg0: i32, %arg1: i32, %arg2: memref<10000x128xf32, #tpu.memory_space<hbm>>, %arg3: memref<2x16x10000xi32, #tpu.memory_space<hbm>>, %arg4: memref<2x16x250x40xi32, #tpu.memory_space<hbm>>, %arg5: memref<640x128xf32, #tpu.memory_space<hbm>>, %arg6: memref<2x10240x128xf32, #tpu.memory_space<hbm>>, %arg7: memref<10000xi32, #tpu.memory_space<vmem>>, %arg8: memref<250x40xi32, #tpu.memory_space<vmem>>, %arg9: memref<40x128xf32, #tpu.memory_space<vmem>>, %arg10: memref<40x128xf32, #tpu.memory_space<vmem>>, %arg11: memref<40x128xf32, #tpu.memory_space<vmem>>, %arg12: memref<40x128xf32, #tpu.memory_space<vmem>>, %arg13: memref<40x128xf32, #tpu.memory_space<vmem>>, %arg14: memref<10240x128xf32, #tpu.memory_space<vmem_shared>>, %arg15: memref<!tpu.dma_semaphore, #tpu.memory_space<semaphore_mem>>, %arg16: memref<!tpu.dma_semaphore, #tpu.memory_space<semaphore_mem>>, %arg17: memref<!tpu.dma_semaphore, #tpu.memory_space<semaphore_mem>>, %arg18: memref<!tpu.dma_semaphore, #tpu.memory_space<semaphore_mem>>, %arg19: memref<!tpu.dma_semaphore, #tpu.memory_space<semaphore_mem>>) attributes {dimension_semantics = [#tpu.dimension_semantics<core_parallel>, #tpu.dimension_semantics<subcore_parallel>], iteration_bounds = array<i64: 2, 16>, scalar_prefetch = 0 : i64, scratch_operands = 13 : i64, tpu.core_type = #tpu.core_type<sc_vector_subcore>, window_params = [{transform_indices = #map}, {transform_indices = #map1}, {transform_indices = #map2}, {transform_indices = #map}, {transform_indices = #map1}]} {
    "tpu.region"() ({
      %run_scoped3A_67 = tpu.sem_alloc : memref<!tpu.dma_semaphore, #tpu.memory_space<semaphore_mem>>
      %dma_start3A_68 = arith.constant 0 : i32
      %dma_start3A_69 = arith.constant 0 : i32
      %dma_start3A_70 = tpu.memref_slice %arg3[%arg0, %dma_start3A_68, %dma_start3A_69] : memref<2x16x10000xi32, #tpu.memory_space<hbm>> -> memref<1x16x10000xi32, #tpu.memory_space<hbm>>
      %dma_start3A_71 = tpu.memref_squeeze %dma_start3A_70 : memref<1x16x10000xi32, #tpu.memory_space<hbm>> -> memref<16x10000xi32, #tpu.memory_space<hbm>>
      %dma_start3A_72 = arith.constant 0 : i32
      %dma_start3A_73 = tpu.memref_slice %dma_start3A_71[%arg1, %dma_start3A_72] : memref<16x10000xi32, #tpu.memory_space<hbm>> -> memref<1x10000xi32, #tpu.memory_space<hbm>>
      %dma_start3A_74 = tpu.memref_squeeze %dma_start3A_73 : memref<1x10000xi32, #tpu.memory_space<hbm>> -> memref<10000xi32, #tpu.memory_space<hbm>>
      %dma_start3A_75 = arith.constant 0 : i32
      %dma_start3A_76 = arith.constant 0 : i32
      %dma_start3A_77 = tpu.memref_slice %arg3[%arg0, %dma_start3A_75, %dma_start3A_76] : memref<2x16x10000xi32, #tpu.memory_space<hbm>> -> memref<1x16x10000xi32, #tpu.memory_space<hbm>>
      %dma_start3A_78 = tpu.memref_squeeze %dma_start3A_77 : memref<1x16x10000xi32, #tpu.memory_space<hbm>> -> memref<16x10000xi32, #tpu.memory_space<hbm>>
      %dma_start3A_79 = arith.constant 0 : i32
      %dma_start3A_80 = tpu.memref_slice %dma_start3A_78[%arg1, %dma_start3A_79] : memref<16x10000xi32, #tpu.memory_space<hbm>> -> memref<1x10000xi32, #tpu.memory_space<hbm>>
      %dma_start3A_81 = tpu.memref_squeeze %dma_start3A_80 : memref<1x10000xi32, #tpu.memory_space<hbm>> -> memref<10000xi32, #tpu.memory_space<hbm>>
      tpu.enqueue_dma source(%dma_start3A_81 : memref<10000xi32, #tpu.memory_space<hbm>>) target(%arg7 : memref<10000xi32, #tpu.memory_space<vmem>>) target_semaphore(%run_scoped3A_67 : memref<!tpu.dma_semaphore, #tpu.memory_space<semaphore_mem>>)
      %dma_wait3A_82 = arith.constant 0 : i32
      %dma_wait3A_83 = arith.constant 0 : i32
      %dma_wait3A_84 = tpu.memref_slice %arg3[%arg0, %dma_wait3A_82, %dma_wait3A_83] : memref<2x16x10000xi32, #tpu.memory_space<hbm>> -> memref<1x16x10000xi32, #tpu.memory_space<hbm>>
      %dma_wait3A_85 = tpu.memref_squeeze %dma_wait3A_84 : memref<1x16x10000xi32, #tpu.memory_space<hbm>> -> memref<16x10000xi32, #tpu.memory_space<hbm>>
      %dma_wait3A_86 = arith.constant 0 : i32
      %dma_wait3A_87 = tpu.memref_slice %dma_wait3A_85[%arg1, %dma_wait3A_86] : memref<16x10000xi32, #tpu.memory_space<hbm>> -> memref<1x10000xi32, #tpu.memory_space<hbm>>
      %dma_wait3A_88 = tpu.memref_squeeze %dma_wait3A_87 : memref<1x10000xi32, #tpu.memory_space<hbm>> -> memref<10000xi32, #tpu.memory_space<hbm>>
      %dma_wait3A_89 = arith.constant 0 : i32
      %dma_wait3A_90 = arith.constant 0 : i32
      %dma_wait3A_91 = tpu.memref_slice %arg3[%arg0, %dma_wait3A_89, %dma_wait3A_90] : memref<2x16x10000xi32, #tpu.memory_space<hbm>> -> memref<1x16x10000xi32, #tpu.memory_space<hbm>>
      %dma_wait3A_92 = tpu.memref_squeeze %dma_wait3A_91 : memref<1x16x10000xi32, #tpu.memory_space<hbm>> -> memref<16x10000xi32, #tpu.memory_space<hbm>>
      %dma_wait3A_93 = arith.constant 0 : i32
      %dma_wait3A_94 = tpu.memref_slice %dma_wait3A_92[%arg1, %dma_wait3A_93] : memref<16x10000xi32, #tpu.memory_space<hbm>> -> memref<1x10000xi32, #tpu.memory_space<hbm>>
      %dma_wait3A_95 = tpu.memref_squeeze %dma_wait3A_94 : memref<1x10000xi32, #tpu.memory_space<hbm>> -> memref<10000xi32, #tpu.memory_space<hbm>>
      tpu.wait_dma2 semaphore(%run_scoped3A_67 : memref<!tpu.dma_semaphore, #tpu.memory_space<semaphore_mem>>) src(%dma_wait3A_95 : memref<10000xi32, #tpu.memory_space<hbm>>) dst(%arg7 : memref<10000xi32, #tpu.memory_space<vmem>>)
      tpu.yield
    }) : () -> ()
    "tpu.region"() ({
      %run_scoped3A_67 = tpu.sem_alloc : memref<!tpu.dma_semaphore, #tpu.memory_space<semaphore_mem>>
      %dma_start3A_68 = arith.constant 0 : i32
      %dma_start3A_69 = arith.constant 0 : i32
      %dma_start3A_70 = arith.constant 0 : i32
      %dma_start3A_71 = tpu.memref_slice %arg4[%arg0, %dma_start3A_68, %dma_start3A_69, %dma_start3A_70] : memref<2x16x250x40xi32, #tpu.memory_space<hbm>> -> memref<1x16x250x40xi32, #tpu.memory_space<hbm>>
      %dma_start3A_72 = tpu.memref_squeeze %dma_start3A_71 : memref<1x16x250x40xi32, #tpu.memory_space<hbm>> -> memref<16x250x40xi32, #tpu.memory_space<hbm>>
      %dma_start3A_73 = arith.constant 0 : i32
      %dma_start3A_74 = arith.constant 0 : i32
      %dma_start3A_75 = tpu.memref_slice %dma_start3A_72[%arg1, %dma_start3A_73, %dma_start3A_74] : memref<16x250x40xi32, #tpu.memory_space<hbm>> -> memref<1x250x40xi32, #tpu.memory_space<hbm>>
      %dma_start3A_76 = tpu.memref_squeeze %dma_start3A_75 : memref<1x250x40xi32, #tpu.memory_space<hbm>> -> memref<250x40xi32, #tpu.memory_space<hbm>>
      %dma_start3A_77 = arith.constant 0 : i32
      %dma_start3A_78 = arith.constant 0 : i32
      %dma_start3A_79 = arith.constant 0 : i32
      %dma_start3A_80 = tpu.memref_slice %arg4[%arg0, %dma_start3A_77, %dma_start3A_78, %dma_start3A_79] : memref<2x16x250x40xi32, #tpu.memory_space<hbm>> -> memref<1x16x250x40xi32, #tpu.memory_space<hbm>>
      %dma_start3A_81 = tpu.memref_squeeze %dma_start3A_80 : memref<1x16x250x40xi32, #tpu.memory_space<hbm>> -> memref<16x250x40xi32, #tpu.memory_space<hbm>>
      %dma_start3A_82 = arith.constant 0 : i32
      %dma_start3A_83 = arith.constant 0 : i32
      %dma_start3A_84 = tpu.memref_slice %dma_start3A_81[%arg1, %dma_start3A_82, %dma_start3A_83] : memref<16x250x40xi32, #tpu.memory_space<hbm>> -> memref<1x250x40xi32, #tpu.memory_space<hbm>>
      %dma_start3A_85 = tpu.memref_squeeze %dma_start3A_84 : memref<1x250x40xi32, #tpu.memory_space<hbm>> -> memref<250x40xi32, #tpu.memory_space<hbm>>
      tpu.enqueue_dma source(%dma_start3A_85 : memref<250x40xi32, #tpu.memory_space<hbm>>) target(%arg8 : memref<250x40xi32, #tpu.memory_space<vmem>>) target_semaphore(%run_scoped3A_67 : memref<!tpu.dma_semaphore, #tpu.memory_space<semaphore_mem>>)
      %dma_wait3A_86 = arith.constant 0 : i32
      %dma_wait3A_87 = arith.constant 0 : i32
      %dma_wait3A_88 = arith.constant 0 : i32
      %dma_wait3A_89 = tpu.memref_slice %arg4[%arg0, %dma_wait3A_86, %dma_wait3A_87, %dma_wait3A_88] : memref<2x16x250x40xi32, #tpu.memory_space<hbm>> -> memref<1x16x250x40xi32, #tpu.memory_space<hbm>>
      %dma_wait3A_90 = tpu.memref_squeeze %dma_wait3A_89 : memref<1x16x250x40xi32, #tpu.memory_space<hbm>> -> memref<16x250x40xi32, #tpu.memory_space<hbm>>
      %dma_wait3A_91 = arith.constant 0 : i32
      %dma_wait3A_92 = arith.constant 0 : i32
      %dma_wait3A_93 = tpu.memref_slice %dma_wait3A_90[%arg1, %dma_wait3A_91, %dma_wait3A_92] : memref<16x250x40xi32, #tpu.memory_space<hbm>> -> memref<1x250x40xi32, #tpu.memory_space<hbm>>
      %dma_wait3A_94 = tpu.memref_squeeze %dma_wait3A_93 : memref<1x250x40xi32, #tpu.memory_space<hbm>> -> memref<250x40xi32, #tpu.memory_space<hbm>>
      %dma_wait3A_95 = arith.constant 0 : i32
      %dma_wait3A_96 = arith.constant 0 : i32
      %dma_wait3A_97 = arith.constant 0 : i32
      %dma_wait3A_98 = tpu.memref_slice %arg4[%arg0, %dma_wait3A_95, %dma_wait3A_96, %dma_wait3A_97] : memref<2x16x250x40xi32, #tpu.memory_space<hbm>> -> memref<1x16x250x40xi32, #tpu.memory_space<hbm>>
      %dma_wait3A_99 = tpu.memref_squeeze %dma_wait3A_98 : memref<1x16x250x40xi32, #tpu.memory_space<hbm>> -> memref<16x250x40xi32, #tpu.memory_space<hbm>>
      %dma_wait3A_100 = arith.constant 0 : i32
      %dma_wait3A_101 = arith.constant 0 : i32
      %dma_wait3A_102 = tpu.memref_slice %dma_wait3A_99[%arg1, %dma_wait3A_100, %dma_wait3A_101] : memref<16x250x40xi32, #tpu.memory_space<hbm>> -> memref<1x250x40xi32, #tpu.memory_space<hbm>>
      %dma_wait3A_103 = tpu.memref_squeeze %dma_wait3A_102 : memref<1x250x40xi32, #tpu.memory_space<hbm>> -> memref<250x40xi32, #tpu.memory_space<hbm>>
      tpu.wait_dma2 semaphore(%run_scoped3A_67 : memref<!tpu.dma_semaphore, #tpu.memory_space<semaphore_mem>>) src(%dma_wait3A_103 : memref<250x40xi32, #tpu.memory_space<hbm>>) dst(%arg8 : memref<250x40xi32, #tpu.memory_space<vmem>>)
      tpu.yield
    }) : () -> ()
    %dma_start3A = arith.constant 0 : i32
    %dma_start3A_0 = tpu.memref_slice %arg7[%dma_start3A] : memref<10000xi32, #tpu.memory_space<vmem>> -> memref<40xi32, #tpu.memory_space<vmem>>
    %dma_start3A_1 = arith.constant 0 : i32
    %dma_start3A_2 = arith.constant 0 : i32
    %dma_start3A_3 = tpu.memref_slice %arg2[%dma_start3A_1, %dma_start3A_2] : memref<10000x128xf32, #tpu.memory_space<hbm>> -> memref<10000x128xf32, #tpu.memory_space<hbm>>
    tpu.enqueue_indirect_dma source(%dma_start3A_3 : memref<10000x128xf32, #tpu.memory_space<hbm>>) target(%arg9 : memref<40x128xf32, #tpu.memory_space<vmem>>) offsets(%dma_start3A_0 : memref<40xi32, #tpu.memory_space<vmem>>) semaphore(%arg15 : memref<!tpu.dma_semaphore, #tpu.memory_space<semaphore_mem>>)
    %dma_start3A_4 = arith.constant 40 : i32
    %dma_start3A_5 = tpu.memref_slice %arg7[%dma_start3A_4] : memref<10000xi32, #tpu.memory_space<vmem>> -> memref<40xi32, #tpu.memory_space<vmem>>
    %dma_start3A_6 = arith.constant 0 : i32
    %dma_start3A_7 = arith.constant 0 : i32
    %dma_start3A_8 = tpu.memref_slice %arg2[%dma_start3A_6, %dma_start3A_7] : memref<10000x128xf32, #tpu.memory_space<hbm>> -> memref<10000x128xf32, #tpu.memory_space<hbm>>
    tpu.enqueue_indirect_dma source(%dma_start3A_8 : memref<10000x128xf32, #tpu.memory_space<hbm>>) target(%arg10 : memref<40x128xf32, #tpu.memory_space<vmem>>) offsets(%dma_start3A_5 : memref<40xi32, #tpu.memory_space<vmem>>) semaphore(%arg16 : memref<!tpu.dma_semaphore, #tpu.memory_space<semaphore_mem>>)
    %dma_start3A_9 = arith.constant 80 : i32
    %dma_start3A_10 = tpu.memref_slice %arg7[%dma_start3A_9] : memref<10000xi32, #tpu.memory_space<vmem>> -> memref<40xi32, #tpu.memory_space<vmem>>
    %dma_start3A_11 = arith.constant 0 : i32
    %dma_start3A_12 = arith.constant 0 : i32
    %dma_start3A_13 = tpu.memref_slice %arg2[%dma_start3A_11, %dma_start3A_12] : memref<10000x128xf32, #tpu.memory_space<hbm>> -> memref<10000x128xf32, #tpu.memory_space<hbm>>
    tpu.enqueue_indirect_dma source(%dma_start3A_13 : memref<10000x128xf32, #tpu.memory_space<hbm>>) target(%arg11 : memref<40x128xf32, #tpu.memory_space<vmem>>) offsets(%dma_start3A_10 : memref<40xi32, #tpu.memory_space<vmem>>) semaphore(%arg17 : memref<!tpu.dma_semaphore, #tpu.memory_space<semaphore_mem>>)
    %dma_start3A_14 = arith.constant 120 : i32
    %dma_start3A_15 = tpu.memref_slice %arg7[%dma_start3A_14] : memref<10000xi32, #tpu.memory_space<vmem>> -> memref<40xi32, #tpu.memory_space<vmem>>
    %dma_start3A_16 = arith.constant 0 : i32
    %dma_start3A_17 = arith.constant 0 : i32
    %dma_start3A_18 = tpu.memref_slice %arg2[%dma_start3A_16, %dma_start3A_17] : memref<10000x128xf32, #tpu.memory_space<hbm>> -> memref<10000x128xf32, #tpu.memory_space<hbm>>
    tpu.enqueue_indirect_dma source(%dma_start3A_18 : memref<10000x128xf32, #tpu.memory_space<hbm>>) target(%arg12 : memref<40x128xf32, #tpu.memory_space<vmem>>) offsets(%dma_start3A_15 : memref<40xi32, #tpu.memory_space<vmem>>) semaphore(%arg18 : memref<!tpu.dma_semaphore, #tpu.memory_space<semaphore_mem>>)
    %dma_start3A_19 = arith.constant 160 : i32
    %dma_start3A_20 = tpu.memref_slice %arg7[%dma_start3A_19] : memref<10000xi32, #tpu.memory_space<vmem>> -> memref<40xi32, #tpu.memory_space<vmem>>
    %dma_start3A_21 = arith.constant 0 : i32
    %dma_start3A_22 = arith.constant 0 : i32
    %dma_start3A_23 = tpu.memref_slice %arg2[%dma_start3A_21, %dma_start3A_22] : memref<10000x128xf32, #tpu.memory_space<hbm>> -> memref<10000x128xf32, #tpu.memory_space<hbm>>
    tpu.enqueue_indirect_dma source(%dma_start3A_23 : memref<10000x128xf32, #tpu.memory_space<hbm>>) target(%arg13 : memref<40x128xf32, #tpu.memory_space<vmem>>) offsets(%dma_start3A_20 : memref<40xi32, #tpu.memory_space<vmem>>) semaphore(%arg19 : memref<!tpu.dma_semaphore, #tpu.memory_space<semaphore_mem>>)
    %mul3A = arith.constant 640 : i32
    %mul3A_24 = arith.muli %arg1, %mul3A : i32
    "tpu.region"() ({
      %run_scoped3A_67 = tpu.sem_alloc : memref<!tpu.dma_semaphore, #tpu.memory_space<semaphore_mem>>
      %dma_start3A_68 = arith.constant 0 : i32
      %dma_start3A_69 = tpu.memref_slice %arg14[%mul3A_24, %dma_start3A_68] : memref<10240x128xf32, #tpu.memory_space<vmem_shared>> -> memref<640x128xf32, #tpu.memory_space<vmem_shared>>
      tpu.enqueue_dma source(%arg5 : memref<640x128xf32, #tpu.memory_space<hbm>>) target(%dma_start3A_69 : memref<640x128xf32, #tpu.memory_space<vmem_shared>>) target_semaphore(%run_scoped3A_67 : memref<!tpu.dma_semaphore, #tpu.memory_space<semaphore_mem>>)
      %dma_wait3A_70 = arith.constant 0 : i32
      %dma_wait3A_71 = tpu.memref_slice %arg14[%mul3A_24, %dma_wait3A_70] : memref<10240x128xf32, #tpu.memory_space<vmem_shared>> -> memref<640x128xf32, #tpu.memory_space<vmem_shared>>
      tpu.wait_dma2 semaphore(%run_scoped3A_67 : memref<!tpu.dma_semaphore, #tpu.memory_space<semaphore_mem>>) src(%arg5 : memref<640x128xf32, #tpu.memory_space<hbm>>) dst(%dma_wait3A_71 : memref<640x128xf32, #tpu.memory_space<vmem_shared>>)
      tpu.yield
    }) : () -> ()
    %barrier3A = arith.constant 0 : index
    tpu.barrier barrier_id(%barrier3A)
    %scan3A = arith.constant 0 : i32
    %scan3A_25 = arith.constant 49 : i32
    %scan3A_26 = arith.addi %scan3A, %scan3A_25 : i32
    %scan3A_27 = arith.constant 1 : i32
    scf.for %scan3A_67 = %scan3A to %scan3A_26 step %scan3A_27  : i32 {
      %mul3A_68 = arith.constant 5 : i32
      %mul3A_69 = arith.muli %scan3A_67, %mul3A_68 : i32
      %add3A = arith.constant 0 : i32
      %add3A_70 = arith.addi %add3A, %mul3A_69 : i32
      %dma_wait3A_71 = arith.constant 0 : i32
      %dma_wait3A_72 = arith.constant 0 : i32
      %dma_wait3A_73 = tpu.memref_slice %arg2[%dma_wait3A_71, %dma_wait3A_72] : memref<10000x128xf32, #tpu.memory_space<hbm>> -> memref<40x128xf32, #tpu.memory_space<hbm>>
      %dma_wait3A_74 = arith.constant 0 : i32
      %dma_wait3A_75 = arith.constant 0 : i32
      %dma_wait3A_76 = tpu.memref_slice %arg2[%dma_wait3A_74, %dma_wait3A_75] : memref<10000x128xf32, #tpu.memory_space<hbm>> -> memref<40x128xf32, #tpu.memory_space<hbm>>
      tpu.wait_dma2 semaphore(%arg15 : memref<!tpu.dma_semaphore, #tpu.memory_space<semaphore_mem>>) src(%dma_wait3A_76 : memref<40x128xf32, #tpu.memory_space<hbm>>) dst(%arg9 : memref<40x128xf32, #tpu.memory_space<vmem>>)
      %add3A_77 = arith.constant 0 : i32
      %add3A_78 = arith.addi %add3A_70, %add3A_77 : i32
      "tpu.region"() ({
        %run_scoped3A_161 = tpu.sem_alloc : memref<!tpu.dma_semaphore, #tpu.memory_space<semaphore_mem>>
        %dma_start3A_162 = arith.constant 0 : i32
        %dma_start3A_163 = tpu.memref_slice %arg8[%add3A_78, %dma_start3A_162] : memref<250x40xi32, #tpu.memory_space<vmem>> -> memref<1x40xi32, #tpu.memory_space<vmem>>
        %dma_start3A_164 = tpu.memref_squeeze %dma_start3A_163 : memref<1x40xi32, #tpu.memory_space<vmem>> -> memref<40xi32, #tpu.memory_space<vmem>>
        %dma_start3A_165 = arith.constant 0 : i32
        %dma_start3A_166 = arith.constant 0 : i32
        %dma_start3A_167 = tpu.memref_slice %arg14[%dma_start3A_165, %dma_start3A_166] : memref<10240x128xf32, #tpu.memory_space<vmem_shared>> -> memref<10240x128xf32, #tpu.memory_space<vmem_shared>>
        tpu.enqueue_indirect_dma source(%arg9 : memref<40x128xf32, #tpu.memory_space<vmem>>) target(%dma_start3A_167 : memref<10240x128xf32, #tpu.memory_space<vmem_shared>>) offsets(%dma_start3A_164 : memref<40xi32, #tpu.memory_space<vmem>>) semaphore(%run_scoped3A_161 : memref<!tpu.dma_semaphore, #tpu.memory_space<semaphore_mem>>) {add = true}
        %dma_wait3A_168 = arith.constant 0 : i32
        %dma_wait3A_169 = tpu.memref_slice %arg8[%add3A_78, %dma_wait3A_168] : memref<250x40xi32, #tpu.memory_space<vmem>> -> memref<1x40xi32, #tpu.memory_space<vmem>>
        %dma_wait3A_170 = tpu.memref_squeeze %dma_wait3A_169 : memref<1x40xi32, #tpu.memory_space<vmem>> -> memref<40xi32, #tpu.memory_space<vmem>>
        %dma_wait3A_171 = arith.constant 0 : i32
        %dma_wait3A_172 = arith.constant 0 : i32
        %dma_wait3A_173 = tpu.memref_slice %arg14[%dma_wait3A_171, %dma_wait3A_172] : memref<10240x128xf32, #tpu.memory_space<vmem_shared>> -> memref<10240x128xf32, #tpu.memory_space<vmem_shared>>
        tpu.wait_indirect_dma semaphore(%run_scoped3A_161 : memref<!tpu.dma_semaphore, #tpu.memory_space<semaphore_mem>>) src(%arg9 : memref<40x128xf32, #tpu.memory_space<vmem>>) dst(%dma_wait3A_173 : memref<10240x128xf32, #tpu.memory_space<vmem_shared>>)
        tpu.yield
      }) : () -> ()
      %add3A_79 = arith.constant 5 : i32
      %add3A_80 = arith.addi %add3A_70, %add3A_79 : i32
      %add3A_81 = arith.constant 0 : i32
      %add3A_82 = arith.addi %add3A_80, %add3A_81 : i32
      %mul3A_83 = arith.constant 40 : i32
      %mul3A_84 = arith.muli %add3A_82, %mul3A_83 : i32
      %dma_start3A_85 = tpu.memref_slice %arg7[%mul3A_84] : memref<10000xi32, #tpu.memory_space<vmem>> -> memref<40xi32, #tpu.memory_space<vmem>>
      %dma_start3A_86 = arith.constant 0 : i32
      %dma_start3A_87 = arith.constant 0 : i32
      %dma_start3A_88 = tpu.memref_slice %arg2[%dma_start3A_86, %dma_start3A_87] : memref<10000x128xf32, #tpu.memory_space<hbm>> -> memref<10000x128xf32, #tpu.memory_space<hbm>>
      tpu.enqueue_indirect_dma source(%dma_start3A_88 : memref<10000x128xf32, #tpu.memory_space<hbm>>) target(%arg9 : memref<40x128xf32, #tpu.memory_space<vmem>>) offsets(%dma_start3A_85 : memref<40xi32, #tpu.memory_space<vmem>>) semaphore(%arg15 : memref<!tpu.dma_semaphore, #tpu.memory_space<semaphore_mem>>)
      %dma_wait3A_89 = arith.constant 0 : i32
      %dma_wait3A_90 = arith.constant 0 : i32
      %dma_wait3A_91 = tpu.memref_slice %arg2[%dma_wait3A_89, %dma_wait3A_90] : memref<10000x128xf32, #tpu.memory_space<hbm>> -> memref<40x128xf32, #tpu.memory_space<hbm>>
      %dma_wait3A_92 = arith.constant 0 : i32
      %dma_wait3A_93 = arith.constant 0 : i32
      %dma_wait3A_94 = tpu.memref_slice %arg2[%dma_wait3A_92, %dma_wait3A_93] : memref<10000x128xf32, #tpu.memory_space<hbm>> -> memref<40x128xf32, #tpu.memory_space<hbm>>
      tpu.wait_dma2 semaphore(%arg16 : memref<!tpu.dma_semaphore, #tpu.memory_space<semaphore_mem>>) src(%dma_wait3A_94 : memref<40x128xf32, #tpu.memory_space<hbm>>) dst(%arg10 : memref<40x128xf32, #tpu.memory_space<vmem>>)
      %add3A_95 = arith.constant 1 : i32
      %add3A_96 = arith.addi %add3A_70, %add3A_95 : i32
      "tpu.region"() ({
        %run_scoped3A_161 = tpu.sem_alloc : memref<!tpu.dma_semaphore, #tpu.memory_space<semaphore_mem>>
        %dma_start3A_162 = arith.constant 0 : i32
        %dma_start3A_163 = tpu.memref_slice %arg8[%add3A_96, %dma_start3A_162] : memref<250x40xi32, #tpu.memory_space<vmem>> -> memref<1x40xi32, #tpu.memory_space<vmem>>
        %dma_start3A_164 = tpu.memref_squeeze %dma_start3A_163 : memref<1x40xi32, #tpu.memory_space<vmem>> -> memref<40xi32, #tpu.memory_space<vmem>>
        %dma_start3A_165 = arith.constant 0 : i32
        %dma_start3A_166 = arith.constant 0 : i32
        %dma_start3A_167 = tpu.memref_slice %arg14[%dma_start3A_165, %dma_start3A_166] : memref<10240x128xf32, #tpu.memory_space<vmem_shared>> -> memref<10240x128xf32, #tpu.memory_space<vmem_shared>>
        tpu.enqueue_indirect_dma source(%arg10 : memref<40x128xf32, #tpu.memory_space<vmem>>) target(%dma_start3A_167 : memref<10240x128xf32, #tpu.memory_space<vmem_shared>>) offsets(%dma_start3A_164 : memref<40xi32, #tpu.memory_space<vmem>>) semaphore(%run_scoped3A_161 : memref<!tpu.dma_semaphore, #tpu.memory_space<semaphore_mem>>) {add = true}
        %dma_wait3A_168 = arith.constant 0 : i32
        %dma_wait3A_169 = tpu.memref_slice %arg8[%add3A_96, %dma_wait3A_168] : memref<250x40xi32, #tpu.memory_space<vmem>> -> memref<1x40xi32, #tpu.memory_space<vmem>>
        %dma_wait3A_170 = tpu.memref_squeeze %dma_wait3A_169 : memref<1x40xi32, #tpu.memory_space<vmem>> -> memref<40xi32, #tpu.memory_space<vmem>>
        %dma_wait3A_171 = arith.constant 0 : i32
        %dma_wait3A_172 = arith.constant 0 : i32
        %dma_wait3A_173 = tpu.memref_slice %arg14[%dma_wait3A_171, %dma_wait3A_172] : memref<10240x128xf32, #tpu.memory_space<vmem_shared>> -> memref<10240x128xf32, #tpu.memory_space<vmem_shared>>
        tpu.wait_indirect_dma semaphore(%run_scoped3A_161 : memref<!tpu.dma_semaphore, #tpu.memory_space<semaphore_mem>>) src(%arg10 : memref<40x128xf32, #tpu.memory_space<vmem>>) dst(%dma_wait3A_173 : memref<10240x128xf32, #tpu.memory_space<vmem_shared>>)
        tpu.yield
      }) : () -> ()
      %add3A_97 = arith.constant 5 : i32
      %add3A_98 = arith.addi %add3A_70, %add3A_97 : i32
      %add3A_99 = arith.constant 1 : i32
      %add3A_100 = arith.addi %add3A_98, %add3A_99 : i32
      %mul3A_101 = arith.constant 40 : i32
      %mul3A_102 = arith.muli %add3A_100, %mul3A_101 : i32
      %dma_start3A_103 = tpu.memref_slice %arg7[%mul3A_102] : memref<10000xi32, #tpu.memory_space<vmem>> -> memref<40xi32, #tpu.memory_space<vmem>>
      %dma_start3A_104 = arith.constant 0 : i32
      %dma_start3A_105 = arith.constant 0 : i32
      %dma_start3A_106 = tpu.memref_slice %arg2[%dma_start3A_104, %dma_start3A_105] : memref<10000x128xf32, #tpu.memory_space<hbm>> -> memref<10000x128xf32, #tpu.memory_space<hbm>>
      tpu.enqueue_indirect_dma source(%dma_start3A_106 : memref<10000x128xf32, #tpu.memory_space<hbm>>) target(%arg10 : memref<40x128xf32, #tpu.memory_space<vmem>>) offsets(%dma_start3A_103 : memref<40xi32, #tpu.memory_space<vmem>>) semaphore(%arg16 : memref<!tpu.dma_semaphore, #tpu.memory_space<semaphore_mem>>)
      %dma_wait3A_107 = arith.constant 0 : i32
      %dma_wait3A_108 = arith.constant 0 : i32
      %dma_wait3A_109 = tpu.memref_slice %arg2[%dma_wait3A_107, %dma_wait3A_108] : memref<10000x128xf32, #tpu.memory_space<hbm>> -> memref<40x128xf32, #tpu.memory_space<hbm>>
      %dma_wait3A_110 = arith.constant 0 : i32
      %dma_wait3A_111 = arith.constant 0 : i32
      %dma_wait3A_112 = tpu.memref_slice %arg2[%dma_wait3A_110, %dma_wait3A_111] : memref<10000x128xf32, #tpu.memory_space<hbm>> -> memref<40x128xf32, #tpu.memory_space<hbm>>
      tpu.wait_dma2 semaphore(%arg17 : memref<!tpu.dma_semaphore, #tpu.memory_space<semaphore_mem>>) src(%dma_wait3A_112 : memref<40x128xf32, #tpu.memory_space<hbm>>) dst(%arg11 : memref<40x128xf32, #tpu.memory_space<vmem>>)
      %add3A_113 = arith.constant 2 : i32
      %add3A_114 = arith.addi %add3A_70, %add3A_113 : i32
      "tpu.region"() ({
        %run_scoped3A_161 = tpu.sem_alloc : memref<!tpu.dma_semaphore, #tpu.memory_space<semaphore_mem>>
        %dma_start3A_162 = arith.constant 0 : i32
        %dma_start3A_163 = tpu.memref_slice %arg8[%add3A_114, %dma_start3A_162] : memref<250x40xi32, #tpu.memory_space<vmem>> -> memref<1x40xi32, #tpu.memory_space<vmem>>
        %dma_start3A_164 = tpu.memref_squeeze %dma_start3A_163 : memref<1x40xi32, #tpu.memory_space<vmem>> -> memref<40xi32, #tpu.memory_space<vmem>>
        %dma_start3A_165 = arith.constant 0 : i32
        %dma_start3A_166 = arith.constant 0 : i32
        %dma_start3A_167 = tpu.memref_slice %arg14[%dma_start3A_165, %dma_start3A_166] : memref<10240x128xf32, #tpu.memory_space<vmem_shared>> -> memref<10240x128xf32, #tpu.memory_space<vmem_shared>>
        tpu.enqueue_indirect_dma source(%arg11 : memref<40x128xf32, #tpu.memory_space<vmem>>) target(%dma_start3A_167 : memref<10240x128xf32, #tpu.memory_space<vmem_shared>>) offsets(%dma_start3A_164 : memref<40xi32, #tpu.memory_space<vmem>>) semaphore(%run_scoped3A_161 : memref<!tpu.dma_semaphore, #tpu.memory_space<semaphore_mem>>) {add = true}
        %dma_wait3A_168 = arith.constant 0 : i32
        %dma_wait3A_169 = tpu.memref_slice %arg8[%add3A_114, %dma_wait3A_168] : memref<250x40xi32, #tpu.memory_space<vmem>> -> memref<1x40xi32, #tpu.memory_space<vmem>>
        %dma_wait3A_170 = tpu.memref_squeeze %dma_wait3A_169 : memref<1x40xi32, #tpu.memory_space<vmem>> -> memref<40xi32, #tpu.memory_space<vmem>>
        %dma_wait3A_171 = arith.constant 0 : i32
        %dma_wait3A_172 = arith.constant 0 : i32
        %dma_wait3A_173 = tpu.memref_slice %arg14[%dma_wait3A_171, %dma_wait3A_172] : memref<10240x128xf32, #tpu.memory_space<vmem_shared>> -> memref<10240x128xf32, #tpu.memory_space<vmem_shared>>
        tpu.wait_indirect_dma semaphore(%run_scoped3A_161 : memref<!tpu.dma_semaphore, #tpu.memory_space<semaphore_mem>>) src(%arg11 : memref<40x128xf32, #tpu.memory_space<vmem>>) dst(%dma_wait3A_173 : memref<10240x128xf32, #tpu.memory_space<vmem_shared>>)
        tpu.yield
      }) : () -> ()
      %add3A_115 = arith.constant 5 : i32
      %add3A_116 = arith.addi %add3A_70, %add3A_115 : i32
      %add3A_117 = arith.constant 2 : i32
      %add3A_118 = arith.addi %add3A_116, %add3A_117 : i32
      %mul3A_119 = arith.constant 40 : i32
      %mul3A_120 = arith.muli %add3A_118, %mul3A_119 : i32
      %dma_start3A_121 = tpu.memref_slice %arg7[%mul3A_120] : memref<10000xi32, #tpu.memory_space<vmem>> -> memref<40xi32, #tpu.memory_space<vmem>>
      %dma_start3A_122 = arith.constant 0 : i32
      %dma_start3A_123 = arith.constant 0 : i32
      %dma_start3A_124 = tpu.memref_slice %arg2[%dma_start3A_122, %dma_start3A_123] : memref<10000x128xf32, #tpu.memory_space<hbm>> -> memref<10000x128xf32, #tpu.memory_space<hbm>>
      tpu.enqueue_indirect_dma source(%dma_start3A_124 : memref<10000x128xf32, #tpu.memory_space<hbm>>) target(%arg11 : memref<40x128xf32, #tpu.memory_space<vmem>>) offsets(%dma_start3A_121 : memref<40xi32, #tpu.memory_space<vmem>>) semaphore(%arg17 : memref<!tpu.dma_semaphore, #tpu.memory_space<semaphore_mem>>)
      %dma_wait3A_125 = arith.constant 0 : i32
      %dma_wait3A_126 = arith.constant 0 : i32
      %dma_wait3A_127 = tpu.memref_slice %arg2[%dma_wait3A_125, %dma_wait3A_126] : memref<10000x128xf32, #tpu.memory_space<hbm>> -> memref<40x128xf32, #tpu.memory_space<hbm>>
      %dma_wait3A_128 = arith.constant 0 : i32
      %dma_wait3A_129 = arith.constant 0 : i32
      %dma_wait3A_130 = tpu.memref_slice %arg2[%dma_wait3A_128, %dma_wait3A_129] : memref<10000x128xf32, #tpu.memory_space<hbm>> -> memref<40x128xf32, #tpu.memory_space<hbm>>
      tpu.wait_dma2 semaphore(%arg18 : memref<!tpu.dma_semaphore, #tpu.memory_space<semaphore_mem>>) src(%dma_wait3A_130 : memref<40x128xf32, #tpu.memory_space<hbm>>) dst(%arg12 : memref<40x128xf32, #tpu.memory_space<vmem>>)
      %add3A_131 = arith.constant 3 : i32
      %add3A_132 = arith.addi %add3A_70, %add3A_131 : i32
      "tpu.region"() ({
        %run_scoped3A_161 = tpu.sem_alloc : memref<!tpu.dma_semaphore, #tpu.memory_space<semaphore_mem>>
        %dma_start3A_162 = arith.constant 0 : i32
        %dma_start3A_163 = tpu.memref_slice %arg8[%add3A_132, %dma_start3A_162] : memref<250x40xi32, #tpu.memory_space<vmem>> -> memref<1x40xi32, #tpu.memory_space<vmem>>
        %dma_start3A_164 = tpu.memref_squeeze %dma_start3A_163 : memref<1x40xi32, #tpu.memory_space<vmem>> -> memref<40xi32, #tpu.memory_space<vmem>>
        %dma_start3A_165 = arith.constant 0 : i32
        %dma_start3A_166 = arith.constant 0 : i32
        %dma_start3A_167 = tpu.memref_slice %arg14[%dma_start3A_165, %dma_start3A_166] : memref<10240x128xf32, #tpu.memory_space<vmem_shared>> -> memref<10240x128xf32, #tpu.memory_space<vmem_shared>>
        tpu.enqueue_indirect_dma source(%arg12 : memref<40x128xf32, #tpu.memory_space<vmem>>) target(%dma_start3A_167 : memref<10240x128xf32, #tpu.memory_space<vmem_shared>>) offsets(%dma_start3A_164 : memref<40xi32, #tpu.memory_space<vmem>>) semaphore(%run_scoped3A_161 : memref<!tpu.dma_semaphore, #tpu.memory_space<semaphore_mem>>) {add = true}
        %dma_wait3A_168 = arith.constant 0 : i32
        %dma_wait3A_169 = tpu.memref_slice %arg8[%add3A_132, %dma_wait3A_168] : memref<250x40xi32, #tpu.memory_space<vmem>> -> memref<1x40xi32, #tpu.memory_space<vmem>>
        %dma_wait3A_170 = tpu.memref_squeeze %dma_wait3A_169 : memref<1x40xi32, #tpu.memory_space<vmem>> -> memref<40xi32, #tpu.memory_space<vmem>>
        %dma_wait3A_171 = arith.constant 0 : i32
        %dma_wait3A_172 = arith.constant 0 : i32
        %dma_wait3A_173 = tpu.memref_slice %arg14[%dma_wait3A_171, %dma_wait3A_172] : memref<10240x128xf32, #tpu.memory_space<vmem_shared>> -> memref<10240x128xf32, #tpu.memory_space<vmem_shared>>
        tpu.wait_indirect_dma semaphore(%run_scoped3A_161 : memref<!tpu.dma_semaphore, #tpu.memory_space<semaphore_mem>>) src(%arg12 : memref<40x128xf32, #tpu.memory_space<vmem>>) dst(%dma_wait3A_173 : memref<10240x128xf32, #tpu.memory_space<vmem_shared>>)
        tpu.yield
      }) : () -> ()
      %add3A_133 = arith.constant 5 : i32
      %add3A_134 = arith.addi %add3A_70, %add3A_133 : i32
      %add3A_135 = arith.constant 3 : i32
      %add3A_136 = arith.addi %add3A_134, %add3A_135 : i32
      %mul3A_137 = arith.constant 40 : i32
      %mul3A_138 = arith.muli %add3A_136, %mul3A_137 : i32
      %dma_start3A_139 = tpu.memref_slice %arg7[%mul3A_138] : memref<10000xi32, #tpu.memory_space<vmem>> -> memref<40xi32, #tpu.memory_space<vmem>>
      %dma_start3A_140 = arith.constant 0 : i32
      %dma_start3A_141 = arith.constant 0 : i32
      %dma_start3A_142 = tpu.memref_slice %arg2[%dma_start3A_140, %dma_start3A_141] : memref<10000x128xf32, #tpu.memory_space<hbm>> -> memref<10000x128xf32, #tpu.memory_space<hbm>>
      tpu.enqueue_indirect_dma source(%dma_start3A_142 : memref<10000x128xf32, #tpu.memory_space<hbm>>) target(%arg12 : memref<40x128xf32, #tpu.memory_space<vmem>>) offsets(%dma_start3A_139 : memref<40xi32, #tpu.memory_space<vmem>>) semaphore(%arg18 : memref<!tpu.dma_semaphore, #tpu.memory_space<semaphore_mem>>)
      %dma_wait3A_143 = arith.constant 0 : i32
      %dma_wait3A_144 = arith.constant 0 : i32
      %dma_wait3A_145 = tpu.memref_slice %arg2[%dma_wait3A_143, %dma_wait3A_144] : memref<10000x128xf32, #tpu.memory_space<hbm>> -> memref<40x128xf32, #tpu.memory_space<hbm>>
      %dma_wait3A_146 = arith.constant 0 : i32
      %dma_wait3A_147 = arith.constant 0 : i32
      %dma_wait3A_148 = tpu.memref_slice %arg2[%dma_wait3A_146, %dma_wait3A_147] : memref<10000x128xf32, #tpu.memory_space<hbm>> -> memref<40x128xf32, #tpu.memory_space<hbm>>
      tpu.wait_dma2 semaphore(%arg19 : memref<!tpu.dma_semaphore, #tpu.memory_space<semaphore_mem>>) src(%dma_wait3A_148 : memref<40x128xf32, #tpu.memory_space<hbm>>) dst(%arg13 : memref<40x128xf32, #tpu.memory_space<vmem>>)
      %add3A_149 = arith.constant 4 : i32
      %add3A_150 = arith.addi %add3A_70, %add3A_149 : i32
      "tpu.region"() ({
        %run_scoped3A_161 = tpu.sem_alloc : memref<!tpu.dma_semaphore, #tpu.memory_space<semaphore_mem>>
        %dma_start3A_162 = arith.constant 0 : i32
        %dma_start3A_163 = tpu.memref_slice %arg8[%add3A_150, %dma_start3A_162] : memref<250x40xi32, #tpu.memory_space<vmem>> -> memref<1x40xi32, #tpu.memory_space<vmem>>
        %dma_start3A_164 = tpu.memref_squeeze %dma_start3A_163 : memref<1x40xi32, #tpu.memory_space<vmem>> -> memref<40xi32, #tpu.memory_space<vmem>>
        %dma_start3A_165 = arith.constant 0 : i32
        %dma_start3A_166 = arith.constant 0 : i32
        %dma_start3A_167 = tpu.memref_slice %arg14[%dma_start3A_165, %dma_start3A_166] : memref<10240x128xf32, #tpu.memory_space<vmem_shared>> -> memref<10240x128xf32, #tpu.memory_space<vmem_shared>>
        tpu.enqueue_indirect_dma source(%arg13 : memref<40x128xf32, #tpu.memory_space<vmem>>) target(%dma_start3A_167 : memref<10240x128xf32, #tpu.memory_space<vmem_shared>>) offsets(%dma_start3A_164 : memref<40xi32, #tpu.memory_space<vmem>>) semaphore(%run_scoped3A_161 : memref<!tpu.dma_semaphore, #tpu.memory_space<semaphore_mem>>) {add = true}
        %dma_wait3A_168 = arith.constant 0 : i32
        %dma_wait3A_169 = tpu.memref_slice %arg8[%add3A_150, %dma_wait3A_168] : memref<250x40xi32, #tpu.memory_space<vmem>> -> memref<1x40xi32, #tpu.memory_space<vmem>>
        %dma_wait3A_170 = tpu.memref_squeeze %dma_wait3A_169 : memref<1x40xi32, #tpu.memory_space<vmem>> -> memref<40xi32, #tpu.memory_space<vmem>>
        %dma_wait3A_171 = arith.constant 0 : i32
        %dma_wait3A_172 = arith.constant 0 : i32
        %dma_wait3A_173 = tpu.memref_slice %arg14[%dma_wait3A_171, %dma_wait3A_172] : memref<10240x128xf32, #tpu.memory_space<vmem_shared>> -> memref<10240x128xf32, #tpu.memory_space<vmem_shared>>
        tpu.wait_indirect_dma semaphore(%run_scoped3A_161 : memref<!tpu.dma_semaphore, #tpu.memory_space<semaphore_mem>>) src(%arg13 : memref<40x128xf32, #tpu.memory_space<vmem>>) dst(%dma_wait3A_173 : memref<10240x128xf32, #tpu.memory_space<vmem_shared>>)
        tpu.yield
      }) : () -> ()
      %add3A_151 = arith.constant 5 : i32
      %add3A_152 = arith.addi %add3A_70, %add3A_151 : i32
      %add3A_153 = arith.constant 4 : i32
      %add3A_154 = arith.addi %add3A_152, %add3A_153 : i32
      %mul3A_155 = arith.constant 40 : i32
      %mul3A_156 = arith.muli %add3A_154, %mul3A_155 : i32
      %dma_start3A_157 = tpu.memref_slice %arg7[%mul3A_156] : memref<10000xi32, #tpu.memory_space<vmem>> -> memref<40xi32, #tpu.memory_space<vmem>>
      %dma_start3A_158 = arith.constant 0 : i32
      %dma_start3A_159 = arith.constant 0 : i32
      %dma_start3A_160 = tpu.memref_slice %arg2[%dma_start3A_158, %dma_start3A_159] : memref<10000x128xf32, #tpu.memory_space<hbm>> -> memref<10000x128xf32, #tpu.memory_space<hbm>>
      tpu.enqueue_indirect_dma source(%dma_start3A_160 : memref<10000x128xf32, #tpu.memory_space<hbm>>) target(%arg13 : memref<40x128xf32, #tpu.memory_space<vmem>>) offsets(%dma_start3A_157 : memref<40xi32, #tpu.memory_space<vmem>>) semaphore(%arg19 : memref<!tpu.dma_semaphore, #tpu.memory_space<semaphore_mem>>)
    }
    %scan3A_28 = arith.constant 49 : i32
    %dma_wait3A = arith.constant 0 : i32
    %dma_wait3A_29 = arith.constant 0 : i32
    %dma_wait3A_30 = tpu.memref_slice %arg2[%dma_wait3A, %dma_wait3A_29] : memref<10000x128xf32, #tpu.memory_space<hbm>> -> memref<40x128xf32, #tpu.memory_space<hbm>>
    %dma_wait3A_31 = arith.constant 0 : i32
    %dma_wait3A_32 = arith.constant 0 : i32
    %dma_wait3A_33 = tpu.memref_slice %arg2[%dma_wait3A_31, %dma_wait3A_32] : memref<10000x128xf32, #tpu.memory_space<hbm>> -> memref<40x128xf32, #tpu.memory_space<hbm>>
    tpu.wait_dma2 semaphore(%arg15 : memref<!tpu.dma_semaphore, #tpu.memory_space<semaphore_mem>>) src(%dma_wait3A_33 : memref<40x128xf32, #tpu.memory_space<hbm>>) dst(%arg9 : memref<40x128xf32, #tpu.memory_space<vmem>>)
    %run_scoped3A = arith.constant 245 : i32
    "tpu.region"() ({
      %run_scoped3A_67 = tpu.sem_alloc : memref<!tpu.dma_semaphore, #tpu.memory_space<semaphore_mem>>
      %dma_start3A_68 = arith.constant 0 : i32
      %dma_start3A_69 = tpu.memref_slice %arg8[%run_scoped3A, %dma_start3A_68] : memref<250x40xi32, #tpu.memory_space<vmem>> -> memref<1x40xi32, #tpu.memory_space<vmem>>
      %dma_start3A_70 = tpu.memref_squeeze %dma_start3A_69 : memref<1x40xi32, #tpu.memory_space<vmem>> -> memref<40xi32, #tpu.memory_space<vmem>>
      %dma_start3A_71 = arith.constant 0 : i32
      %dma_start3A_72 = arith.constant 0 : i32
      %dma_start3A_73 = tpu.memref_slice %arg14[%dma_start3A_71, %dma_start3A_72] : memref<10240x128xf32, #tpu.memory_space<vmem_shared>> -> memref<10240x128xf32, #tpu.memory_space<vmem_shared>>
      tpu.enqueue_indirect_dma source(%arg9 : memref<40x128xf32, #tpu.memory_space<vmem>>) target(%dma_start3A_73 : memref<10240x128xf32, #tpu.memory_space<vmem_shared>>) offsets(%dma_start3A_70 : memref<40xi32, #tpu.memory_space<vmem>>) semaphore(%run_scoped3A_67 : memref<!tpu.dma_semaphore, #tpu.memory_space<semaphore_mem>>) {add = true}
      %dma_wait3A_74 = arith.constant 0 : i32
      %dma_wait3A_75 = tpu.memref_slice %arg8[%run_scoped3A, %dma_wait3A_74] : memref<250x40xi32, #tpu.memory_space<vmem>> -> memref<1x40xi32, #tpu.memory_space<vmem>>
      %dma_wait3A_76 = tpu.memref_squeeze %dma_wait3A_75 : memref<1x40xi32, #tpu.memory_space<vmem>> -> memref<40xi32, #tpu.memory_space<vmem>>
      %dma_wait3A_77 = arith.constant 0 : i32
      %dma_wait3A_78 = arith.constant 0 : i32
      %dma_wait3A_79 = tpu.memref_slice %arg14[%dma_wait3A_77, %dma_wait3A_78] : memref<10240x128xf32, #tpu.memory_space<vmem_shared>> -> memref<10240x128xf32, #tpu.memory_space<vmem_shared>>
      tpu.wait_indirect_dma semaphore(%run_scoped3A_67 : memref<!tpu.dma_semaphore, #tpu.memory_space<semaphore_mem>>) src(%arg9 : memref<40x128xf32, #tpu.memory_space<vmem>>) dst(%dma_wait3A_79 : memref<10240x128xf32, #tpu.memory_space<vmem_shared>>)
      tpu.yield
    }) : () -> ()
    %dma_wait3A_34 = arith.constant 0 : i32
    %dma_wait3A_35 = arith.constant 0 : i32
    %dma_wait3A_36 = tpu.memref_slice %arg2[%dma_wait3A_34, %dma_wait3A_35] : memref<10000x128xf32, #tpu.memory_space<hbm>> -> memref<40x128xf32, #tpu.memory_space<hbm>>
    %dma_wait3A_37 = arith.constant 0 : i32
    %dma_wait3A_38 = arith.constant 0 : i32
    %dma_wait3A_39 = tpu.memref_slice %arg2[%dma_wait3A_37, %dma_wait3A_38] : memref<10000x128xf32, #tpu.memory_space<hbm>> -> memref<40x128xf32, #tpu.memory_space<hbm>>
    tpu.wait_dma2 semaphore(%arg16 : memref<!tpu.dma_semaphore, #tpu.memory_space<semaphore_mem>>) src(%dma_wait3A_39 : memref<40x128xf32, #tpu.memory_space<hbm>>) dst(%arg10 : memref<40x128xf32, #tpu.memory_space<vmem>>)
    %run_scoped3A_40 = arith.constant 246 : i32
    "tpu.region"() ({
      %run_scoped3A_67 = tpu.sem_alloc : memref<!tpu.dma_semaphore, #tpu.memory_space<semaphore_mem>>
      %dma_start3A_68 = arith.constant 0 : i32
      %dma_start3A_69 = tpu.memref_slice %arg8[%run_scoped3A_40, %dma_start3A_68] : memref<250x40xi32, #tpu.memory_space<vmem>> -> memref<1x40xi32, #tpu.memory_space<vmem>>
      %dma_start3A_70 = tpu.memref_squeeze %dma_start3A_69 : memref<1x40xi32, #tpu.memory_space<vmem>> -> memref<40xi32, #tpu.memory_space<vmem>>
      %dma_start3A_71 = arith.constant 0 : i32
      %dma_start3A_72 = arith.constant 0 : i32
      %dma_start3A_73 = tpu.memref_slice %arg14[%dma_start3A_71, %dma_start3A_72] : memref<10240x128xf32, #tpu.memory_space<vmem_shared>> -> memref<10240x128xf32, #tpu.memory_space<vmem_shared>>
      tpu.enqueue_indirect_dma source(%arg10 : memref<40x128xf32, #tpu.memory_space<vmem>>) target(%dma_start3A_73 : memref<10240x128xf32, #tpu.memory_space<vmem_shared>>) offsets(%dma_start3A_70 : memref<40xi32, #tpu.memory_space<vmem>>) semaphore(%run_scoped3A_67 : memref<!tpu.dma_semaphore, #tpu.memory_space<semaphore_mem>>) {add = true}
      %dma_wait3A_74 = arith.constant 0 : i32
      %dma_wait3A_75 = tpu.memref_slice %arg8[%run_scoped3A_40, %dma_wait3A_74] : memref<250x40xi32, #tpu.memory_space<vmem>> -> memref<1x40xi32, #tpu.memory_space<vmem>>
      %dma_wait3A_76 = tpu.memref_squeeze %dma_wait3A_75 : memref<1x40xi32, #tpu.memory_space<vmem>> -> memref<40xi32, #tpu.memory_space<vmem>>
      %dma_wait3A_77 = arith.constant 0 : i32
      %dma_wait3A_78 = arith.constant 0 : i32
      %dma_wait3A_79 = tpu.memref_slice %arg14[%dma_wait3A_77, %dma_wait3A_78] : memref<10240x128xf32, #tpu.memory_space<vmem_shared>> -> memref<10240x128xf32, #tpu.memory_space<vmem_shared>>
      tpu.wait_indirect_dma semaphore(%run_scoped3A_67 : memref<!tpu.dma_semaphore, #tpu.memory_space<semaphore_mem>>) src(%arg10 : memref<40x128xf32, #tpu.memory_space<vmem>>) dst(%dma_wait3A_79 : memref<10240x128xf32, #tpu.memory_space<vmem_shared>>)
      tpu.yield
    }) : () -> ()
    %dma_wait3A_41 = arith.constant 0 : i32
    %dma_wait3A_42 = arith.constant 0 : i32
    %dma_wait3A_43 = tpu.memref_slice %arg2[%dma_wait3A_41, %dma_wait3A_42] : memref<10000x128xf32, #tpu.memory_space<hbm>> -> memref<40x128xf32, #tpu.memory_space<hbm>>
    %dma_wait3A_44 = arith.constant 0 : i32
    %dma_wait3A_45 = arith.constant 0 : i32
    %dma_wait3A_46 = tpu.memref_slice %arg2[%dma_wait3A_44, %dma_wait3A_45] : memref<10000x128xf32, #tpu.memory_space<hbm>> -> memref<40x128xf32, #tpu.memory_space<hbm>>
    tpu.wait_dma2 semaphore(%arg17 : memref<!tpu.dma_semaphore, #tpu.memory_space<semaphore_mem>>) src(%dma_wait3A_46 : memref<40x128xf32, #tpu.memory_space<hbm>>) dst(%arg11 : memref<40x128xf32, #tpu.memory_space<vmem>>)
    %run_scoped3A_47 = arith.constant 247 : i32
    "tpu.region"() ({
      %run_scoped3A_67 = tpu.sem_alloc : memref<!tpu.dma_semaphore, #tpu.memory_space<semaphore_mem>>
      %dma_start3A_68 = arith.constant 0 : i32
      %dma_start3A_69 = tpu.memref_slice %arg8[%run_scoped3A_47, %dma_start3A_68] : memref<250x40xi32, #tpu.memory_space<vmem>> -> memref<1x40xi32, #tpu.memory_space<vmem>>
      %dma_start3A_70 = tpu.memref_squeeze %dma_start3A_69 : memref<1x40xi32, #tpu.memory_space<vmem>> -> memref<40xi32, #tpu.memory_space<vmem>>
      %dma_start3A_71 = arith.constant 0 : i32
      %dma_start3A_72 = arith.constant 0 : i32
      %dma_start3A_73 = tpu.memref_slice %arg14[%dma_start3A_71, %dma_start3A_72] : memref<10240x128xf32, #tpu.memory_space<vmem_shared>> -> memref<10240x128xf32, #tpu.memory_space<vmem_shared>>
      tpu.enqueue_indirect_dma source(%arg11 : memref<40x128xf32, #tpu.memory_space<vmem>>) target(%dma_start3A_73 : memref<10240x128xf32, #tpu.memory_space<vmem_shared>>) offsets(%dma_start3A_70 : memref<40xi32, #tpu.memory_space<vmem>>) semaphore(%run_scoped3A_67 : memref<!tpu.dma_semaphore, #tpu.memory_space<semaphore_mem>>) {add = true}
      %dma_wait3A_74 = arith.constant 0 : i32
      %dma_wait3A_75 = tpu.memref_slice %arg8[%run_scoped3A_47, %dma_wait3A_74] : memref<250x40xi32, #tpu.memory_space<vmem>> -> memref<1x40xi32, #tpu.memory_space<vmem>>
      %dma_wait3A_76 = tpu.memref_squeeze %dma_wait3A_75 : memref<1x40xi32, #tpu.memory_space<vmem>> -> memref<40xi32, #tpu.memory_space<vmem>>
      %dma_wait3A_77 = arith.constant 0 : i32
      %dma_wait3A_78 = arith.constant 0 : i32
      %dma_wait3A_79 = tpu.memref_slice %arg14[%dma_wait3A_77, %dma_wait3A_78] : memref<10240x128xf32, #tpu.memory_space<vmem_shared>> -> memref<10240x128xf32, #tpu.memory_space<vmem_shared>>
      tpu.wait_indirect_dma semaphore(%run_scoped3A_67 : memref<!tpu.dma_semaphore, #tpu.memory_space<semaphore_mem>>) src(%arg11 : memref<40x128xf32, #tpu.memory_space<vmem>>) dst(%dma_wait3A_79 : memref<10240x128xf32, #tpu.memory_space<vmem_shared>>)
      tpu.yield
    }) : () -> ()
    %dma_wait3A_48 = arith.constant 0 : i32
    %dma_wait3A_49 = arith.constant 0 : i32
    %dma_wait3A_50 = tpu.memref_slice %arg2[%dma_wait3A_48, %dma_wait3A_49] : memref<10000x128xf32, #tpu.memory_space<hbm>> -> memref<40x128xf32, #tpu.memory_space<hbm>>
    %dma_wait3A_51 = arith.constant 0 : i32
    %dma_wait3A_52 = arith.constant 0 : i32
    %dma_wait3A_53 = tpu.memref_slice %arg2[%dma_wait3A_51, %dma_wait3A_52] : memref<10000x128xf32, #tpu.memory_space<hbm>> -> memref<40x128xf32, #tpu.memory_space<hbm>>
    tpu.wait_dma2 semaphore(%arg18 : memref<!tpu.dma_semaphore, #tpu.memory_space<semaphore_mem>>) src(%dma_wait3A_53 : memref<40x128xf32, #tpu.memory_space<hbm>>) dst(%arg12 : memref<40x128xf32, #tpu.memory_space<vmem>>)
    %run_scoped3A_54 = arith.constant 248 : i32
    "tpu.region"() ({
      %run_scoped3A_67 = tpu.sem_alloc : memref<!tpu.dma_semaphore, #tpu.memory_space<semaphore_mem>>
      %dma_start3A_68 = arith.constant 0 : i32
      %dma_start3A_69 = tpu.memref_slice %arg8[%run_scoped3A_54, %dma_start3A_68] : memref<250x40xi32, #tpu.memory_space<vmem>> -> memref<1x40xi32, #tpu.memory_space<vmem>>
      %dma_start3A_70 = tpu.memref_squeeze %dma_start3A_69 : memref<1x40xi32, #tpu.memory_space<vmem>> -> memref<40xi32, #tpu.memory_space<vmem>>
      %dma_start3A_71 = arith.constant 0 : i32
      %dma_start3A_72 = arith.constant 0 : i32
      %dma_start3A_73 = tpu.memref_slice %arg14[%dma_start3A_71, %dma_start3A_72] : memref<10240x128xf32, #tpu.memory_space<vmem_shared>> -> memref<10240x128xf32, #tpu.memory_space<vmem_shared>>
      tpu.enqueue_indirect_dma source(%arg12 : memref<40x128xf32, #tpu.memory_space<vmem>>) target(%dma_start3A_73 : memref<10240x128xf32, #tpu.memory_space<vmem_shared>>) offsets(%dma_start3A_70 : memref<40xi32, #tpu.memory_space<vmem>>) semaphore(%run_scoped3A_67 : memref<!tpu.dma_semaphore, #tpu.memory_space<semaphore_mem>>) {add = true}
      %dma_wait3A_74 = arith.constant 0 : i32
      %dma_wait3A_75 = tpu.memref_slice %arg8[%run_scoped3A_54, %dma_wait3A_74] : memref<250x40xi32, #tpu.memory_space<vmem>> -> memref<1x40xi32, #tpu.memory_space<vmem>>
      %dma_wait3A_76 = tpu.memref_squeeze %dma_wait3A_75 : memref<1x40xi32, #tpu.memory_space<vmem>> -> memref<40xi32, #tpu.memory_space<vmem>>
      %dma_wait3A_77 = arith.constant 0 : i32
      %dma_wait3A_78 = arith.constant 0 : i32
      %dma_wait3A_79 = tpu.memref_slice %arg14[%dma_wait3A_77, %dma_wait3A_78] : memref<10240x128xf32, #tpu.memory_space<vmem_shared>> -> memref<10240x128xf32, #tpu.memory_space<vmem_shared>>
      tpu.wait_indirect_dma semaphore(%run_scoped3A_67 : memref<!tpu.dma_semaphore, #tpu.memory_space<semaphore_mem>>) src(%arg12 : memref<40x128xf32, #tpu.memory_space<vmem>>) dst(%dma_wait3A_79 : memref<10240x128xf32, #tpu.memory_space<vmem_shared>>)
      tpu.yield
    }) : () -> ()
    %dma_wait3A_55 = arith.constant 0 : i32
    %dma_wait3A_56 = arith.constant 0 : i32
    %dma_wait3A_57 = tpu.memref_slice %arg2[%dma_wait3A_55, %dma_wait3A_56] : memref<10000x128xf32, #tpu.memory_space<hbm>> -> memref<40x128xf32, #tpu.memory_space<hbm>>
    %dma_wait3A_58 = arith.constant 0 : i32
    %dma_wait3A_59 = arith.constant 0 : i32
    %dma_wait3A_60 = tpu.memref_slice %arg2[%dma_wait3A_58, %dma_wait3A_59] : memref<10000x128xf32, #tpu.memory_space<hbm>> -> memref<40x128xf32, #tpu.memory_space<hbm>>
    tpu.wait_dma2 semaphore(%arg19 : memref<!tpu.dma_semaphore, #tpu.memory_space<semaphore_mem>>) src(%dma_wait3A_60 : memref<40x128xf32, #tpu.memory_space<hbm>>) dst(%arg13 : memref<40x128xf32, #tpu.memory_space<vmem>>)
    %run_scoped3A_61 = arith.constant 249 : i32
    "tpu.region"() ({
      %run_scoped3A_67 = tpu.sem_alloc : memref<!tpu.dma_semaphore, #tpu.memory_space<semaphore_mem>>
      %dma_start3A_68 = arith.constant 0 : i32
      %dma_start3A_69 = tpu.memref_slice %arg8[%run_scoped3A_61, %dma_start3A_68] : memref<250x40xi32, #tpu.memory_space<vmem>> -> memref<1x40xi32, #tpu.memory_space<vmem>>
      %dma_start3A_70 = tpu.memref_squeeze %dma_start3A_69 : memref<1x40xi32, #tpu.memory_space<vmem>> -> memref<40xi32, #tpu.memory_space<vmem>>
      %dma_start3A_71 = arith.constant 0 : i32
      %dma_start3A_72 = arith.constant 0 : i32
      %dma_start3A_73 = tpu.memref_slice %arg14[%dma_start3A_71, %dma_start3A_72] : memref<10240x128xf32, #tpu.memory_space<vmem_shared>> -> memref<10240x128xf32, #tpu.memory_space<vmem_shared>>
      tpu.enqueue_indirect_dma source(%arg13 : memref<40x128xf32, #tpu.memory_space<vmem>>) target(%dma_start3A_73 : memref<10240x128xf32, #tpu.memory_space<vmem_shared>>) offsets(%dma_start3A_70 : memref<40xi32, #tpu.memory_space<vmem>>) semaphore(%run_scoped3A_67 : memref<!tpu.dma_semaphore, #tpu.memory_space<semaphore_mem>>) {add = true}
      %dma_wait3A_74 = arith.constant 0 : i32
      %dma_wait3A_75 = tpu.memref_slice %arg8[%run_scoped3A_61, %dma_wait3A_74] : memref<250x40xi32, #tpu.memory_space<vmem>> -> memref<1x40xi32, #tpu.memory_space<vmem>>
      %dma_wait3A_76 = tpu.memref_squeeze %dma_wait3A_75 : memref<1x40xi32, #tpu.memory_space<vmem>> -> memref<40xi32, #tpu.memory_space<vmem>>
      %dma_wait3A_77 = arith.constant 0 : i32
      %dma_wait3A_78 = arith.constant 0 : i32
      %dma_wait3A_79 = tpu.memref_slice %arg14[%dma_wait3A_77, %dma_wait3A_78] : memref<10240x128xf32, #tpu.memory_space<vmem_shared>> -> memref<10240x128xf32, #tpu.memory_space<vmem_shared>>
      tpu.wait_indirect_dma semaphore(%run_scoped3A_67 : memref<!tpu.dma_semaphore, #tpu.memory_space<semaphore_mem>>) src(%arg13 : memref<40x128xf32, #tpu.memory_space<vmem>>) dst(%dma_wait3A_79 : memref<10240x128xf32, #tpu.memory_space<vmem_shared>>)
      tpu.yield
    }) : () -> ()
    %barrier3A_62 = arith.constant 0 : index
    tpu.barrier barrier_id(%barrier3A_62)
    %mul3A_63 = arith.constant 640 : i32
    %mul3A_64 = arith.muli %arg1, %mul3A_63 : i32
    %mul3A_65 = arith.constant 640 : i32
    %mul3A_66 = arith.muli %arg1, %mul3A_65 : i32
    "tpu.region"() ({
      %run_scoped3A_67 = tpu.sem_alloc : memref<!tpu.dma_semaphore, #tpu.memory_space<semaphore_mem>>
      %dma_start3A_68 = arith.constant 0 : i32
      %dma_start3A_69 = arith.constant 0 : i32
      %dma_start3A_70 = tpu.memref_slice %arg6[%arg0, %dma_start3A_68, %dma_start3A_69] : memref<2x10240x128xf32, #tpu.memory_space<hbm>> -> memref<1x10240x128xf32, #tpu.memory_space<hbm>>
      %dma_start3A_71 = tpu.memref_squeeze %dma_start3A_70 : memref<1x10240x128xf32, #tpu.memory_space<hbm>> -> memref<10240x128xf32, #tpu.memory_space<hbm>>
      %dma_start3A_72 = arith.constant 0 : i32
      %dma_start3A_73 = tpu.memref_slice %dma_start3A_71[%mul3A_66, %dma_start3A_72] : memref<10240x128xf32, #tpu.memory_space<hbm>> -> memref<640x128xf32, #tpu.memory_space<hbm>>
      %dma_start3A_74 = arith.constant 0 : i32
      %dma_start3A_75 = tpu.memref_slice %arg14[%mul3A_64, %dma_start3A_74] : memref<10240x128xf32, #tpu.memory_space<vmem_shared>> -> memref<640x128xf32, #tpu.memory_space<vmem_shared>>
      tpu.enqueue_dma source(%dma_start3A_75 : memref<640x128xf32, #tpu.memory_space<vmem_shared>>) target(%dma_start3A_73 : memref<640x128xf32, #tpu.memory_space<hbm>>) target_semaphore(%run_scoped3A_67 : memref<!tpu.dma_semaphore, #tpu.memory_space<semaphore_mem>>)
      %dma_wait3A_76 = arith.constant 0 : i32
      %dma_wait3A_77 = arith.constant 0 : i32
      %dma_wait3A_78 = tpu.memref_slice %arg6[%arg0, %dma_wait3A_76, %dma_wait3A_77] : memref<2x10240x128xf32, #tpu.memory_space<hbm>> -> memref<1x10240x128xf32, #tpu.memory_space<hbm>>
      %dma_wait3A_79 = tpu.memref_squeeze %dma_wait3A_78 : memref<1x10240x128xf32, #tpu.memory_space<hbm>> -> memref<10240x128xf32, #tpu.memory_space<hbm>>
      %dma_wait3A_80 = arith.constant 0 : i32
      %dma_wait3A_81 = tpu.memref_slice %dma_wait3A_79[%mul3A_66, %dma_wait3A_80] : memref<10240x128xf32, #tpu.memory_space<hbm>> -> memref<640x128xf32, #tpu.memory_space<hbm>>
      %dma_wait3A_82 = arith.constant 0 : i32
      %dma_wait3A_83 = tpu.memref_slice %arg14[%mul3A_64, %dma_wait3A_82] : memref<10240x128xf32, #tpu.memory_space<vmem_shared>> -> memref<640x128xf32, #tpu.memory_space<vmem_shared>>
      tpu.wait_dma2 semaphore(%run_scoped3A_67 : memref<!tpu.dma_semaphore, #tpu.memory_space<semaphore_mem>>) src(%dma_wait3A_83 : memref<640x128xf32, #tpu.memory_space<vmem_shared>>) dst(%dma_wait3A_81 : memref<640x128xf32, #tpu.memory_space<hbm>>)
      tpu.yield
    }) : () -> ()
    return
  }
}

#map = affine_map<(d0, d1) -> (0, 0)>
#map1 = affine_map<(d0, d1) -> (0, 0, 0)>
#map2 = affine_map<(d0, d1) -> (0, 0, 0, 0)>
module attributes {stable_mosaic.version = 14 : i64} {
  func.func @agg_kernel(%arg0: i32, %arg1: i32, %arg2: memref<10000x128xf32, #tpu.memory_space<hbm>>, %arg3: memref<2x16x10000xi32, #tpu.memory_space<hbm>>, %arg4: memref<2x16x250x40xi32, #tpu.memory_space<hbm>>, %arg5: memref<640x128xf32, #tpu.memory_space<hbm>>, %arg6: memref<2x10240x128xf32, #tpu.memory_space<hbm>>, %arg7: memref<10000xi32, #tpu.memory_space<vmem>>, %arg8: memref<250x40xi32, #tpu.memory_space<vmem>>, %arg9: memref<40x128xf32, #tpu.memory_space<vmem>>, %arg10: memref<40x128xf32, #tpu.memory_space<vmem>>, %arg11: memref<40x128xf32, #tpu.memory_space<vmem>>, %arg12: memref<40x128xf32, #tpu.memory_space<vmem>>, %arg13: memref<40x128xf32, #tpu.memory_space<vmem>>, %arg14: memref<10240x128xf32, #tpu.memory_space<vmem_shared>>, %arg15: memref<!tpu.dma_semaphore, #tpu.memory_space<semaphore_mem>>, %arg16: memref<!tpu.dma_semaphore, #tpu.memory_space<semaphore_mem>>, %arg17: memref<!tpu.dma_semaphore, #tpu.memory_space<semaphore_mem>>, %arg18: memref<!tpu.dma_semaphore, #tpu.memory_space<semaphore_mem>>, %arg19: memref<!tpu.dma_semaphore, #tpu.memory_space<semaphore_mem>>) attributes {dimension_semantics = [#tpu.dimension_semantics<core_parallel>, #tpu.dimension_semantics<subcore_parallel>], iteration_bounds = array<i64: 2, 16>, scalar_prefetch = 0 : i64, scratch_operands = 13 : i64, tpu.core_type = #tpu.core_type<sc_vector_subcore>, window_params = [{transform_indices = #map}, {transform_indices = #map1}, {transform_indices = #map2}, {transform_indices = #map}, {transform_indices = #map1}]} {
    "tpu.region"() ({
      %run_scoped3A_67 = tpu.sem_alloc : memref<!tpu.dma_semaphore, #tpu.memory_space<semaphore_mem>>
      %dma_start3A_68 = arith.constant 0 : i32
      %dma_start3A_69 = arith.constant 0 : i32
      %dma_start3A_70 = tpu.memref_slice %arg3[%arg0, %dma_start3A_68, %dma_start3A_69] : memref<2x16x10000xi32, #tpu.memory_space<hbm>> -> memref<1x16x10000xi32, #tpu.memory_space<hbm>>
      %dma_start3A_71 = tpu.memref_squeeze %dma_start3A_70 : memref<1x16x10000xi32, #tpu.memory_space<hbm>> -> memref<16x10000xi32, #tpu.memory_space<hbm>>
      %dma_start3A_72 = arith.constant 0 : i32
      %dma_start3A_73 = tpu.memref_slice %dma_start3A_71[%arg1, %dma_start3A_72] : memref<16x10000xi32, #tpu.memory_space<hbm>> -> memref<1x10000xi32, #tpu.memory_space<hbm>>
      %dma_start3A_74 = tpu.memref_squeeze %dma_start3A_73 : memref<1x10000xi32, #tpu.memory_space<hbm>> -> memref<10000xi32, #tpu.memory_space<hbm>>
      %dma_start3A_75 = arith.constant 0 : i32
      %dma_start3A_76 = arith.constant 0 : i32
      %dma_start3A_77 = tpu.memref_slice %arg3[%arg0, %dma_start3A_75, %dma_start3A_76] : memref<2x16x10000xi32, #tpu.memory_space<hbm>> -> memref<1x16x10000xi32, #tpu.memory_space<hbm>>
      %dma_start3A_78 = tpu.memref_squeeze %dma_start3A_77 : memref<1x16x10000xi32, #tpu.memory_space<hbm>> -> memref<16x10000xi32, #tpu.memory_space<hbm>>
      %dma_start3A_79 = arith.constant 0 : i32
      %dma_start3A_80 = tpu.memref_slice %dma_start3A_78[%arg1, %dma_start3A_79] : memref<16x10000xi32, #tpu.memory_space<hbm>> -> memref<1x10000xi32, #tpu.memory_space<hbm>>
      %dma_start3A_81 = tpu.memref_squeeze %dma_start3A_80 : memref<1x10000xi32, #tpu.memory_space<hbm>> -> memref<10000xi32, #tpu.memory_space<hbm>>
      tpu.enqueue_dma source(%dma_start3A_81 : memref<10000xi32, #tpu.memory_space<hbm>>) target(%arg7 : memref<10000xi32, #tpu.memory_space<vmem>>) target_semaphore(%run_scoped3A_67 : memref<!tpu.dma_semaphore, #tpu.memory_space<semaphore_mem>>)
      %dma_wait3A_82 = arith.constant 0 : i32
      %dma_wait3A_83 = arith.constant 0 : i32
      %dma_wait3A_84 = tpu.memref_slice %arg3[%arg0, %dma_wait3A_82, %dma_wait3A_83] : memref<2x16x10000xi32, #tpu.memory_space<hbm>> -> memref<1x16x10000xi32, #tpu.memory_space<hbm>>
      %dma_wait3A_85 = tpu.memref_squeeze %dma_wait3A_84 : memref<1x16x10000xi32, #tpu.memory_space<hbm>> -> memref<16x10000xi32, #tpu.memory_space<hbm>>
      %dma_wait3A_86 = arith.constant 0 : i32
      %dma_wait3A_87 = tpu.memref_slice %dma_wait3A_85[%arg1, %dma_wait3A_86] : memref<16x10000xi32, #tpu.memory_space<hbm>> -> memref<1x10000xi32, #tpu.memory_space<hbm>>
      %dma_wait3A_88 = tpu.memref_squeeze %dma_wait3A_87 : memref<1x10000xi32, #tpu.memory_space<hbm>> -> memref<10000xi32, #tpu.memory_space<hbm>>
      %dma_wait3A_89 = arith.constant 0 : i32
      %dma_wait3A_90 = arith.constant 0 : i32
      %dma_wait3A_91 = tpu.memref_slice %arg3[%arg0, %dma_wait3A_89, %dma_wait3A_90] : memref<2x16x10000xi32, #tpu.memory_space<hbm>> -> memref<1x16x10000xi32, #tpu.memory_space<hbm>>
      %dma_wait3A_92 = tpu.memref_squeeze %dma_wait3A_91 : memref<1x16x10000xi32, #tpu.memory_space<hbm>> -> memref<16x10000xi32, #tpu.memory_space<hbm>>
      %dma_wait3A_93 = arith.constant 0 : i32
      %dma_wait3A_94 = tpu.memref_slice %dma_wait3A_92[%arg1, %dma_wait3A_93] : memref<16x10000xi32, #tpu.memory_space<hbm>> -> memref<1x10000xi32, #tpu.memory_space<hbm>>
      %dma_wait3A_95 = tpu.memref_squeeze %dma_wait3A_94 : memref<1x10000xi32, #tpu.memory_space<hbm>> -> memref<10000xi32, #tpu.memory_space<hbm>>
      tpu.wait_dma2 semaphore(%run_scoped3A_67 : memref<!tpu.dma_semaphore, #tpu.memory_space<semaphore_mem>>) src(%dma_wait3A_95 : memref<10000xi32, #tpu.memory_space<hbm>>) dst(%arg7 : memref<10000xi32, #tpu.memory_space<vmem>>)
      tpu.yield
    }) : () -> ()
    "tpu.region"() ({
      %run_scoped3A_67 = tpu.sem_alloc : memref<!tpu.dma_semaphore, #tpu.memory_space<semaphore_mem>>
      %dma_start3A_68 = arith.constant 0 : i32
      %dma_start3A_69 = arith.constant 0 : i32
      %dma_start3A_70 = arith.constant 0 : i32
      %dma_start3A_71 = tpu.memref_slice %arg4[%arg0, %dma_start3A_68, %dma_start3A_69, %dma_start3A_70] : memref<2x16x250x40xi32, #tpu.memory_space<hbm>> -> memref<1x16x250x40xi32, #tpu.memory_space<hbm>>
      %dma_start3A_72 = tpu.memref_squeeze %dma_start3A_71 : memref<1x16x250x40xi32, #tpu.memory_space<hbm>> -> memref<16x250x40xi32, #tpu.memory_space<hbm>>
      %dma_start3A_73 = arith.constant 0 : i32
      %dma_start3A_74 = arith.constant 0 : i32
      %dma_start3A_75 = tpu.memref_slice %dma_start3A_72[%arg1, %dma_start3A_73, %dma_start3A_74] : memref<16x250x40xi32, #tpu.memory_space<hbm>> -> memref<1x250x40xi32, #tpu.memory_space<hbm>>
      %dma_start3A_76 = tpu.memref_squeeze %dma_start3A_75 : memref<1x250x40xi32, #tpu.memory_space<hbm>> -> memref<250x40xi32, #tpu.memory_space<hbm>>
      %dma_start3A_77 = arith.constant 0 : i32
      %dma_start3A_78 = arith.constant 0 : i32
      %dma_start3A_79 = arith.constant 0 : i32
      %dma_start3A_80 = tpu.memref_slice %arg4[%arg0, %dma_start3A_77, %dma_start3A_78, %dma_start3A_79] : memref<2x16x250x40xi32, #tpu.memory_space<hbm>> -> memref<1x16x250x40xi32, #tpu.memory_space<hbm>>
      %dma_start3A_81 = tpu.memref_squeeze %dma_start3A_80 : memref<1x16x250x40xi32, #tpu.memory_space<hbm>> -> memref<16x250x40xi32, #tpu.memory_space<hbm>>
      %dma_start3A_82 = arith.constant 0 : i32
      %dma_start3A_83 = arith.constant 0 : i32
      %dma_start3A_84 = tpu.memref_slice %dma_start3A_81[%arg1, %dma_start3A_82, %dma_start3A_83] : memref<16x250x40xi32, #tpu.memory_space<hbm>> -> memref<1x250x40xi32, #tpu.memory_space<hbm>>
      %dma_start3A_85 = tpu.memref_squeeze %dma_start3A_84 : memref<1x250x40xi32, #tpu.memory_space<hbm>> -> memref<250x40xi32, #tpu.memory_space<hbm>>
      tpu.enqueue_dma source(%dma_start3A_85 : memref<250x40xi32, #tpu.memory_space<hbm>>) target(%arg8 : memref<250x40xi32, #tpu.memory_space<vmem>>) target_semaphore(%run_scoped3A_67 : memref<!tpu.dma_semaphore, #tpu.memory_space<semaphore_mem>>)
      %dma_wait3A_86 = arith.constant 0 : i32
      %dma_wait3A_87 = arith.constant 0 : i32
      %dma_wait3A_88 = arith.constant 0 : i32
      %dma_wait3A_89 = tpu.memref_slice %arg4[%arg0, %dma_wait3A_86, %dma_wait3A_87, %dma_wait3A_88] : memref<2x16x250x40xi32, #tpu.memory_space<hbm>> -> memref<1x16x250x40xi32, #tpu.memory_space<hbm>>
      %dma_wait3A_90 = tpu.memref_squeeze %dma_wait3A_89 : memref<1x16x250x40xi32, #tpu.memory_space<hbm>> -> memref<16x250x40xi32, #tpu.memory_space<hbm>>
      %dma_wait3A_91 = arith.constant 0 : i32
      %dma_wait3A_92 = arith.constant 0 : i32
      %dma_wait3A_93 = tpu.memref_slice %dma_wait3A_90[%arg1, %dma_wait3A_91, %dma_wait3A_92] : memref<16x250x40xi32, #tpu.memory_space<hbm>> -> memref<1x250x40xi32, #tpu.memory_space<hbm>>
      %dma_wait3A_94 = tpu.memref_squeeze %dma_wait3A_93 : memref<1x250x40xi32, #tpu.memory_space<hbm>> -> memref<250x40xi32, #tpu.memory_space<hbm>>
      %dma_wait3A_95 = arith.constant 0 : i32
      %dma_wait3A_96 = arith.constant 0 : i32
      %dma_wait3A_97 = arith.constant 0 : i32
      %dma_wait3A_98 = tpu.memref_slice %arg4[%arg0, %dma_wait3A_95, %dma_wait3A_96, %dma_wait3A_97] : memref<2x16x250x40xi32, #tpu.memory_space<hbm>> -> memref<1x16x250x40xi32, #tpu.memory_space<hbm>>
      %dma_wait3A_99 = tpu.memref_squeeze %dma_wait3A_98 : memref<1x16x250x40xi32, #tpu.memory_space<hbm>> -> memref<16x250x40xi32, #tpu.memory_space<hbm>>
      %dma_wait3A_100 = arith.constant 0 : i32
      %dma_wait3A_101 = arith.constant 0 : i32
      %dma_wait3A_102 = tpu.memref_slice %dma_wait3A_99[%arg1, %dma_wait3A_100, %dma_wait3A_101] : memref<16x250x40xi32, #tpu.memory_space<hbm>> -> memref<1x250x40xi32, #tpu.memory_space<hbm>>
      %dma_wait3A_103 = tpu.memref_squeeze %dma_wait3A_102 : memref<1x250x40xi32, #tpu.memory_space<hbm>> -> memref<250x40xi32, #tpu.memory_space<hbm>>
      tpu.wait_dma2 semaphore(%run_scoped3A_67 : memref<!tpu.dma_semaphore, #tpu.memory_space<semaphore_mem>>) src(%dma_wait3A_103 : memref<250x40xi32, #tpu.memory_space<hbm>>) dst(%arg8 : memref<250x40xi32, #tpu.memory_space<vmem>>)
      tpu.yield
    }) : () -> ()
    %dma_start3A = arith.constant 0 : i32
    %dma_start3A_0 = tpu.memref_slice %arg7[%dma_start3A] : memref<10000xi32, #tpu.memory_space<vmem>> -> memref<40xi32, #tpu.memory_space<vmem>>
    %dma_start3A_1 = arith.constant 0 : i32
    %dma_start3A_2 = arith.constant 0 : i32
    %dma_start3A_3 = tpu.memref_slice %arg2[%dma_start3A_1, %dma_start3A_2] : memref<10000x128xf32, #tpu.memory_space<hbm>> -> memref<10000x128xf32, #tpu.memory_space<hbm>>
    tpu.enqueue_indirect_dma source(%dma_start3A_3 : memref<10000x128xf32, #tpu.memory_space<hbm>>) target(%arg9 : memref<40x128xf32, #tpu.memory_space<vmem>>) offsets(%dma_start3A_0 : memref<40xi32, #tpu.memory_space<vmem>>) semaphore(%arg15 : memref<!tpu.dma_semaphore, #tpu.memory_space<semaphore_mem>>)
    %dma_start3A_4 = arith.constant 40 : i32
    %dma_start3A_5 = tpu.memref_slice %arg7[%dma_start3A_4] : memref<10000xi32, #tpu.memory_space<vmem>> -> memref<40xi32, #tpu.memory_space<vmem>>
    %dma_start3A_6 = arith.constant 0 : i32
    %dma_start3A_7 = arith.constant 0 : i32
    %dma_start3A_8 = tpu.memref_slice %arg2[%dma_start3A_6, %dma_start3A_7] : memref<10000x128xf32, #tpu.memory_space<hbm>> -> memref<10000x128xf32, #tpu.memory_space<hbm>>
    tpu.enqueue_indirect_dma source(%dma_start3A_8 : memref<10000x128xf32, #tpu.memory_space<hbm>>) target(%arg10 : memref<40x128xf32, #tpu.memory_space<vmem>>) offsets(%dma_start3A_5 : memref<40xi32, #tpu.memory_space<vmem>>) semaphore(%arg16 : memref<!tpu.dma_semaphore, #tpu.memory_space<semaphore_mem>>)
    %dma_start3A_9 = arith.constant 80 : i32
    %dma_start3A_10 = tpu.memref_slice %arg7[%dma_start3A_9] : memref<10000xi32, #tpu.memory_space<vmem>> -> memref<40xi32, #tpu.memory_space<vmem>>
    %dma_start3A_11 = arith.constant 0 : i32
    %dma_start3A_12 = arith.constant 0 : i32
    %dma_start3A_13 = tpu.memref_slice %arg2[%dma_start3A_11, %dma_start3A_12] : memref<10000x128xf32, #tpu.memory_space<hbm>> -> memref<10000x128xf32, #tpu.memory_space<hbm>>
    tpu.enqueue_indirect_dma source(%dma_start3A_13 : memref<10000x128xf32, #tpu.memory_space<hbm>>) target(%arg11 : memref<40x128xf32, #tpu.memory_space<vmem>>) offsets(%dma_start3A_10 : memref<40xi32, #tpu.memory_space<vmem>>) semaphore(%arg17 : memref<!tpu.dma_semaphore, #tpu.memory_space<semaphore_mem>>)
    %dma_start3A_14 = arith.constant 120 : i32
    %dma_start3A_15 = tpu.memref_slice %arg7[%dma_start3A_14] : memref<10000xi32, #tpu.memory_space<vmem>> -> memref<40xi32, #tpu.memory_space<vmem>>
    %dma_start3A_16 = arith.constant 0 : i32
    %dma_start3A_17 = arith.constant 0 : i32
    %dma_start3A_18 = tpu.memref_slice %arg2[%dma_start3A_16, %dma_start3A_17] : memref<10000x128xf32, #tpu.memory_space<hbm>> -> memref<10000x128xf32, #tpu.memory_space<hbm>>
    tpu.enqueue_indirect_dma source(%dma_start3A_18 : memref<10000x128xf32, #tpu.memory_space<hbm>>) target(%arg12 : memref<40x128xf32, #tpu.memory_space<vmem>>) offsets(%dma_start3A_15 : memref<40xi32, #tpu.memory_space<vmem>>) semaphore(%arg18 : memref<!tpu.dma_semaphore, #tpu.memory_space<semaphore_mem>>)
    %dma_start3A_19 = arith.constant 160 : i32
    %dma_start3A_20 = tpu.memref_slice %arg7[%dma_start3A_19] : memref<10000xi32, #tpu.memory_space<vmem>> -> memref<40xi32, #tpu.memory_space<vmem>>
    %dma_start3A_21 = arith.constant 0 : i32
    %dma_start3A_22 = arith.constant 0 : i32
    %dma_start3A_23 = tpu.memref_slice %arg2[%dma_start3A_21, %dma_start3A_22] : memref<10000x128xf32, #tpu.memory_space<hbm>> -> memref<10000x128xf32, #tpu.memory_space<hbm>>
    tpu.enqueue_indirect_dma source(%dma_start3A_23 : memref<10000x128xf32, #tpu.memory_space<hbm>>) target(%arg13 : memref<40x128xf32, #tpu.memory_space<vmem>>) offsets(%dma_start3A_20 : memref<40xi32, #tpu.memory_space<vmem>>) semaphore(%arg19 : memref<!tpu.dma_semaphore, #tpu.memory_space<semaphore_mem>>)
    %mul3A = arith.constant 640 : i32
    %mul3A_24 = arith.muli %arg1, %mul3A : i32
    "tpu.region"() ({
      %run_scoped3A_67 = tpu.sem_alloc : memref<!tpu.dma_semaphore, #tpu.memory_space<semaphore_mem>>
      %dma_start3A_68 = arith.constant 0 : i32
      %dma_start3A_69 = tpu.memref_slice %arg14[%mul3A_24, %dma_start3A_68] : memref<10240x128xf32, #tpu.memory_space<vmem_shared>> -> memref<640x128xf32, #tpu.memory_space<vmem_shared>>
      tpu.enqueue_dma source(%arg5 : memref<640x128xf32, #tpu.memory_space<hbm>>) target(%dma_start3A_69 : memref<640x128xf32, #tpu.memory_space<vmem_shared>>) target_semaphore(%run_scoped3A_67 : memref<!tpu.dma_semaphore, #tpu.memory_space<semaphore_mem>>)
      %dma_wait3A_70 = arith.constant 0 : i32
      %dma_wait3A_71 = tpu.memref_slice %arg14[%mul3A_24, %dma_wait3A_70] : memref<10240x128xf32, #tpu.memory_space<vmem_shared>> -> memref<640x128xf32, #tpu.memory_space<vmem_shared>>
      tpu.wait_dma2 semaphore(%run_scoped3A_67 : memref<!tpu.dma_semaphore, #tpu.memory_space<semaphore_mem>>) src(%arg5 : memref<640x128xf32, #tpu.memory_space<hbm>>) dst(%dma_wait3A_71 : memref<640x128xf32, #tpu.memory_space<vmem_shared>>)
      tpu.yield
    }) : () -> ()
    %barrier3A = arith.constant 0 : index
    tpu.barrier barrier_id(%barrier3A)
    %scan3A = arith.constant 0 : i32
    %scan3A_25 = arith.constant 49 : i32
    %scan3A_26 = arith.addi %scan3A, %scan3A_25 : i32
    %scan3A_27 = arith.constant 1 : i32
    scf.for %scan3A_67 = %scan3A to %scan3A_26 step %scan3A_27  : i32 {
      %mul3A_68 = arith.constant 5 : i32
      %mul3A_69 = arith.muli %scan3A_67, %mul3A_68 : i32
      %add3A = arith.constant 0 : i32
      %add3A_70 = arith.addi %add3A, %mul3A_69 : i32
      %dma_wait3A_71 = arith.constant 0 : i32
      %dma_wait3A_72 = arith.constant 0 : i32
      %dma_wait3A_73 = tpu.memref_slice %arg2[%dma_wait3A_71, %dma_wait3A_72] : memref<10000x128xf32, #tpu.memory_space<hbm>> -> memref<40x128xf32, #tpu.memory_space<hbm>>
      %dma_wait3A_74 = arith.constant 0 : i32
      %dma_wait3A_75 = arith.constant 0 : i32
      %dma_wait3A_76 = tpu.memref_slice %arg2[%dma_wait3A_74, %dma_wait3A_75] : memref<10000x128xf32, #tpu.memory_space<hbm>> -> memref<40x128xf32, #tpu.memory_space<hbm>>
      tpu.wait_dma2 semaphore(%arg15 : memref<!tpu.dma_semaphore, #tpu.memory_space<semaphore_mem>>) src(%dma_wait3A_76 : memref<40x128xf32, #tpu.memory_space<hbm>>) dst(%arg9 : memref<40x128xf32, #tpu.memory_space<vmem>>)
      %add3A_77 = arith.constant 0 : i32
      %add3A_78 = arith.addi %add3A_70, %add3A_77 : i32
      "tpu.region"() ({
        %run_scoped3A_161 = tpu.sem_alloc : memref<!tpu.dma_semaphore, #tpu.memory_space<semaphore_mem>>
        %dma_start3A_162 = arith.constant 0 : i32
        %dma_start3A_163 = tpu.memref_slice %arg8[%add3A_78, %dma_start3A_162] : memref<250x40xi32, #tpu.memory_space<vmem>> -> memref<1x40xi32, #tpu.memory_space<vmem>>
        %dma_start3A_164 = tpu.memref_squeeze %dma_start3A_163 : memref<1x40xi32, #tpu.memory_space<vmem>> -> memref<40xi32, #tpu.memory_space<vmem>>
        %dma_start3A_165 = arith.constant 0 : i32
        %dma_start3A_166 = arith.constant 0 : i32
        %dma_start3A_167 = tpu.memref_slice %arg14[%dma_start3A_165, %dma_start3A_166] : memref<10240x128xf32, #tpu.memory_space<vmem_shared>> -> memref<10240x128xf32, #tpu.memory_space<vmem_shared>>
        tpu.enqueue_indirect_dma source(%arg9 : memref<40x128xf32, #tpu.memory_space<vmem>>) target(%dma_start3A_167 : memref<10240x128xf32, #tpu.memory_space<vmem_shared>>) offsets(%dma_start3A_164 : memref<40xi32, #tpu.memory_space<vmem>>) semaphore(%run_scoped3A_161 : memref<!tpu.dma_semaphore, #tpu.memory_space<semaphore_mem>>) {add = true}
        %dma_wait3A_168 = arith.constant 0 : i32
        %dma_wait3A_169 = tpu.memref_slice %arg8[%add3A_78, %dma_wait3A_168] : memref<250x40xi32, #tpu.memory_space<vmem>> -> memref<1x40xi32, #tpu.memory_space<vmem>>
        %dma_wait3A_170 = tpu.memref_squeeze %dma_wait3A_169 : memref<1x40xi32, #tpu.memory_space<vmem>> -> memref<40xi32, #tpu.memory_space<vmem>>
        %dma_wait3A_171 = arith.constant 0 : i32
        %dma_wait3A_172 = arith.constant 0 : i32
        %dma_wait3A_173 = tpu.memref_slice %arg14[%dma_wait3A_171, %dma_wait3A_172] : memref<10240x128xf32, #tpu.memory_space<vmem_shared>> -> memref<10240x128xf32, #tpu.memory_space<vmem_shared>>
        tpu.wait_indirect_dma semaphore(%run_scoped3A_161 : memref<!tpu.dma_semaphore, #tpu.memory_space<semaphore_mem>>) src(%arg9 : memref<40x128xf32, #tpu.memory_space<vmem>>) dst(%dma_wait3A_173 : memref<10240x128xf32, #tpu.memory_space<vmem_shared>>)
        tpu.yield
      }) : () -> ()
      %add3A_79 = arith.constant 5 : i32
      %add3A_80 = arith.addi %add3A_70, %add3A_79 : i32
      %add3A_81 = arith.constant 0 : i32
      %add3A_82 = arith.addi %add3A_80, %add3A_81 : i32
      %mul3A_83 = arith.constant 40 : i32
      %mul3A_84 = arith.muli %add3A_82, %mul3A_83 : i32
      %dma_start3A_85 = tpu.memref_slice %arg7[%mul3A_84] : memref<10000xi32, #tpu.memory_space<vmem>> -> memref<40xi32, #tpu.memory_space<vmem>>
      %dma_start3A_86 = arith.constant 0 : i32
      %dma_start3A_87 = arith.constant 0 : i32
      %dma_start3A_88 = tpu.memref_slice %arg2[%dma_start3A_86, %dma_start3A_87] : memref<10000x128xf32, #tpu.memory_space<hbm>> -> memref<10000x128xf32, #tpu.memory_space<hbm>>
      tpu.enqueue_indirect_dma source(%dma_start3A_88 : memref<10000x128xf32, #tpu.memory_space<hbm>>) target(%arg9 : memref<40x128xf32, #tpu.memory_space<vmem>>) offsets(%dma_start3A_85 : memref<40xi32, #tpu.memory_space<vmem>>) semaphore(%arg15 : memref<!tpu.dma_semaphore, #tpu.memory_space<semaphore_mem>>)
      %dma_wait3A_89 = arith.constant 0 : i32
      %dma_wait3A_90 = arith.constant 0 : i32
      %dma_wait3A_91 = tpu.memref_slice %arg2[%dma_wait3A_89, %dma_wait3A_90] : memref<10000x128xf32, #tpu.memory_space<hbm>> -> memref<40x128xf32, #tpu.memory_space<hbm>>
      %dma_wait3A_92 = arith.constant 0 : i32
      %dma_wait3A_93 = arith.constant 0 : i32
      %dma_wait3A_94 = tpu.memref_slice %arg2[%dma_wait3A_92, %dma_wait3A_93] : memref<10000x128xf32, #tpu.memory_space<hbm>> -> memref<40x128xf32, #tpu.memory_space<hbm>>
      tpu.wait_dma2 semaphore(%arg16 : memref<!tpu.dma_semaphore, #tpu.memory_space<semaphore_mem>>) src(%dma_wait3A_94 : memref<40x128xf32, #tpu.memory_space<hbm>>) dst(%arg10 : memref<40x128xf32, #tpu.memory_space<vmem>>)
      %add3A_95 = arith.constant 1 : i32
      %add3A_96 = arith.addi %add3A_70, %add3A_95 : i32
      "tpu.region"() ({
        %run_scoped3A_161 = tpu.sem_alloc : memref<!tpu.dma_semaphore, #tpu.memory_space<semaphore_mem>>
        %dma_start3A_162 = arith.constant 0 : i32
        %dma_start3A_163 = tpu.memref_slice %arg8[%add3A_96, %dma_start3A_162] : memref<250x40xi32, #tpu.memory_space<vmem>> -> memref<1x40xi32, #tpu.memory_space<vmem>>
        %dma_start3A_164 = tpu.memref_squeeze %dma_start3A_163 : memref<1x40xi32, #tpu.memory_space<vmem>> -> memref<40xi32, #tpu.memory_space<vmem>>
        %dma_start3A_165 = arith.constant 0 : i32
        %dma_start3A_166 = arith.constant 0 : i32
        %dma_start3A_167 = tpu.memref_slice %arg14[%dma_start3A_165, %dma_start3A_166] : memref<10240x128xf32, #tpu.memory_space<vmem_shared>> -> memref<10240x128xf32, #tpu.memory_space<vmem_shared>>
        tpu.enqueue_indirect_dma source(%arg10 : memref<40x128xf32, #tpu.memory_space<vmem>>) target(%dma_start3A_167 : memref<10240x128xf32, #tpu.memory_space<vmem_shared>>) offsets(%dma_start3A_164 : memref<40xi32, #tpu.memory_space<vmem>>) semaphore(%run_scoped3A_161 : memref<!tpu.dma_semaphore, #tpu.memory_space<semaphore_mem>>) {add = true}
        %dma_wait3A_168 = arith.constant 0 : i32
        %dma_wait3A_169 = tpu.memref_slice %arg8[%add3A_96, %dma_wait3A_168] : memref<250x40xi32, #tpu.memory_space<vmem>> -> memref<1x40xi32, #tpu.memory_space<vmem>>
        %dma_wait3A_170 = tpu.memref_squeeze %dma_wait3A_169 : memref<1x40xi32, #tpu.memory_space<vmem>> -> memref<40xi32, #tpu.memory_space<vmem>>
        %dma_wait3A_171 = arith.constant 0 : i32
        %dma_wait3A_172 = arith.constant 0 : i32
        %dma_wait3A_173 = tpu.memref_slice %arg14[%dma_wait3A_171, %dma_wait3A_172] : memref<10240x128xf32, #tpu.memory_space<vmem_shared>> -> memref<10240x128xf32, #tpu.memory_space<vmem_shared>>
        tpu.wait_indirect_dma semaphore(%run_scoped3A_161 : memref<!tpu.dma_semaphore, #tpu.memory_space<semaphore_mem>>) src(%arg10 : memref<40x128xf32, #tpu.memory_space<vmem>>) dst(%dma_wait3A_173 : memref<10240x128xf32, #tpu.memory_space<vmem_shared>>)
        tpu.yield
      }) : () -> ()
      %add3A_97 = arith.constant 5 : i32
      %add3A_98 = arith.addi %add3A_70, %add3A_97 : i32
      %add3A_99 = arith.constant 1 : i32
      %add3A_100 = arith.addi %add3A_98, %add3A_99 : i32
      %mul3A_101 = arith.constant 40 : i32
      %mul3A_102 = arith.muli %add3A_100, %mul3A_101 : i32
      %dma_start3A_103 = tpu.memref_slice %arg7[%mul3A_102] : memref<10000xi32, #tpu.memory_space<vmem>> -> memref<40xi32, #tpu.memory_space<vmem>>
      %dma_start3A_104 = arith.constant 0 : i32
      %dma_start3A_105 = arith.constant 0 : i32
      %dma_start3A_106 = tpu.memref_slice %arg2[%dma_start3A_104, %dma_start3A_105] : memref<10000x128xf32, #tpu.memory_space<hbm>> -> memref<10000x128xf32, #tpu.memory_space<hbm>>
      tpu.enqueue_indirect_dma source(%dma_start3A_106 : memref<10000x128xf32, #tpu.memory_space<hbm>>) target(%arg10 : memref<40x128xf32, #tpu.memory_space<vmem>>) offsets(%dma_start3A_103 : memref<40xi32, #tpu.memory_space<vmem>>) semaphore(%arg16 : memref<!tpu.dma_semaphore, #tpu.memory_space<semaphore_mem>>)
      %dma_wait3A_107 = arith.constant 0 : i32
      %dma_wait3A_108 = arith.constant 0 : i32
      %dma_wait3A_109 = tpu.memref_slice %arg2[%dma_wait3A_107, %dma_wait3A_108] : memref<10000x128xf32, #tpu.memory_space<hbm>> -> memref<40x128xf32, #tpu.memory_space<hbm>>
      %dma_wait3A_110 = arith.constant 0 : i32
      %dma_wait3A_111 = arith.constant 0 : i32
      %dma_wait3A_112 = tpu.memref_slice %arg2[%dma_wait3A_110, %dma_wait3A_111] : memref<10000x128xf32, #tpu.memory_space<hbm>> -> memref<40x128xf32, #tpu.memory_space<hbm>>
      tpu.wait_dma2 semaphore(%arg17 : memref<!tpu.dma_semaphore, #tpu.memory_space<semaphore_mem>>) src(%dma_wait3A_112 : memref<40x128xf32, #tpu.memory_space<hbm>>) dst(%arg11 : memref<40x128xf32, #tpu.memory_space<vmem>>)
      %add3A_113 = arith.constant 2 : i32
      %add3A_114 = arith.addi %add3A_70, %add3A_113 : i32
      "tpu.region"() ({
        %run_scoped3A_161 = tpu.sem_alloc : memref<!tpu.dma_semaphore, #tpu.memory_space<semaphore_mem>>
        %dma_start3A_162 = arith.constant 0 : i32
        %dma_start3A_163 = tpu.memref_slice %arg8[%add3A_114, %dma_start3A_162] : memref<250x40xi32, #tpu.memory_space<vmem>> -> memref<1x40xi32, #tpu.memory_space<vmem>>
        %dma_start3A_164 = tpu.memref_squeeze %dma_start3A_163 : memref<1x40xi32, #tpu.memory_space<vmem>> -> memref<40xi32, #tpu.memory_space<vmem>>
        %dma_start3A_165 = arith.constant 0 : i32
        %dma_start3A_166 = arith.constant 0 : i32
        %dma_start3A_167 = tpu.memref_slice %arg14[%dma_start3A_165, %dma_start3A_166] : memref<10240x128xf32, #tpu.memory_space<vmem_shared>> -> memref<10240x128xf32, #tpu.memory_space<vmem_shared>>
        tpu.enqueue_indirect_dma source(%arg11 : memref<40x128xf32, #tpu.memory_space<vmem>>) target(%dma_start3A_167 : memref<10240x128xf32, #tpu.memory_space<vmem_shared>>) offsets(%dma_start3A_164 : memref<40xi32, #tpu.memory_space<vmem>>) semaphore(%run_scoped3A_161 : memref<!tpu.dma_semaphore, #tpu.memory_space<semaphore_mem>>) {add = true}
        %dma_wait3A_168 = arith.constant 0 : i32
        %dma_wait3A_169 = tpu.memref_slice %arg8[%add3A_114, %dma_wait3A_168] : memref<250x40xi32, #tpu.memory_space<vmem>> -> memref<1x40xi32, #tpu.memory_space<vmem>>
        %dma_wait3A_170 = tpu.memref_squeeze %dma_wait3A_169 : memref<1x40xi32, #tpu.memory_space<vmem>> -> memref<40xi32, #tpu.memory_space<vmem>>
        %dma_wait3A_171 = arith.constant 0 : i32
        %dma_wait3A_172 = arith.constant 0 : i32
        %dma_wait3A_173 = tpu.memref_slice %arg14[%dma_wait3A_171, %dma_wait3A_172] : memref<10240x128xf32, #tpu.memory_space<vmem_shared>> -> memref<10240x128xf32, #tpu.memory_space<vmem_shared>>
        tpu.wait_indirect_dma semaphore(%run_scoped3A_161 : memref<!tpu.dma_semaphore, #tpu.memory_space<semaphore_mem>>) src(%arg11 : memref<40x128xf32, #tpu.memory_space<vmem>>) dst(%dma_wait3A_173 : memref<10240x128xf32, #tpu.memory_space<vmem_shared>>)
        tpu.yield
      }) : () -> ()
      %add3A_115 = arith.constant 5 : i32
      %add3A_116 = arith.addi %add3A_70, %add3A_115 : i32
      %add3A_117 = arith.constant 2 : i32
      %add3A_118 = arith.addi %add3A_116, %add3A_117 : i32
      %mul3A_119 = arith.constant 40 : i32
      %mul3A_120 = arith.muli %add3A_118, %mul3A_119 : i32
      %dma_start3A_121 = tpu.memref_slice %arg7[%mul3A_120] : memref<10000xi32, #tpu.memory_space<vmem>> -> memref<40xi32, #tpu.memory_space<vmem>>
      %dma_start3A_122 = arith.constant 0 : i32
      %dma_start3A_123 = arith.constant 0 : i32
      %dma_start3A_124 = tpu.memref_slice %arg2[%dma_start3A_122, %dma_start3A_123] : memref<10000x128xf32, #tpu.memory_space<hbm>> -> memref<10000x128xf32, #tpu.memory_space<hbm>>
      tpu.enqueue_indirect_dma source(%dma_start3A_124 : memref<10000x128xf32, #tpu.memory_space<hbm>>) target(%arg11 : memref<40x128xf32, #tpu.memory_space<vmem>>) offsets(%dma_start3A_121 : memref<40xi32, #tpu.memory_space<vmem>>) semaphore(%arg17 : memref<!tpu.dma_semaphore, #tpu.memory_space<semaphore_mem>>)
      %dma_wait3A_125 = arith.constant 0 : i32
      %dma_wait3A_126 = arith.constant 0 : i32
      %dma_wait3A_127 = tpu.memref_slice %arg2[%dma_wait3A_125, %dma_wait3A_126] : memref<10000x128xf32, #tpu.memory_space<hbm>> -> memref<40x128xf32, #tpu.memory_space<hbm>>
      %dma_wait3A_128 = arith.constant 0 : i32
      %dma_wait3A_129 = arith.constant 0 : i32
      %dma_wait3A_130 = tpu.memref_slice %arg2[%dma_wait3A_128, %dma_wait3A_129] : memref<10000x128xf32, #tpu.memory_space<hbm>> -> memref<40x128xf32, #tpu.memory_space<hbm>>
      tpu.wait_dma2 semaphore(%arg18 : memref<!tpu.dma_semaphore, #tpu.memory_space<semaphore_mem>>) src(%dma_wait3A_130 : memref<40x128xf32, #tpu.memory_space<hbm>>) dst(%arg12 : memref<40x128xf32, #tpu.memory_space<vmem>>)
      %add3A_131 = arith.constant 3 : i32
      %add3A_132 = arith.addi %add3A_70, %add3A_131 : i32
      "tpu.region"() ({
        %run_scoped3A_161 = tpu.sem_alloc : memref<!tpu.dma_semaphore, #tpu.memory_space<semaphore_mem>>
        %dma_start3A_162 = arith.constant 0 : i32
        %dma_start3A_163 = tpu.memref_slice %arg8[%add3A_132, %dma_start3A_162] : memref<250x40xi32, #tpu.memory_space<vmem>> -> memref<1x40xi32, #tpu.memory_space<vmem>>
        %dma_start3A_164 = tpu.memref_squeeze %dma_start3A_163 : memref<1x40xi32, #tpu.memory_space<vmem>> -> memref<40xi32, #tpu.memory_space<vmem>>
        %dma_start3A_165 = arith.constant 0 : i32
        %dma_start3A_166 = arith.constant 0 : i32
        %dma_start3A_167 = tpu.memref_slice %arg14[%dma_start3A_165, %dma_start3A_166] : memref<10240x128xf32, #tpu.memory_space<vmem_shared>> -> memref<10240x128xf32, #tpu.memory_space<vmem_shared>>
        tpu.enqueue_indirect_dma source(%arg12 : memref<40x128xf32, #tpu.memory_space<vmem>>) target(%dma_start3A_167 : memref<10240x128xf32, #tpu.memory_space<vmem_shared>>) offsets(%dma_start3A_164 : memref<40xi32, #tpu.memory_space<vmem>>) semaphore(%run_scoped3A_161 : memref<!tpu.dma_semaphore, #tpu.memory_space<semaphore_mem>>) {add = true}
        %dma_wait3A_168 = arith.constant 0 : i32
        %dma_wait3A_169 = tpu.memref_slice %arg8[%add3A_132, %dma_wait3A_168] : memref<250x40xi32, #tpu.memory_space<vmem>> -> memref<1x40xi32, #tpu.memory_space<vmem>>
        %dma_wait3A_170 = tpu.memref_squeeze %dma_wait3A_169 : memref<1x40xi32, #tpu.memory_space<vmem>> -> memref<40xi32, #tpu.memory_space<vmem>>
        %dma_wait3A_171 = arith.constant 0 : i32
        %dma_wait3A_172 = arith.constant 0 : i32
        %dma_wait3A_173 = tpu.memref_slice %arg14[%dma_wait3A_171, %dma_wait3A_172] : memref<10240x128xf32, #tpu.memory_space<vmem_shared>> -> memref<10240x128xf32, #tpu.memory_space<vmem_shared>>
        tpu.wait_indirect_dma semaphore(%run_scoped3A_161 : memref<!tpu.dma_semaphore, #tpu.memory_space<semaphore_mem>>) src(%arg12 : memref<40x128xf32, #tpu.memory_space<vmem>>) dst(%dma_wait3A_173 : memref<10240x128xf32, #tpu.memory_space<vmem_shared>>)
        tpu.yield
      }) : () -> ()
      %add3A_133 = arith.constant 5 : i32
      %add3A_134 = arith.addi %add3A_70, %add3A_133 : i32
      %add3A_135 = arith.constant 3 : i32
      %add3A_136 = arith.addi %add3A_134, %add3A_135 : i32
      %mul3A_137 = arith.constant 40 : i32
      %mul3A_138 = arith.muli %add3A_136, %mul3A_137 : i32
      %dma_start3A_139 = tpu.memref_slice %arg7[%mul3A_138] : memref<10000xi32, #tpu.memory_space<vmem>> -> memref<40xi32, #tpu.memory_space<vmem>>
      %dma_start3A_140 = arith.constant 0 : i32
      %dma_start3A_141 = arith.constant 0 : i32
      %dma_start3A_142 = tpu.memref_slice %arg2[%dma_start3A_140, %dma_start3A_141] : memref<10000x128xf32, #tpu.memory_space<hbm>> -> memref<10000x128xf32, #tpu.memory_space<hbm>>
      tpu.enqueue_indirect_dma source(%dma_start3A_142 : memref<10000x128xf32, #tpu.memory_space<hbm>>) target(%arg12 : memref<40x128xf32, #tpu.memory_space<vmem>>) offsets(%dma_start3A_139 : memref<40xi32, #tpu.memory_space<vmem>>) semaphore(%arg18 : memref<!tpu.dma_semaphore, #tpu.memory_space<semaphore_mem>>)
      %dma_wait3A_143 = arith.constant 0 : i32
      %dma_wait3A_144 = arith.constant 0 : i32
      %dma_wait3A_145 = tpu.memref_slice %arg2[%dma_wait3A_143, %dma_wait3A_144] : memref<10000x128xf32, #tpu.memory_space<hbm>> -> memref<40x128xf32, #tpu.memory_space<hbm>>
      %dma_wait3A_146 = arith.constant 0 : i32
      %dma_wait3A_147 = arith.constant 0 : i32
      %dma_wait3A_148 = tpu.memref_slice %arg2[%dma_wait3A_146, %dma_wait3A_147] : memref<10000x128xf32, #tpu.memory_space<hbm>> -> memref<40x128xf32, #tpu.memory_space<hbm>>
      tpu.wait_dma2 semaphore(%arg19 : memref<!tpu.dma_semaphore, #tpu.memory_space<semaphore_mem>>) src(%dma_wait3A_148 : memref<40x128xf32, #tpu.memory_space<hbm>>) dst(%arg13 : memref<40x128xf32, #tpu.memory_space<vmem>>)
      %add3A_149 = arith.constant 4 : i32
      %add3A_150 = arith.addi %add3A_70, %add3A_149 : i32
      "tpu.region"() ({
        %run_scoped3A_161 = tpu.sem_alloc : memref<!tpu.dma_semaphore, #tpu.memory_space<semaphore_mem>>
        %dma_start3A_162 = arith.constant 0 : i32
        %dma_start3A_163 = tpu.memref_slice %arg8[%add3A_150, %dma_start3A_162] : memref<250x40xi32, #tpu.memory_space<vmem>> -> memref<1x40xi32, #tpu.memory_space<vmem>>
        %dma_start3A_164 = tpu.memref_squeeze %dma_start3A_163 : memref<1x40xi32, #tpu.memory_space<vmem>> -> memref<40xi32, #tpu.memory_space<vmem>>
        %dma_start3A_165 = arith.constant 0 : i32
        %dma_start3A_166 = arith.constant 0 : i32
        %dma_start3A_167 = tpu.memref_slice %arg14[%dma_start3A_165, %dma_start3A_166] : memref<10240x128xf32, #tpu.memory_space<vmem_shared>> -> memref<10240x128xf32, #tpu.memory_space<vmem_shared>>
        tpu.enqueue_indirect_dma source(%arg13 : memref<40x128xf32, #tpu.memory_space<vmem>>) target(%dma_start3A_167 : memref<10240x128xf32, #tpu.memory_space<vmem_shared>>) offsets(%dma_start3A_164 : memref<40xi32, #tpu.memory_space<vmem>>) semaphore(%run_scoped3A_161 : memref<!tpu.dma_semaphore, #tpu.memory_space<semaphore_mem>>) {add = true}
        %dma_wait3A_168 = arith.constant 0 : i32
        %dma_wait3A_169 = tpu.memref_slice %arg8[%add3A_150, %dma_wait3A_168] : memref<250x40xi32, #tpu.memory_space<vmem>> -> memref<1x40xi32, #tpu.memory_space<vmem>>
        %dma_wait3A_170 = tpu.memref_squeeze %dma_wait3A_169 : memref<1x40xi32, #tpu.memory_space<vmem>> -> memref<40xi32, #tpu.memory_space<vmem>>
        %dma_wait3A_171 = arith.constant 0 : i32
        %dma_wait3A_172 = arith.constant 0 : i32
        %dma_wait3A_173 = tpu.memref_slice %arg14[%dma_wait3A_171, %dma_wait3A_172] : memref<10240x128xf32, #tpu.memory_space<vmem_shared>> -> memref<10240x128xf32, #tpu.memory_space<vmem_shared>>
        tpu.wait_indirect_dma semaphore(%run_scoped3A_161 : memref<!tpu.dma_semaphore, #tpu.memory_space<semaphore_mem>>) src(%arg13 : memref<40x128xf32, #tpu.memory_space<vmem>>) dst(%dma_wait3A_173 : memref<10240x128xf32, #tpu.memory_space<vmem_shared>>)
        tpu.yield
      }) : () -> ()
      %add3A_151 = arith.constant 5 : i32
      %add3A_152 = arith.addi %add3A_70, %add3A_151 : i32
      %add3A_153 = arith.constant 4 : i32
      %add3A_154 = arith.addi %add3A_152, %add3A_153 : i32
      %mul3A_155 = arith.constant 40 : i32
      %mul3A_156 = arith.muli %add3A_154, %mul3A_155 : i32
      %dma_start3A_157 = tpu.memref_slice %arg7[%mul3A_156] : memref<10000xi32, #tpu.memory_space<vmem>> -> memref<40xi32, #tpu.memory_space<vmem>>
      %dma_start3A_158 = arith.constant 0 : i32
      %dma_start3A_159 = arith.constant 0 : i32
      %dma_start3A_160 = tpu.memref_slice %arg2[%dma_start3A_158, %dma_start3A_159] : memref<10000x128xf32, #tpu.memory_space<hbm>> -> memref<10000x128xf32, #tpu.memory_space<hbm>>
      tpu.enqueue_indirect_dma source(%dma_start3A_160 : memref<10000x128xf32, #tpu.memory_space<hbm>>) target(%arg13 : memref<40x128xf32, #tpu.memory_space<vmem>>) offsets(%dma_start3A_157 : memref<40xi32, #tpu.memory_space<vmem>>) semaphore(%arg19 : memref<!tpu.dma_semaphore, #tpu.memory_space<semaphore_mem>>)
    }
    %scan3A_28 = arith.constant 49 : i32
    %dma_wait3A = arith.constant 0 : i32
    %dma_wait3A_29 = arith.constant 0 : i32
    %dma_wait3A_30 = tpu.memref_slice %arg2[%dma_wait3A, %dma_wait3A_29] : memref<10000x128xf32, #tpu.memory_space<hbm>> -> memref<40x128xf32, #tpu.memory_space<hbm>>
    %dma_wait3A_31 = arith.constant 0 : i32
    %dma_wait3A_32 = arith.constant 0 : i32
    %dma_wait3A_33 = tpu.memref_slice %arg2[%dma_wait3A_31, %dma_wait3A_32] : memref<10000x128xf32, #tpu.memory_space<hbm>> -> memref<40x128xf32, #tpu.memory_space<hbm>>
    tpu.wait_dma2 semaphore(%arg15 : memref<!tpu.dma_semaphore, #tpu.memory_space<semaphore_mem>>) src(%dma_wait3A_33 : memref<40x128xf32, #tpu.memory_space<hbm>>) dst(%arg9 : memref<40x128xf32, #tpu.memory_space<vmem>>)
    %run_scoped3A = arith.constant 245 : i32
    "tpu.region"() ({
      %run_scoped3A_67 = tpu.sem_alloc : memref<!tpu.dma_semaphore, #tpu.memory_space<semaphore_mem>>
      %dma_start3A_68 = arith.constant 0 : i32
      %dma_start3A_69 = tpu.memref_slice %arg8[%run_scoped3A, %dma_start3A_68] : memref<250x40xi32, #tpu.memory_space<vmem>> -> memref<1x40xi32, #tpu.memory_space<vmem>>
      %dma_start3A_70 = tpu.memref_squeeze %dma_start3A_69 : memref<1x40xi32, #tpu.memory_space<vmem>> -> memref<40xi32, #tpu.memory_space<vmem>>
      %dma_start3A_71 = arith.constant 0 : i32
      %dma_start3A_72 = arith.constant 0 : i32
      %dma_start3A_73 = tpu.memref_slice %arg14[%dma_start3A_71, %dma_start3A_72] : memref<10240x128xf32, #tpu.memory_space<vmem_shared>> -> memref<10240x128xf32, #tpu.memory_space<vmem_shared>>
      tpu.enqueue_indirect_dma source(%arg9 : memref<40x128xf32, #tpu.memory_space<vmem>>) target(%dma_start3A_73 : memref<10240x128xf32, #tpu.memory_space<vmem_shared>>) offsets(%dma_start3A_70 : memref<40xi32, #tpu.memory_space<vmem>>) semaphore(%run_scoped3A_67 : memref<!tpu.dma_semaphore, #tpu.memory_space<semaphore_mem>>) {add = true}
      %dma_wait3A_74 = arith.constant 0 : i32
      %dma_wait3A_75 = tpu.memref_slice %arg8[%run_scoped3A, %dma_wait3A_74] : memref<250x40xi32, #tpu.memory_space<vmem>> -> memref<1x40xi32, #tpu.memory_space<vmem>>
      %dma_wait3A_76 = tpu.memref_squeeze %dma_wait3A_75 : memref<1x40xi32, #tpu.memory_space<vmem>> -> memref<40xi32, #tpu.memory_space<vmem>>
      %dma_wait3A_77 = arith.constant 0 : i32
      %dma_wait3A_78 = arith.constant 0 : i32
      %dma_wait3A_79 = tpu.memref_slice %arg14[%dma_wait3A_77, %dma_wait3A_78] : memref<10240x128xf32, #tpu.memory_space<vmem_shared>> -> memref<10240x128xf32, #tpu.memory_space<vmem_shared>>
      tpu.wait_indirect_dma semaphore(%run_scoped3A_67 : memref<!tpu.dma_semaphore, #tpu.memory_space<semaphore_mem>>) src(%arg9 : memref<40x128xf32, #tpu.memory_space<vmem>>) dst(%dma_wait3A_79 : memref<10240x128xf32, #tpu.memory_space<vmem_shared>>)
      tpu.yield
    }) : () -> ()
    %dma_wait3A_34 = arith.constant 0 : i32
    %dma_wait3A_35 = arith.constant 0 : i32
    %dma_wait3A_36 = tpu.memref_slice %arg2[%dma_wait3A_34, %dma_wait3A_35] : memref<10000x128xf32, #tpu.memory_space<hbm>> -> memref<40x128xf32, #tpu.memory_space<hbm>>
    %dma_wait3A_37 = arith.constant 0 : i32
    %dma_wait3A_38 = arith.constant 0 : i32
    %dma_wait3A_39 = tpu.memref_slice %arg2[%dma_wait3A_37, %dma_wait3A_38] : memref<10000x128xf32, #tpu.memory_space<hbm>> -> memref<40x128xf32, #tpu.memory_space<hbm>>
    tpu.wait_dma2 semaphore(%arg16 : memref<!tpu.dma_semaphore, #tpu.memory_space<semaphore_mem>>) src(%dma_wait3A_39 : memref<40x128xf32, #tpu.memory_space<hbm>>) dst(%arg10 : memref<40x128xf32, #tpu.memory_space<vmem>>)
    %run_scoped3A_40 = arith.constant 246 : i32
    "tpu.region"() ({
      %run_scoped3A_67 = tpu.sem_alloc : memref<!tpu.dma_semaphore, #tpu.memory_space<semaphore_mem>>
      %dma_start3A_68 = arith.constant 0 : i32
      %dma_start3A_69 = tpu.memref_slice %arg8[%run_scoped3A_40, %dma_start3A_68] : memref<250x40xi32, #tpu.memory_space<vmem>> -> memref<1x40xi32, #tpu.memory_space<vmem>>
      %dma_start3A_70 = tpu.memref_squeeze %dma_start3A_69 : memref<1x40xi32, #tpu.memory_space<vmem>> -> memref<40xi32, #tpu.memory_space<vmem>>
      %dma_start3A_71 = arith.constant 0 : i32
      %dma_start3A_72 = arith.constant 0 : i32
      %dma_start3A_73 = tpu.memref_slice %arg14[%dma_start3A_71, %dma_start3A_72] : memref<10240x128xf32, #tpu.memory_space<vmem_shared>> -> memref<10240x128xf32, #tpu.memory_space<vmem_shared>>
      tpu.enqueue_indirect_dma source(%arg10 : memref<40x128xf32, #tpu.memory_space<vmem>>) target(%dma_start3A_73 : memref<10240x128xf32, #tpu.memory_space<vmem_shared>>) offsets(%dma_start3A_70 : memref<40xi32, #tpu.memory_space<vmem>>) semaphore(%run_scoped3A_67 : memref<!tpu.dma_semaphore, #tpu.memory_space<semaphore_mem>>) {add = true}
      %dma_wait3A_74 = arith.constant 0 : i32
      %dma_wait3A_75 = tpu.memref_slice %arg8[%run_scoped3A_40, %dma_wait3A_74] : memref<250x40xi32, #tpu.memory_space<vmem>> -> memref<1x40xi32, #tpu.memory_space<vmem>>
      %dma_wait3A_76 = tpu.memref_squeeze %dma_wait3A_75 : memref<1x40xi32, #tpu.memory_space<vmem>> -> memref<40xi32, #tpu.memory_space<vmem>>
      %dma_wait3A_77 = arith.constant 0 : i32
      %dma_wait3A_78 = arith.constant 0 : i32
      %dma_wait3A_79 = tpu.memref_slice %arg14[%dma_wait3A_77, %dma_wait3A_78] : memref<10240x128xf32, #tpu.memory_space<vmem_shared>> -> memref<10240x128xf32, #tpu.memory_space<vmem_shared>>
      tpu.wait_indirect_dma semaphore(%run_scoped3A_67 : memref<!tpu.dma_semaphore, #tpu.memory_space<semaphore_mem>>) src(%arg10 : memref<40x128xf32, #tpu.memory_space<vmem>>) dst(%dma_wait3A_79 : memref<10240x128xf32, #tpu.memory_space<vmem_shared>>)
      tpu.yield
    }) : () -> ()
    %dma_wait3A_41 = arith.constant 0 : i32
    %dma_wait3A_42 = arith.constant 0 : i32
    %dma_wait3A_43 = tpu.memref_slice %arg2[%dma_wait3A_41, %dma_wait3A_42] : memref<10000x128xf32, #tpu.memory_space<hbm>> -> memref<40x128xf32, #tpu.memory_space<hbm>>
    %dma_wait3A_44 = arith.constant 0 : i32
    %dma_wait3A_45 = arith.constant 0 : i32
    %dma_wait3A_46 = tpu.memref_slice %arg2[%dma_wait3A_44, %dma_wait3A_45] : memref<10000x128xf32, #tpu.memory_space<hbm>> -> memref<40x128xf32, #tpu.memory_space<hbm>>
    tpu.wait_dma2 semaphore(%arg17 : memref<!tpu.dma_semaphore, #tpu.memory_space<semaphore_mem>>) src(%dma_wait3A_46 : memref<40x128xf32, #tpu.memory_space<hbm>>) dst(%arg11 : memref<40x128xf32, #tpu.memory_space<vmem>>)
    %run_scoped3A_47 = arith.constant 247 : i32
    "tpu.region"() ({
      %run_scoped3A_67 = tpu.sem_alloc : memref<!tpu.dma_semaphore, #tpu.memory_space<semaphore_mem>>
      %dma_start3A_68 = arith.constant 0 : i32
      %dma_start3A_69 = tpu.memref_slice %arg8[%run_scoped3A_47, %dma_start3A_68] : memref<250x40xi32, #tpu.memory_space<vmem>> -> memref<1x40xi32, #tpu.memory_space<vmem>>
      %dma_start3A_70 = tpu.memref_squeeze %dma_start3A_69 : memref<1x40xi32, #tpu.memory_space<vmem>> -> memref<40xi32, #tpu.memory_space<vmem>>
      %dma_start3A_71 = arith.constant 0 : i32
      %dma_start3A_72 = arith.constant 0 : i32
      %dma_start3A_73 = tpu.memref_slice %arg14[%dma_start3A_71, %dma_start3A_72] : memref<10240x128xf32, #tpu.memory_space<vmem_shared>> -> memref<10240x128xf32, #tpu.memory_space<vmem_shared>>
      tpu.enqueue_indirect_dma source(%arg11 : memref<40x128xf32, #tpu.memory_space<vmem>>) target(%dma_start3A_73 : memref<10240x128xf32, #tpu.memory_space<vmem_shared>>) offsets(%dma_start3A_70 : memref<40xi32, #tpu.memory_space<vmem>>) semaphore(%run_scoped3A_67 : memref<!tpu.dma_semaphore, #tpu.memory_space<semaphore_mem>>) {add = true}
      %dma_wait3A_74 = arith.constant 0 : i32
      %dma_wait3A_75 = tpu.memref_slice %arg8[%run_scoped3A_47, %dma_wait3A_74] : memref<250x40xi32, #tpu.memory_space<vmem>> -> memref<1x40xi32, #tpu.memory_space<vmem>>
      %dma_wait3A_76 = tpu.memref_squeeze %dma_wait3A_75 : memref<1x40xi32, #tpu.memory_space<vmem>> -> memref<40xi32, #tpu.memory_space<vmem>>
      %dma_wait3A_77 = arith.constant 0 : i32
      %dma_wait3A_78 = arith.constant 0 : i32
      %dma_wait3A_79 = tpu.memref_slice %arg14[%dma_wait3A_77, %dma_wait3A_78] : memref<10240x128xf32, #tpu.memory_space<vmem_shared>> -> memref<10240x128xf32, #tpu.memory_space<vmem_shared>>
      tpu.wait_indirect_dma semaphore(%run_scoped3A_67 : memref<!tpu.dma_semaphore, #tpu.memory_space<semaphore_mem>>) src(%arg11 : memref<40x128xf32, #tpu.memory_space<vmem>>) dst(%dma_wait3A_79 : memref<10240x128xf32, #tpu.memory_space<vmem_shared>>)
      tpu.yield
    }) : () -> ()
    %dma_wait3A_48 = arith.constant 0 : i32
    %dma_wait3A_49 = arith.constant 0 : i32
    %dma_wait3A_50 = tpu.memref_slice %arg2[%dma_wait3A_48, %dma_wait3A_49] : memref<10000x128xf32, #tpu.memory_space<hbm>> -> memref<40x128xf32, #tpu.memory_space<hbm>>
    %dma_wait3A_51 = arith.constant 0 : i32
    %dma_wait3A_52 = arith.constant 0 : i32
    %dma_wait3A_53 = tpu.memref_slice %arg2[%dma_wait3A_51, %dma_wait3A_52] : memref<10000x128xf32, #tpu.memory_space<hbm>> -> memref<40x128xf32, #tpu.memory_space<hbm>>
    tpu.wait_dma2 semaphore(%arg18 : memref<!tpu.dma_semaphore, #tpu.memory_space<semaphore_mem>>) src(%dma_wait3A_53 : memref<40x128xf32, #tpu.memory_space<hbm>>) dst(%arg12 : memref<40x128xf32, #tpu.memory_space<vmem>>)
    %run_scoped3A_54 = arith.constant 248 : i32
    "tpu.region"() ({
      %run_scoped3A_67 = tpu.sem_alloc : memref<!tpu.dma_semaphore, #tpu.memory_space<semaphore_mem>>
      %dma_start3A_68 = arith.constant 0 : i32
      %dma_start3A_69 = tpu.memref_slice %arg8[%run_scoped3A_54, %dma_start3A_68] : memref<250x40xi32, #tpu.memory_space<vmem>> -> memref<1x40xi32, #tpu.memory_space<vmem>>
      %dma_start3A_70 = tpu.memref_squeeze %dma_start3A_69 : memref<1x40xi32, #tpu.memory_space<vmem>> -> memref<40xi32, #tpu.memory_space<vmem>>
      %dma_start3A_71 = arith.constant 0 : i32
      %dma_start3A_72 = arith.constant 0 : i32
      %dma_start3A_73 = tpu.memref_slice %arg14[%dma_start3A_71, %dma_start3A_72] : memref<10240x128xf32, #tpu.memory_space<vmem_shared>> -> memref<10240x128xf32, #tpu.memory_space<vmem_shared>>
      tpu.enqueue_indirect_dma source(%arg12 : memref<40x128xf32, #tpu.memory_space<vmem>>) target(%dma_start3A_73 : memref<10240x128xf32, #tpu.memory_space<vmem_shared>>) offsets(%dma_start3A_70 : memref<40xi32, #tpu.memory_space<vmem>>) semaphore(%run_scoped3A_67 : memref<!tpu.dma_semaphore, #tpu.memory_space<semaphore_mem>>) {add = true}
      %dma_wait3A_74 = arith.constant 0 : i32
      %dma_wait3A_75 = tpu.memref_slice %arg8[%run_scoped3A_54, %dma_wait3A_74] : memref<250x40xi32, #tpu.memory_space<vmem>> -> memref<1x40xi32, #tpu.memory_space<vmem>>
      %dma_wait3A_76 = tpu.memref_squeeze %dma_wait3A_75 : memref<1x40xi32, #tpu.memory_space<vmem>> -> memref<40xi32, #tpu.memory_space<vmem>>
      %dma_wait3A_77 = arith.constant 0 : i32
      %dma_wait3A_78 = arith.constant 0 : i32
      %dma_wait3A_79 = tpu.memref_slice %arg14[%dma_wait3A_77, %dma_wait3A_78] : memref<10240x128xf32, #tpu.memory_space<vmem_shared>> -> memref<10240x128xf32, #tpu.memory_space<vmem_shared>>
      tpu.wait_indirect_dma semaphore(%run_scoped3A_67 : memref<!tpu.dma_semaphore, #tpu.memory_space<semaphore_mem>>) src(%arg12 : memref<40x128xf32, #tpu.memory_space<vmem>>) dst(%dma_wait3A_79 : memref<10240x128xf32, #tpu.memory_space<vmem_shared>>)
      tpu.yield
    }) : () -> ()
    %dma_wait3A_55 = arith.constant 0 : i32
    %dma_wait3A_56 = arith.constant 0 : i32
    %dma_wait3A_57 = tpu.memref_slice %arg2[%dma_wait3A_55, %dma_wait3A_56] : memref<10000x128xf32, #tpu.memory_space<hbm>> -> memref<40x128xf32, #tpu.memory_space<hbm>>
    %dma_wait3A_58 = arith.constant 0 : i32
    %dma_wait3A_59 = arith.constant 0 : i32
    %dma_wait3A_60 = tpu.memref_slice %arg2[%dma_wait3A_58, %dma_wait3A_59] : memref<10000x128xf32, #tpu.memory_space<hbm>> -> memref<40x128xf32, #tpu.memory_space<hbm>>
    tpu.wait_dma2 semaphore(%arg19 : memref<!tpu.dma_semaphore, #tpu.memory_space<semaphore_mem>>) src(%dma_wait3A_60 : memref<40x128xf32, #tpu.memory_space<hbm>>) dst(%arg13 : memref<40x128xf32, #tpu.memory_space<vmem>>)
    %run_scoped3A_61 = arith.constant 249 : i32
    "tpu.region"() ({
      %run_scoped3A_67 = tpu.sem_alloc : memref<!tpu.dma_semaphore, #tpu.memory_space<semaphore_mem>>
      %dma_start3A_68 = arith.constant 0 : i32
      %dma_start3A_69 = tpu.memref_slice %arg8[%run_scoped3A_61, %dma_start3A_68] : memref<250x40xi32, #tpu.memory_space<vmem>> -> memref<1x40xi32, #tpu.memory_space<vmem>>
      %dma_start3A_70 = tpu.memref_squeeze %dma_start3A_69 : memref<1x40xi32, #tpu.memory_space<vmem>> -> memref<40xi32, #tpu.memory_space<vmem>>
      %dma_start3A_71 = arith.constant 0 : i32
      %dma_start3A_72 = arith.constant 0 : i32
      %dma_start3A_73 = tpu.memref_slice %arg14[%dma_start3A_71, %dma_start3A_72] : memref<10240x128xf32, #tpu.memory_space<vmem_shared>> -> memref<10240x128xf32, #tpu.memory_space<vmem_shared>>
      tpu.enqueue_indirect_dma source(%arg13 : memref<40x128xf32, #tpu.memory_space<vmem>>) target(%dma_start3A_73 : memref<10240x128xf32, #tpu.memory_space<vmem_shared>>) offsets(%dma_start3A_70 : memref<40xi32, #tpu.memory_space<vmem>>) semaphore(%run_scoped3A_67 : memref<!tpu.dma_semaphore, #tpu.memory_space<semaphore_mem>>) {add = true}
      %dma_wait3A_74 = arith.constant 0 : i32
      %dma_wait3A_75 = tpu.memref_slice %arg8[%run_scoped3A_61, %dma_wait3A_74] : memref<250x40xi32, #tpu.memory_space<vmem>> -> memref<1x40xi32, #tpu.memory_space<vmem>>
      %dma_wait3A_76 = tpu.memref_squeeze %dma_wait3A_75 : memref<1x40xi32, #tpu.memory_space<vmem>> -> memref<40xi32, #tpu.memory_space<vmem>>
      %dma_wait3A_77 = arith.constant 0 : i32
      %dma_wait3A_78 = arith.constant 0 : i32
      %dma_wait3A_79 = tpu.memref_slice %arg14[%dma_wait3A_77, %dma_wait3A_78] : memref<10240x128xf32, #tpu.memory_space<vmem_shared>> -> memref<10240x128xf32, #tpu.memory_space<vmem_shared>>
      tpu.wait_indirect_dma semaphore(%run_scoped3A_67 : memref<!tpu.dma_semaphore, #tpu.memory_space<semaphore_mem>>) src(%arg13 : memref<40x128xf32, #tpu.memory_space<vmem>>) dst(%dma_wait3A_79 : memref<10240x128xf32, #tpu.memory_space<vmem_shared>>)
      tpu.yield
    }) : () -> ()
    %barrier3A_62 = arith.constant 0 : index
    tpu.barrier barrier_id(%barrier3A_62)
    %mul3A_63 = arith.constant 640 : i32
    %mul3A_64 = arith.muli %arg1, %mul3A_63 : i32
    %mul3A_65 = arith.constant 640 : i32
    %mul3A_66 = arith.muli %arg1, %mul3A_65 : i32
    "tpu.region"() ({
      %run_scoped3A_67 = tpu.sem_alloc : memref<!tpu.dma_semaphore, #tpu.memory_space<semaphore_mem>>
      %dma_start3A_68 = arith.constant 0 : i32
      %dma_start3A_69 = arith.constant 0 : i32
      %dma_start3A_70 = tpu.memref_slice %arg6[%arg0, %dma_start3A_68, %dma_start3A_69] : memref<2x10240x128xf32, #tpu.memory_space<hbm>> -> memref<1x10240x128xf32, #tpu.memory_space<hbm>>
      %dma_start3A_71 = tpu.memref_squeeze %dma_start3A_70 : memref<1x10240x128xf32, #tpu.memory_space<hbm>> -> memref<10240x128xf32, #tpu.memory_space<hbm>>
      %dma_start3A_72 = arith.constant 0 : i32
      %dma_start3A_73 = tpu.memref_slice %dma_start3A_71[%mul3A_66, %dma_start3A_72] : memref<10240x128xf32, #tpu.memory_space<hbm>> -> memref<640x128xf32, #tpu.memory_space<hbm>>
      %dma_start3A_74 = arith.constant 0 : i32
      %dma_start3A_75 = tpu.memref_slice %arg14[%mul3A_64, %dma_start3A_74] : memref<10240x128xf32, #tpu.memory_space<vmem_shared>> -> memref<640x128xf32, #tpu.memory_space<vmem_shared>>
      tpu.enqueue_dma source(%dma_start3A_75 : memref<640x128xf32, #tpu.memory_space<vmem_shared>>) target(%dma_start3A_73 : memref<640x128xf32, #tpu.memory_space<hbm>>) target_semaphore(%run_scoped3A_67 : memref<!tpu.dma_semaphore, #tpu.memory_space<semaphore_mem>>)
      %dma_wait3A_76 = arith.constant 0 : i32
      %dma_wait3A_77 = arith.constant 0 : i32
      %dma_wait3A_78 = tpu.memref_slice %arg6[%arg0, %dma_wait3A_76, %dma_wait3A_77] : memref<2x10240x128xf32, #tpu.memory_space<hbm>> -> memref<1x10240x128xf32, #tpu.memory_space<hbm>>
      %dma_wait3A_79 = tpu.memref_squeeze %dma_wait3A_78 : memref<1x10240x128xf32, #tpu.memory_space<hbm>> -> memref<10240x128xf32, #tpu.memory_space<hbm>>
      %dma_wait3A_80 = arith.constant 0 : i32
      %dma_wait3A_81 = tpu.memref_slice %dma_wait3A_79[%mul3A_66, %dma_wait3A_80] : memref<10240x128xf32, #tpu.memory_space<hbm>> -> memref<640x128xf32, #tpu.memory_space<hbm>>
      %dma_wait3A_82 = arith.constant 0 : i32
      %dma_wait3A_83 = tpu.memref_slice %arg14[%mul3A_64, %dma_wait3A_82] : memref<10240x128xf32, #tpu.memory_space<vmem_shared>> -> memref<640x128xf32, #tpu.memory_space<vmem_shared>>
      tpu.wait_dma2 semaphore(%run_scoped3A_67 : memref<!tpu.dma_semaphore, #tpu.memory_space<semaphore_mem>>) src(%dma_wait3A_83 : memref<640x128xf32, #tpu.memory_space<vmem_shared>>) dst(%dma_wait3A_81 : memref<640x128xf32, #tpu.memory_space<hbm>>)
      tpu.yield
    }) : () -> ()
    return
  }
}

module attributes {stable_mosaic.version = 14 : i64} {
  func.func @body(%arg0: memref<2x320000xi32, #tpu.memory_space<vmem>>, %arg1: memref<2500x128xi32, #tpu.memory_space<vmem>>, %arg2: memref<2500x128xi32, #tpu.memory_space<vmem>>) attributes {dimension_semantics = [], scalar_prefetch = 0 : i64, scratch_operands = 0 : i64, tpu.core_type = #tpu.core_type<tc>} {
    %get3A = arith.constant 0 : index
    %get3A_0 = arith.constant 0 : index
    %get3A_1 = vector.load %arg0[%get3A, %get3A_0] : memref<2x320000xi32, #tpu.memory_space<vmem>>, vector<1x320000xi32>
    %get3A_2 = vector.shape_cast %get3A_1 : vector<1x320000xi32> to vector<320000xi32>
    %reshape3A = vector.shape_cast %get3A_2 : vector<320000xi32> to vector<2500x128xi32>
    %swap3A = arith.constant 0 : index
    %swap3A_3 = arith.constant 0 : index
    %swap3A_4 = vector.load %arg1[%swap3A, %swap3A_3] : memref<2500x128xi32, #tpu.memory_space<vmem>>, vector<2500x128xi32>
    tpu.vector_store %arg1[%swap3A, %swap3A_3], %reshape3A {strides = array<i32>} : memref<2500x128xi32, #tpu.memory_space<vmem>>, vector<2500x128xi32>,
    %get3A_5 = arith.constant 1 : index
    %get3A_6 = arith.constant 0 : index
    %get3A_7 = vector.load %arg0[%get3A_5, %get3A_6] : memref<2x320000xi32, #tpu.memory_space<vmem>>, vector<1x320000xi32>
    %get3A_8 = vector.shape_cast %get3A_7 : vector<1x320000xi32> to vector<320000xi32>
    %reshape3A_9 = vector.shape_cast %get3A_8 : vector<320000xi32> to vector<2500x128xi32>
    %swap3A_10 = arith.constant 0 : index
    %swap3A_11 = arith.constant 0 : index
    %swap3A_12 = vector.load %arg2[%swap3A_10, %swap3A_11] : memref<2500x128xi32, #tpu.memory_space<vmem>>, vector<2500x128xi32>
    tpu.vector_store %arg2[%swap3A_10, %swap3A_11], %reshape3A_9 {strides = array<i32>} : memref<2500x128xi32, #tpu.memory_space<vmem>>, vector<2500x128xi32>,
    return
  }
}

module attributes {stable_mosaic.version = 14 : i64} {
  func.func @body(%arg0: i32, %arg1: memref<1000x128xf32, #tpu.memory_space<vmem>>, %arg2: memref<2x1000x128xf32, #tpu.memory_space<vmem>>, %arg3: memref<128x128xf32, #tpu.memory_space<vmem>>, %arg4: memref<1x128xf32, #tpu.memory_space<vmem>>, %arg5: memref<128x128xf32, #tpu.memory_space<vmem>>, %arg6: memref<1x128xf32, #tpu.memory_space<vmem>>, %arg7: memref<128x128xf32, #tpu.memory_space<vmem>>, %arg8: memref<1x128xf32, #tpu.memory_space<vmem>>, %arg9: memref<1000x128xf32, #tpu.memory_space<vmem>>) attributes {dimension_semantics = [#tpu.dimension_semantics<arbitrary>], iteration_bounds = array<i64: 10>, scalar_prefetch = 0 : i64, scratch_operands = 0 : i64, tpu.core_type = #tpu.core_type<tc>, window_params = [{transform_indices = @transform_0, window_bounds = array<i64: 1000, 128>}, {transform_indices = @transform_1, window_bounds = array<i64: 2, 1000, 128>}, {pipeline_mode = #tpu.pipeline_mode<synchronous>, transform_indices = @transform_2, window_bounds = array<i64: 128, 128>}, {pipeline_mode = #tpu.pipeline_mode<synchronous>, transform_indices = @transform_3, window_bounds = array<i64: 1, 128>}, {pipeline_mode = #tpu.pipeline_mode<synchronous>, transform_indices = @transform_4, window_bounds = array<i64: 128, 128>}, {pipeline_mode = #tpu.pipeline_mode<synchronous>, transform_indices = @transform_5, window_bounds = array<i64: 1, 128>}, {pipeline_mode = #tpu.pipeline_mode<synchronous>, transform_indices = @transform_6, window_bounds = array<i64: 128, 128>}, {pipeline_mode = #tpu.pipeline_mode<synchronous>, transform_indices = @transform_7, window_bounds = array<i64: 1, 128>}, {transform_indices = @transform_8, window_bounds = array<i64: 1000, 128>}]} {
    %get3A = arith.constant 0 : index
    %get3A_0 = arith.constant 0 : index
    %get3A_1 = vector.load %arg1[%get3A, %get3A_0] : memref<1000x128xf32, #tpu.memory_space<vmem>>, vector<1000x128xf32>
    %get3A_2 = arith.constant 0 : index
    %get3A_3 = arith.constant 0 : index
    %get3A_4 = arith.constant 0 : index
    %get3A_5 = vector.load %arg2[%get3A_2, %get3A_3, %get3A_4] : memref<2x1000x128xf32, #tpu.memory_space<vmem>>, vector<1x1000x128xf32>
    %get3A_6 = vector.shape_cast %get3A_5 : vector<1x1000x128xf32> to vector<1000x128xf32>
    %add3A = arith.addf %get3A_1, %get3A_6 : vector<1000x128xf32>
    %get3A_7 = arith.constant 1 : index
    %get3A_8 = arith.constant 0 : index
    %get3A_9 = arith.constant 0 : index
    %get3A_10 = vector.load %arg2[%get3A_7, %get3A_8, %get3A_9] : memref<2x1000x128xf32, #tpu.memory_space<vmem>>, vector<1x1000x128xf32>
    %get3A_11 = vector.shape_cast %get3A_10 : vector<1x1000x128xf32> to vector<1000x128xf32>
    %add3A_12 = arith.addf %add3A, %get3A_11 : vector<1000x128xf32>
    %get3A_13 = arith.constant 0 : index
    %get3A_14 = arith.constant 0 : index
    %get3A_15 = vector.load %arg3[%get3A_13, %get3A_14] : memref<128x128xf32, #tpu.memory_space<vmem>>, vector<128x128xf32>
    %dot_general3A = arith.constant dense<0.000000e+00> : vector<1000x128xf32>
    %dot_general3A_16 = tpu.matmul %add3A_12, %get3A_15, %dot_general3A {dimension_numbers = #tpu.dot_dimension_numbers<[1], [0], [0], [1], [0, 0, 1, 1], [], []>, transpose_lhs_hint = false} : vector<1000x128xf32>, vector<128x128xf32>, vector<1000x128xf32> -> vector<1000x128xf32>
    %get3A_17 = arith.constant 0 : index
    %get3A_18 = arith.constant 0 : index
    %get3A_19 = vector.load %arg4[%get3A_17, %get3A_18] : memref<1x128xf32, #tpu.memory_space<vmem>>, vector<1x128xf32>
    %add3A_20 = vector.broadcast %get3A_19 : vector<1x128xf32> to vector<1000x128xf32>
    %add3A_21 = arith.addf %dot_general3A_16, %add3A_20 : vector<1000x128xf32>
    %max3A = arith.constant 0.000000e+00 : f32
    %max3A_22 = vector.broadcast %max3A : f32 to vector<1000x128xf32>
    %max3A_23 = arith.maximumf %add3A_21, %max3A_22 : vector<1000x128xf32>
    %get3A_24 = arith.constant 0 : index
    %get3A_25 = arith.constant 0 : index
    %get3A_26 = vector.load %arg5[%get3A_24, %get3A_25] : memref<128x128xf32, #tpu.memory_space<vmem>>, vector<128x128xf32>
    %dot_general3A_27 = arith.constant dense<0.000000e+00> : vector<1000x128xf32>
    %dot_general3A_28 = tpu.matmul %max3A_23, %get3A_26, %dot_general3A_27 {dimension_numbers = #tpu.dot_dimension_numbers<[1], [0], [0], [1], [0, 0, 1, 1], [], []>, transpose_lhs_hint = false} : vector<1000x128xf32>, vector<128x128xf32>, vector<1000x128xf32> -> vector<1000x128xf32>
    %get3A_29 = arith.constant 0 : index
    %get3A_30 = arith.constant 0 : index
    %get3A_31 = vector.load %arg6[%get3A_29, %get3A_30] : memref<1x128xf32, #tpu.memory_space<vmem>>, vector<1x128xf32>
    %add3A_32 = vector.broadcast %get3A_31 : vector<1x128xf32> to vector<1000x128xf32>
    %add3A_33 = arith.addf %dot_general3A_28, %add3A_32 : vector<1000x128xf32>
    %max3A_34 = arith.constant 0.000000e+00 : f32
    %max3A_35 = vector.broadcast %max3A_34 : f32 to vector<1000x128xf32>
    %max3A_36 = arith.maximumf %add3A_33, %max3A_35 : vector<1000x128xf32>
    %get3A_37 = arith.constant 0 : index
    %get3A_38 = arith.constant 0 : index
    %get3A_39 = vector.load %arg7[%get3A_37, %get3A_38] : memref<128x128xf32, #tpu.memory_space<vmem>>, vector<128x128xf32>
    %dot_general3A_40 = arith.constant dense<0.000000e+00> : vector<1000x128xf32>
    %dot_general3A_41 = tpu.matmul %max3A_36, %get3A_39, %dot_general3A_40 {dimension_numbers = #tpu.dot_dimension_numbers<[1], [0], [0], [1], [0, 0, 1, 1], [], []>, transpose_lhs_hint = false} : vector<1000x128xf32>, vector<128x128xf32>, vector<1000x128xf32> -> vector<1000x128xf32>
    %get3A_42 = arith.constant 0 : index
    %get3A_43 = arith.constant 0 : index
    %get3A_44 = vector.load %arg8[%get3A_42, %get3A_43] : memref<1x128xf32, #tpu.memory_space<vmem>>, vector<1x128xf32>
    %add3A_45 = vector.broadcast %get3A_44 : vector<1x128xf32> to vector<1000x128xf32>
    %add3A_46 = arith.addf %dot_general3A_41, %add3A_45 : vector<1000x128xf32>
    %swap3A = arith.constant 0 : index
    %swap3A_47 = arith.constant 0 : index
    %swap3A_48 = vector.load %arg9[%swap3A, %swap3A_47] : memref<1000x128xf32, #tpu.memory_space<vmem>>, vector<1000x128xf32>
    tpu.vector_store %arg9[%swap3A, %swap3A_47], %add3A_46 {strides = array<i32>} : memref<1000x128xf32, #tpu.memory_space<vmem>>, vector<1000x128xf32>,
    return
  }
  func.func @transform_0(%arg0: i32) -> (i32, i32) {
    %c0_i32 = arith.constant 0 : i32
    %c0_i32_0 = arith.constant 0 : i32
    return %arg0, %c0_i32 : i32, i32
  }
  func.func @transform_1(%arg0: i32) -> (i32, i32, i32) {
    %c0_i32 = arith.constant 0 : i32
    %c0_i32_0 = arith.constant 0 : i32
    %c0_i32_1 = arith.constant 0 : i32
    return %c0_i32, %arg0, %c0_i32_0 : i32, i32, i32
  }
  func.func @transform_2(%arg0: i32) -> (i32, i32) {
    %c0_i32 = arith.constant 0 : i32
    %c0_i32_0 = arith.constant 0 : i32
    %c0_i32_1 = arith.constant 0 : i32
    return %c0_i32, %c0_i32_0 : i32, i32
  }
  func.func @transform_3(%arg0: i32) -> (i32, i32) {
    %c0_i32 = arith.constant 0 : i32
    %c0_i32_0 = arith.constant 0 : i32
    %c0_i32_1 = arith.constant 0 : i32
    return %c0_i32, %c0_i32_0 : i32, i32
  }
  func.func @transform_4(%arg0: i32) -> (i32, i32) {
    %c0_i32 = arith.constant 0 : i32
    %c0_i32_0 = arith.constant 0 : i32
    %c0_i32_1 = arith.constant 0 : i32
    return %c0_i32, %c0_i32_0 : i32, i32
  }
  func.func @transform_5(%arg0: i32) -> (i32, i32) {
    %c0_i32 = arith.constant 0 : i32
    %c0_i32_0 = arith.constant 0 : i32
    %c0_i32_1 = arith.constant 0 : i32
    return %c0_i32, %c0_i32_0 : i32, i32
  }
  func.func @transform_6(%arg0: i32) -> (i32, i32) {
    %c0_i32 = arith.constant 0 : i32
    %c0_i32_0 = arith.constant 0 : i32
    %c0_i32_1 = arith.constant 0 : i32
    return %c0_i32, %c0_i32_0 : i32, i32
  }
  func.func @transform_7(%arg0: i32) -> (i32, i32) {
    %c0_i32 = arith.constant 0 : i32
    %c0_i32_0 = arith.constant 0 : i32
    %c0_i32_1 = arith.constant 0 : i32
    return %c0_i32, %c0_i32_0 : i32, i32
  }
  func.func @transform_8(%arg0: i32) -> (i32, i32) {
    %c0_i32 = arith.constant 0 : i32
    %c0_i32_0 = arith.constant 0 : i32
    return %arg0, %c0_i32 : i32, i32
  }
}

module attributes {stable_mosaic.version = 14 : i64} {
  func.func @body(%arg0: i32, %arg1: memref<1000x128xf32, #tpu.memory_space<vmem>>, %arg2: memref<2x1000x128xf32, #tpu.memory_space<vmem>>, %arg3: memref<128x128xf32, #tpu.memory_space<vmem>>, %arg4: memref<1x128xf32, #tpu.memory_space<vmem>>, %arg5: memref<1000x128xf32, #tpu.memory_space<vmem>>) attributes {dimension_semantics = [#tpu.dimension_semantics<arbitrary>], iteration_bounds = array<i64: 10>, scalar_prefetch = 0 : i64, scratch_operands = 0 : i64, tpu.core_type = #tpu.core_type<tc>, window_params = [{transform_indices = @transform_0, window_bounds = array<i64: 1000, 128>}, {transform_indices = @transform_1, window_bounds = array<i64: 2, 1000, 128>}, {pipeline_mode = #tpu.pipeline_mode<synchronous>, transform_indices = @transform_2, window_bounds = array<i64: 128, 128>}, {pipeline_mode = #tpu.pipeline_mode<synchronous>, transform_indices = @transform_3, window_bounds = array<i64: 1, 128>}, {transform_indices = @transform_4, window_bounds = array<i64: 1000, 128>}]} {
    %get3A = arith.constant 0 : index
    %get3A_0 = arith.constant 0 : index
    %get3A_1 = vector.load %arg1[%get3A, %get3A_0] : memref<1000x128xf32, #tpu.memory_space<vmem>>, vector<1000x128xf32>
    %get3A_2 = arith.constant 0 : index
    %get3A_3 = arith.constant 0 : index
    %get3A_4 = arith.constant 0 : index
    %get3A_5 = vector.load %arg2[%get3A_2, %get3A_3, %get3A_4] : memref<2x1000x128xf32, #tpu.memory_space<vmem>>, vector<1x1000x128xf32>
    %get3A_6 = vector.shape_cast %get3A_5 : vector<1x1000x128xf32> to vector<1000x128xf32>
    %add3A = arith.addf %get3A_1, %get3A_6 : vector<1000x128xf32>
    %get3A_7 = arith.constant 1 : index
    %get3A_8 = arith.constant 0 : index
    %get3A_9 = arith.constant 0 : index
    %get3A_10 = vector.load %arg2[%get3A_7, %get3A_8, %get3A_9] : memref<2x1000x128xf32, #tpu.memory_space<vmem>>, vector<1x1000x128xf32>
    %get3A_11 = vector.shape_cast %get3A_10 : vector<1x1000x128xf32> to vector<1000x128xf32>
    %add3A_12 = arith.addf %add3A, %get3A_11 : vector<1000x128xf32>
    %get3A_13 = arith.constant 0 : index
    %get3A_14 = arith.constant 0 : index
    %get3A_15 = vector.load %arg3[%get3A_13, %get3A_14] : memref<128x128xf32, #tpu.memory_space<vmem>>, vector<128x128xf32>
    %dot_general3A = arith.constant dense<0.000000e+00> : vector<1000x128xf32>
    %dot_general3A_16 = tpu.matmul %add3A_12, %get3A_15, %dot_general3A {dimension_numbers = #tpu.dot_dimension_numbers<[1], [0], [0], [1], [0, 0, 1, 1], [], []>, transpose_lhs_hint = false} : vector<1000x128xf32>, vector<128x128xf32>, vector<1000x128xf32> -> vector<1000x128xf32>
    %get3A_17 = arith.constant 0 : index
    %get3A_18 = arith.constant 0 : index
    %get3A_19 = vector.load %arg4[%get3A_17, %get3A_18] : memref<1x128xf32, #tpu.memory_space<vmem>>, vector<1x128xf32>
    %add3A_20 = vector.broadcast %get3A_19 : vector<1x128xf32> to vector<1000x128xf32>
    %add3A_21 = arith.addf %dot_general3A_16, %add3A_20 : vector<1000x128xf32>
    %max3A = arith.constant 0.000000e+00 : f32
    %max3A_22 = vector.broadcast %max3A : f32 to vector<1000x128xf32>
    %max3A_23 = arith.maximumf %add3A_21, %max3A_22 : vector<1000x128xf32>
    %swap3A = arith.constant 0 : index
    %swap3A_24 = arith.constant 0 : index
    %swap3A_25 = vector.load %arg5[%swap3A, %swap3A_24] : memref<1000x128xf32, #tpu.memory_space<vmem>>, vector<1000x128xf32>
    tpu.vector_store %arg5[%swap3A, %swap3A_24], %max3A_23 {strides = array<i32>} : memref<1000x128xf32, #tpu.memory_space<vmem>>, vector<1000x128xf32>,
    return
  }
  func.func @transform_0(%arg0: i32) -> (i32, i32) {
    %c0_i32 = arith.constant 0 : i32
    %c0_i32_0 = arith.constant 0 : i32
    return %arg0, %c0_i32 : i32, i32
  }
  func.func @transform_1(%arg0: i32) -> (i32, i32, i32) {
    %c0_i32 = arith.constant 0 : i32
    %c0_i32_0 = arith.constant 0 : i32
    %c0_i32_1 = arith.constant 0 : i32
    return %c0_i32, %arg0, %c0_i32_0 : i32, i32, i32
  }
  func.func @transform_2(%arg0: i32) -> (i32, i32) {
    %c0_i32 = arith.constant 0 : i32
    %c0_i32_0 = arith.constant 0 : i32
    %c0_i32_1 = arith.constant 0 : i32
    return %c0_i32, %c0_i32_0 : i32, i32
  }
  func.func @transform_3(%arg0: i32) -> (i32, i32) {
    %c0_i32 = arith.constant 0 : i32
    %c0_i32_0 = arith.constant 0 : i32
    %c0_i32_1 = arith.constant 0 : i32
    return %c0_i32, %c0_i32_0 : i32, i32
  }
  func.func @transform_4(%arg0: i32) -> (i32, i32) {
    %c0_i32 = arith.constant 0 : i32
    %c0_i32_0 = arith.constant 0 : i32
    return %arg0, %c0_i32 : i32, i32
  }
}

</mosaic_0001>

<sc_bundles>
// kernel: kernel.12.cloned.1.call-start
scs
__scs_entry_jumppad:
0x0: {  	(pc) =	sbr.rel $0x88, $3  }
0x1: {  	(tag) =	ssettag $0x0;
	lr =	simm.s32 $0x1  }
0x2: {  	[smem:$0x3F89] =	sst lr;
	_ =	strace $0xD0000000  }
0x3: {  	_ = 	snop  }
0x4: {  	_ = 	snop  }
0x5: {  	_ = 	snop  }
0x6: {  	_ = 	snop  }
0x7: {  	_ = 	snop  }
__scs_overlays_trampoline_lowered:
0x8: {  	[smem:$0x3F98] =	sst s0  }
0x9: {  	[smem:$0x3F99] =	sst s1  }
0xa: {  	[smem:$0x3F9A] =	sst s2  }
0xb: {  	[smem:$0x3F9B] =	sst s3  }
0xc: {  	[smem:$0x3F9C] =	sst s4  }
0xd: {  	[smem:$0x3F9D] =	sst s5  }
0xe: {  	[smem:$0x3F9E] =	sst s6  }
0xf: {  	[smem:$0x3F9F] =	sst s7  }
0x10: {  	[smem:$0x3FA0] =	sst s8  }
0x11: {  	[smem:$0x3FA1] =	sst s9;
	s0 =	simm.s32 @!p0 $0x0  }
0x12: {  	s1 =	sld [smem:$0x3F87];
	s0 =	simm.s32 @p0 $0x1  }
0x13: {  	[smem:$0x3FA2] =	sst s0;
	s0 =	simm.s32 @!p1 $0x0  }
0x14: {  	s2 =	sld [smem:$0x3F86];
	s0 =	simm.s32 @p1 $0x1  }
0x15: {  	[smem:$0x3FA3] =	sst s0;
	s0 =	simm.s32 @!p2 $0x0  }
0x16: {  	s3 =	sld [smem:$0x3FDB];
	s0 =	simm.s32 @p2 $0x1  }
0x17: {  	s4 =	simm.s32 $0x1BF5;
	[smem:$0x3FA5] =	sst s0  }
0x18: {  	s0 =	sld [smem:$0x3F88];
	_ =	swait.ge [sflag:s4], $0x0  }
0x19: {  	s7 =	sld [smem:$0x3F89]  }
0x1a: {  	s8 =	sadd.s32 $0xFFFFE003, lr  }
0x1b: {  	s9 =	sadd.s32 $0xFFFFFEF7, lr;
	s5 =	simm.s32 $0xFFFFFFFF;
	p2 =	slt.u32 s8, $0xFFFFF086  }
0x1c: {  	p1 =	slt.u32 s9, $0xF7A;
	s5 =	simm.s32 @!p2 $0x0  }
0x1d: {  	s5 =	simm.s32 @p1 $0x1;
	p0 =	seq.s32 s7, s2  }
0x1e: {  	s7 =	smul.u32 @!p0 $0xF7A, s2;
	p2 =	seq.s32 @!p0 s5, $0x0  }
0x1f: {  	s9 =	smul.u32 $0xF7A, s1;
	s8 =	simm.s32 @!p0 $0x1BF5;
	p2 =	por !p2, p0  }
0x20: {  	[sflag:s8] =	ssyncset.s32 @!p0 $0xFFFFF086;
	s6 =	sadd.s32 @!p0 s3, s7;
	s7 =	simm.s32 @!p0 $0x108  }
0x21: {  	s3 =	sadd.s32 s3, s9;
	s6 =	sadd.s32 @!p0 $0x88, s6;
	s7 =	simm.s32 @p2 $0x1082  }
0x22: {  	[simem:s7], [sflag:s8] =	dma.local @!p0 [hbm:s6], $0xF7A  }
0x23: {  	s9 =	sor.u32 $0xD0000000, s2;
	s6 =	simm.s32 $0x108;
	_ =	swait.ge @!p0 [sflag:s8], $0x0  }
0x24: {  	s3 =	sadd.s32 $0x88, s3;
	s6 =	simm.s32 @!p1 $0x1082;
	[sflag:s4] =	ssyncset.s32 $0xFFFFF086  }
0x25: {  	[simem:s6], [sflag:s4] =	dma.local [hbm:s3], $0xF7A  }
0x26: {  	[smem:$0x3F89] =	sst s1;
	(tag) =	ssettag s2;
	_ =	strace s9  }
0x27: {  	s1 =	sld [smem:$0x3F99]  }
0x28: {  	s2 =	sld [smem:$0x3F9A]  }
0x29: {  	s4 =	sld [smem:$0x3F9C]  }
0x2a: {  	p0 =	seq.s32 s5, $0x0;
	s5 =	sld [smem:$0x3F9D]  }
0x2b: {  	s6 =	sld [smem:$0x3F9E]  }
0x2c: {  	s7 =	sld [smem:$0x3F9F]  }
0x2d: {  	s3 =	simm.s32 $0x108;
	s8 =	sld [smem:$0x3FA0]  }
0x2e: {  	s3 =	simm.s32 @!p0 $0x1082;
	s9 =	sld [smem:$0x3FA1]  }
0x2f: {  	lr =	sadd.s32 s0, s3;
	s0 =	sld [smem:$0x3F98]  }
0x30: {  	s3 =	sld [smem:$0x3F9B]  }
0x31: {  	[smem:$0x3FA4] =	sst s10  }
0x32: {  	s10 =	sld [smem:$0x3FA2];
	_ =	sdelay $0x3  }
0x33: {  	p0 =	seq.s32 s10, $0x1;
	s10 =	sld [smem:$0x3FA4];
	_ =	sdelay $0x3  }
0x34: {  	[smem:$0x3FA4] =	sst s10  }
0x35: {  	s10 =	sld [smem:$0x3FA3];
	_ =	sdelay $0x3  }
0x36: {  	p1 =	seq.s32 s10, $0x1;
	s10 =	sld [smem:$0x3FA4];
	_ =	sdelay $0x3  }
0x37: {  	[smem:$0x3FA4] =	sst s10  }
0x38: {  	s10 =	sld [smem:$0x3FA5]  }
0x39: {  	_ = 	snop;
	(pc) =	sbr.ind lr, $3  }
0x3a: {  	_ = 	snop  }
0x3b: {  	_ = 	snop  }
0x3c: {  	p2 =	seq.s32 s10, $0x1;
	s10 =	sld [smem:$0x3FA4]  }
0x3d: {  	_ =	shalt  }
0x3e: {  	_ =	shalt  }
0x3f: {  	_ =	shalt  }
0x40: {  	_ =	shalt  }
0x41: {  	_ =	shalt  }
0x42: {  	_ =	shalt  }
0x43: {  	_ =	shalt  }
0x44: {  	_ =	shalt  }
0x45: {  	_ =	shalt  }
0x46: {  	_ =	shalt  }
0x47: {  	_ =	shalt  }
0x48: {  	_ =	shalt  }
0x49: {  	_ =	shalt  }
0x4a: {  	_ =	shalt  }
0x4b: {  	_ =	shalt  }
0x4c: {  	_ =	shalt  }
0x4d: {  	_ =	shalt  }
0x4e: {  	_ =	shalt  }
0x4f: {  	_ =	shalt  }
0x50: {  	_ =	shalt  }
0x51: {  	_ =	shalt  }
0x52: {  	_ =	shalt  }
0x53: {  	_ =	shalt  }
0x54: {  	_ =	shalt  }
0x55: {  	_ =	shalt  }
0x56: {  	_ =	shalt  }
0x57: {  	_ =	shalt  }
0x58: {  	_ =	shalt  }
0x59: {  	_ =	shalt  }
0x5a: {  	_ =	shalt  }
0x5b: {  	_ =	shalt  }
0x5c: {  	_ =	shalt  }
0x5d: {  	_ =	shalt  }
0x5e: {  	_ =	shalt  }
0x5f: {  	_ =	shalt  }
0x60: {  	_ =	shalt  }
0x61: {  	_ =	shalt  }
0x62: {  	_ =	shalt  }
0x63: {  	_ =	shalt  }
0x64: {  	_ =	shalt  }
0x65: {  	_ =	shalt  }
0x66: {  	_ =	shalt  }
0x67: {  	_ =	shalt  }
0x68: {  	_ =	shalt  }
0x69: {  	_ =	shalt  }
0x6a: {  	_ =	shalt  }
0x6b: {  	_ =	shalt  }
0x6c: {  	_ =	shalt  }
0x6d: {  	_ =	shalt  }
0x6e: {  	_ =	shalt  }
0x6f: {  	_ =	shalt  }
0x70: {  	_ =	shalt  }
0x71: {  	_ =	shalt  }
0x72: {  	_ =	shalt  }
0x73: {  	_ =	shalt  }
0x74: {  	_ =	shalt  }
0x75: {  	_ =	shalt  }
0x76: {  	_ =	shalt  }
0x77: {  	_ =	shalt  }
0x78: {  	_ =	shalt  }
0x79: {  	_ =	shalt  }
0x7a: {  	_ =	shalt  }
0x7b: {  	_ =	shalt  }
0x7c: {  	_ =	shalt  }
0x7d: {  	_ =	shalt  }
0x7e: {  	_ =	shalt  }
0x7f: {  	_ =	shalt  }
0x80: {  	_ =	shalt  }
0x81: {  	_ =	shalt  }
0x82: {  	_ =	shalt  }
0x83: {  	_ =	shalt  }
0x84: {  	_ =	shalt  }
0x85: {  	_ =	shalt  }
0x86: {  	_ =	shalt  }
0x87: {  	_ =	shalt  }
.Lfunc_end0:
.L_simem_size_0:
called_computation.1_lowered:
.L_overlay_start_0:
0x88: {  	s2 =	sld [smem:$0x3FD9]  }
0x89: {  	s3 =	sld [smem:$0x3FFE];
	_ =	sdelay $0x1  }
0x8a: {  	s1 =	srdreg.scid  }
0x8b: {  	s0 =	sand.u32 $0x1, s1  }
0x8c: {  	s17 =	sshll.u32 s0, $0xA;
	s2 =	sadd.s32 s3, s2  }
0x8d: {  	s2 =	sadd.s32 s2, s17  }
0x8e: {  	[smem:$0x3FB0] =	sst s2  }
0x8f: {  	_ = 	snop  }
0x90: {  	s2 =	sld [smem:$0x3FD0];
	(tm) =	ssettm $0x1  }
0x91: {  	s18 =	sld [smem:$0x3FFB];
	_ =	sdelay $0x3  }
0x92: {  	_ =	strace s18  }
0x93: {  	s3 =	sld [smem:$0x3FFC];
	_ =	sdelay $0x3  }
0x94: {  	_ =	strace s3  }
0x95: {  	s3 =	sld [smem:$0x3FFD];
	_ =	sdelay $0x3  }
0x96: {  	_ =	strace s3  }
0x97: {  	_ =	strace $0x8FFFFFFF  }
0x98: {  	s19 =	sld [smem:$0x3FDB];
	_ =	sdelay $0x1  }
0x99: {  	s4 =	simm.s32 $_scs_section_size  }
0x9a: {  	s5 =	simm.s32 $_size__tile_overlayer_lowered;
	s6 =	simm.s32 $_tile_overlayer_lowered  }
0x9b: {  	s22 =	simm.s32 $0x1BFF;
	s21 =	sshll.u32 s6, $0x1;
	s3 =	sadd.s32 s4, s19  }
0x9c: {  	s7 =	simm.s32 $0x0;
	s20 =	sshll.u32 s5, $0x1;
	s5 =	sadd.s32 s21, s3  }
0x9d: {  	[timem:s7], [sflag:s22] =	dma.local [hbm:s5], s20  }
0x9e: {  	_ =	swait.ge [sflag:s22], s20  }
0x9f: {  	s4 =	ssub.s32 $0x0, s20;
	[sflag:s22] =	ssyncset.done $0x0  }
0xa0: {  	[sflag:s22] =	ssyncadd.s32 s4;
	_ =	sdelay $0x1  }
0xa1: {  	s23 =	simm.s32 $0x1B8B  }
0xa2: {  	_ =	swait.ge [sflag:s23], $0x1  }
0xa3: {  	[sflag:s23] =	ssyncset.done $0x0  }
0xa4: {  	s25 =	simm.s32 $0x1B8E;
	s24 =	sld [smem:$0x3FFE];
	[sflag:s23] =	ssyncadd.s32 $0xFFFFFFFF  }
0xa5: {  	s26 =	simm.s32 $execute0_lowered;
	[smem:$0x3FD2] =	sst s25  }
0xa6: {  	s5 =	sshll.u32 s26, $0x1;
	_ =	strace $0x80000049;
	[dreg:$0x1] =	wrdreg $0xFFFFFFFF  }
0xa7: {  	s28 =	simm.s32 $_size_execute0_lowered;
	s3 =	sadd.s32 s3, s5;
	[dreg:$0x0] =	wrdreg $0x0  }
0xa8: {  	s5 =	sshll.u32 s28, $0x1;
	[dreg:$0x2] =	wrdreg s3  }
0xa9: {  	[dreg:$0x3] =	wrdreg s5  }
0xaa: {  	[dreg:$0x4] =	wrdreg $0xC0  }
0xab: {  	_ =	task [dreg:s7], $0x5FFFF  }
0xac: {  	[dreg:$0x1] =	wrdreg $0xFFFFFFFF  }
0xad: {  	[dreg:$0x0] =	wrdreg $0x60  }
0xae: {  	[dreg:$0x2] =	wrdreg s2  }
0xaf: {  	[dreg:$0x3] =	wrdreg s24  }
0xb0: {  	[dreg:$0x4] =	wrdreg $0xB2200  }
0xb1: {  	[dreg:$0x5] =	wrdreg $0x9  }
0xb2: {  	_ =	task.clear_ibuf [dreg:s7], $0x6FFFF;
	_ =	strace $0x90000049  }
0xb3: {  	s29 =	simm.s32 $0x9;
	_ =	strace $0x8000004B  }
0xb4: {  	_ =	swait.ge [sflag:s29], $0x1  }
0xb5: {  	[sflag:s29] =	ssyncadd.s32 $0xFFFFFFFF  }
0xb6: {  	_ =	strace $0x9000004B  }
0xb7: {  	_ =	sfence  }
0xb8: {  	s30 =	sld [smem:$0x0];
	_ =	sdelay $0x2  }
0xb9: {  	s31 =	sshll.u32 s1, $0xD;
	s1 =	sshrl.u32 s1, $0x2  }
0xba: {  	s3 =	sand.u32 $0x4000, s31;
	s1 =	sadd.s32 s1, s30  }
0xbb: {  	s0 =	sor.u32 s3, s0;
	s1 =	sshll.u32 s1, $0x11  }
0xbc: {  	s0 =	sor.u32 s1, s0  }
0xbd: {  	s0 =	sadd.s32 $0x8F2B, s0  }
0xbe: {  	[sflag:s0] =	ssyncadd.remote.s32 $0x1  }
0xbf: {  	_ =	sfence.sel $0xFFFF  }
0xc0: {  	[dreg:$0x0] =	wrdreg $0xFFFFFFFF;
	(pc) =	sbr.abs _section_cstart, $3  }
0xc1: {  	[dreg:$0x1] =	wrdreg $0xFFFFFFFF  }
0xc2: {  	_ =	task.clear_ibuf [dreg:s7], $0x2FFFF;
	_ =	strace $0x9FFFFFFF  }
0xc3: {  	(tm) =	ssettm $0x7FFFFFFF  }
tec
execute0_lowered:
.L_overlay_start_1:
0x0: {  	(tag) =	ssettag $0x1  }
0x1: {  	s1 =	rddreg [dreg:$0x0]  }
0x2: {  	s0 =	rddreg [dreg:$0x1]  }
0x3: {  	s2 =	rddreg [dreg:$0x2];
	s4 =	srdreg.scid  }
0x4: {  	s3 =	simm.s32 $0x0;
	s16 =	stileid.u32;
	s12 =	simm.s32 $0x4E20  }
0x5: {  	s13 =	simm.s32 $0x6220;
	s15 =	simm.s32 $0x7620;
	s17 =	simm.s32 $0x8A20  }
0x6: {  	s19 =	simm.s32 $0x9E20;
	s22 =	simm.s32 $0x1;
	s23 =	simm.s32 $0x2  }
0x7: {  	s28 =	simm.s32 $0x5;
	s29 =	simm.s32 $0x4D58;
	s9 =	smul.u32 $0x4E2, s16  }
0x8: {  	s30 =	simm.s32 $0x4D80;
	s4 =	sand.u32 $0x1, s4;
	s10 =	smul.u32 $0x14000, s16  }
0x9: {  	s31 =	simm.s32 $0x4DA8;
	[smem:$0x7FF] =	sst s3;
	s5 =	smul.u32 $0x4E20, s4  }
0xa: {  	s26 =	sshll.u32 s16, $0x6;
	_ =	strace $0x8000004A;
	s6 =	smul.u32 $0x28000, s4  }
0xb: {  	s4 =	ssub.s32 $0x2, s4;
	s20 =	sor.u32 $0x1C06, s26;
	s26 =	simm.s32 $0x4  }
0xc: {  	s8 =	sshrl.u32 s4, $0x1;
	s14 =	sadd.s32 s10, s2;
	s10 =	sshrl.u32 s10, $0x3  }
0xd: {  	s7 =	sadd.s32 s5, s0;
	s5 =	sadd.s32 $0x19800, s0;
	s0 =	sadd.s32 s6, s0  }
0xe: {  	s4 =	ssub.s32 s4, s8;
	s8 =	simm.s32 $0x6;
	s21 =	sshrl.u32 s14, $0x3  }
0xf: {  	s25 =	sadd.s32 s9, s7;
	s11 =	sadd.s32 $0xFA00, s7;
	s0 =	sadd.s32 $0x1C000, s0  }
0x10: {  	s7 =	smax.u32 s4, $0x1;
	s4 =	simm.s32 $0x4DF8;
	s6 =	sadd.s32 $0x5C00, s25  }
0x11: {  	s9 =	sadd.s32 s9, s11;
	s11 =	simm.s32 $0x28;
	s24 =	sadd.s32 s10, s0  }
0x12: {  	s25 =	simm.s32 $0x3;
	s0 =	simm.s32 $0x4DD0;
	s10 =	simm.s32 $0x0  }
.LBB2_1:
0x13: {  	[tilespmem:s3], [sflag:$0x6] =	stream.linear.gather [hbm4b:s6+s3], $0x2710, $0x38;
	[tilespmem:$0x1F220] =	vst v63  }
0x14: {  	_ =	swait.ge [sflag:s8], $0x2710  }
0x15: {  	[sflag:s8] =	ssyncset.done $0x0  }
0x16: {  	s14 =	simm.s32 $0x2710;
	[sflag:s8] =	ssyncadd.s32 $0xFFFFD8F0  }
0x17: {  	[tilespmem:s14], [sflag:$0x6] =	stream.linear.gather [hbm4b:s9+s3], $0x2710, $0x38;
	[tilespmem:$0x1F220] =	vst v63  }
0x18: {  	_ =	swait.ge [sflag:s8], $0x2710  }
0x19: {  	[sflag:s8] =	ssyncset.done $0x0  }
0x1a: {  	[sflag:s8] =	ssyncadd.s32 $0xFFFFD8F0  }
0x1b: {  	[tilespmem:s12], [sflag:$0x1] =	stream.indirect.gather [hbm4b:s1+s11], $0x80, s3, s11, $0xb8;
	[tilespmem:$0x1F220] =	vst v63  }
0x1c: {  	_ = 	snop  }
0x1d: {  	[tilespmem:s13], [sflag:$0x2] =	stream.indirect.gather [hbm4b:s1+s11], $0x80, s11, s11, $0xb8;
	[tilespmem:$0x1F220] =	vst v63  }
0x1e: {  	s16 =	simm.s32 $0x50  }
0x1f: {  	[tilespmem:s15], [sflag:$0x3] =	stream.indirect.gather [hbm4b:s1+s11], $0x80, s16, s11, $0xb8;
	[tilespmem:$0x1F220] =	vst v63  }
0x20: {  	s18 =	simm.s32 $0x78  }
0x21: {  	[tilespmem:s17], [sflag:$0x4] =	stream.indirect.gather [hbm4b:s1+s11], $0x80, s18, s11, $0xb8;
	[tilespmem:$0x1F220] =	vst v63  }
0x22: {  	s16 =	simm.s32 $0xA0  }
0x23: {  	[tilespmem:s19], [sflag:$0x5] =	stream.indirect.gather [hbm4b:s1+s11], $0x80, s16, s11, $0xb8;
	[tilespmem:$0x1F220] =	vst v63  }
0x24: {  	[spmem:s21], [sflag:s20] =	dma.local [hbm:s5], $0x2800  }
0x25: {  	_ =	swait.ge [sflag:s8], $0x2800  }
0x26: {  	[sflag:s8] =	ssyncset.done $0x0  }
0x27: {  	[sflag:s8] =	ssyncadd.s32 $0xFFFFD800  }
0x28: {  	[bflag:$0x0] =	sbarrier.arrive $0xFFFF  }
0x29: {  	_ =	swait.ge [sflag:s22], $0x1400  }
0x2a: {  	[sflag:s22] =	ssyncset.done $0x0  }
0x2b: {  	s18 =	simm.s32 $0x2710;
	[sflag:s22] =	ssyncadd.s32 $0xFFFFEC00  }
0x2c: {  	[spmem:s2] =	stream.indirect.scatter.add.f32 [tilespmem:s12], [sflag:$0x6], $0x80, s18, s11, $0xb8;
	[tilespmem:$0x1F220] =	vst v63  }
0x2d: {  	_ =	swait.ge [sflag:s8], $0x1400  }
0x2e: {  	[sflag:s8] =	ssyncset.done $0x0  }
0x2f: {  	s16 =	simm.s32 $0xC8;
	[sflag:s8] =	ssyncadd.s32 $0xFFFFEC00  }
0x30: {  	[tilespmem:s12], [sflag:$0x1] =	stream.indirect.gather [hbm4b:s1+s11], $0x80, s16, s11, $0xb8;
	[tilespmem:$0x1F220] =	vst v63  }
0x31: {  	_ =	swait.ge [sflag:s23], $0x1400  }
0x32: {  	[sflag:s23] =	ssyncset.done $0x0  }
0x33: {  	s18 =	simm.s32 $0x2738;
	[sflag:s23] =	ssyncadd.s32 $0xFFFFEC00  }
0x34: {  	[spmem:s2] =	stream.indirect.scatter.add.f32 [tilespmem:s13], [sflag:$0x6], $0x80, s18, s11, $0xb8;
	[tilespmem:$0x1F220] =	vst v63  }
0x35: {  	_ =	swait.ge [sflag:s8], $0x1400  }
0x36: {  	[sflag:s8] =	ssyncset.done $0x0  }
0x37: {  	s16 =	simm.s32 $0xF0;
	[sflag:s8] =	ssyncadd.s32 $0xFFFFEC00  }
0x38: {  	[tilespmem:s13], [sflag:$0x2] =	stream.indirect.gather [hbm4b:s1+s11], $0x80, s16, s11, $0xb8;
	[tilespmem:$0x1F220] =	vst v63  }
0x39: {  	_ =	swait.ge [sflag:s25], $0x1400  }
0x3a: {  	[sflag:s25] =	ssyncset.done $0x0  }
0x3b: {  	s18 =	simm.s32 $0x2760;
	[sflag:s25] =	ssyncadd.s32 $0xFFFFEC00  }
0x3c: {  	[spmem:s2] =	stream.indirect.scatter.add.f32 [tilespmem:s15], [sflag:$0x6], $0x80, s18, s11, $0xb8;
	[tilespmem:$0x1F220] =	vst v63  }
0x3d: {  	_ =	swait.ge [sflag:s8], $0x1400  }
0x3e: {  	[sflag:s8] =	ssyncset.done $0x0  }
0x3f: {  	s16 =	simm.s32 $0x118;
	[sflag:s8] =	ssyncadd.s32 $0xFFFFEC00  }
0x40: {  	[tilespmem:s15], [sflag:$0x3] =	stream.indirect.gather [hbm4b:s1+s11], $0x80, s16, s11, $0xb8;
	[tilespmem:$0x1F220] =	vst v63  }
0x41: {  	_ =	swait.ge [sflag:s26], $0x1400  }
0x42: {  	[sflag:s26] =	ssyncset.done $0x0  }
0x43: {  	s18 =	simm.s32 $0x2788;
	[sflag:s26] =	ssyncadd.s32 $0xFFFFEC00  }
0x44: {  	[spmem:s2] =	stream.indirect.scatter.add.f32 [tilespmem:s17], [sflag:$0x6], $0x80, s18, s11, $0xb8;
	[tilespmem:$0x1F220] =	vst v63  }
0x45: {  	_ =	swait.ge [sflag:s8], $0x1400  }
0x46: {  	[sflag:s8] =	ssyncset.done $0x0  }
0x47: {  	s16 =	simm.s32 $0x140;
	[sflag:s8] =	ssyncadd.s32 $0xFFFFEC00  }
0x48: {  	[tilespmem:s17], [sflag:$0x4] =	stream.indirect.gather [hbm4b:s1+s11], $0x80, s16, s11, $0xb8;
	[tilespmem:$0x1F220] =	vst v63  }
0x49: {  	_ =	swait.ge [sflag:s28], $0x1400  }
0x4a: {  	[sflag:s28] =	ssyncset.done $0x0  }
0x4b: {  	s18 =	simm.s32 $0x27B0;
	[sflag:s28] =	ssyncadd.s32 $0xFFFFEC00  }
0x4c: {  	[spmem:s2] =	stream.indirect.scatter.add.f32 [tilespmem:s19], [sflag:$0x6], $0x80, s18, s11, $0xb8;
	[tilespmem:$0x1F220] =	vst v63  }
0x4d: {  	_ =	swait.ge [sflag:s8], $0x1400  }
0x4e: {  	[sflag:s8] =	ssyncset.done $0x0  }
0x4f: {  	s14 =	simm.s32 $0x320;
	s16 =	simm.s32 $0x168;
	[sflag:s8] =	ssyncadd.s32 $0xFFFFEC00  }
.LBB2_2:
0x50: {  	[tilespmem:s19], [sflag:$0x5] =	stream.indirect.gather [hbm4b:s1+s11], $0x80, s16, s11, $0xb8;
	[tilespmem:$0x1F220] =	vst v63  }
0x51: {  	s16 =	smov.u32 s14  }
0x52: {  	p0 =	sne.s32 s14, $0x9600;
	s14 =	sadd.s32 $0x320, s14;
	_ =	swait.ge [sflag:s22], $0x1400  }
0x53: {  	s16 =	sshra.s32 s16, $0x2;
	[sflag:s22] =	ssyncset.done $0x0  }
0x54: {  	s18 =	sadd.s32 $0x2710, s16;
	[sflag:s22] =	ssyncadd.s32 $0xFFFFEC00  }
0x55: {  	[spmem:s2] =	stream.indirect.scatter.add.f32 [tilespmem:s12], [sflag:$0x6], $0x80, s18, s11, $0xb8;
	[tilespmem:$0x1F220] =	vst v63  }
0x56: {  	_ =	swait.ge [sflag:s8], $0x1400  }
0x57: {  	[sflag:s8] =	ssyncset.done $0x0  }
0x58: {  	s18 =	sadd.s32 $0xC8, s16;
	[sflag:s8] =	ssyncadd.s32 $0xFFFFEC00  }
0x59: {  	[tilespmem:s12], [sflag:$0x1] =	stream.indirect.gather [hbm4b:s1+s11], $0x80, s18, s11, $0xb8;
	[tilespmem:$0x1F220] =	vst v63  }
0x5a: {  	_ =	swait.ge [sflag:s23], $0x1400  }
0x5b: {  	[sflag:s23] =	ssyncset.done $0x0  }
0x5c: {  	s18 =	sadd.s32 $0x2738, s16;
	[sflag:s23] =	ssyncadd.s32 $0xFFFFEC00  }
0x5d: {  	[spmem:s2] =	stream.indirect.scatter.add.f32 [tilespmem:s13], [sflag:$0x6], $0x80, s18, s11, $0xb8;
	[tilespmem:$0x1F220] =	vst v63  }
0x5e: {  	_ =	swait.ge [sflag:s8], $0x1400  }
0x5f: {  	[sflag:s8] =	ssyncset.done $0x0  }
0x60: {  	s18 =	sadd.s32 $0xF0, s16;
	[sflag:s8] =	ssyncadd.s32 $0xFFFFEC00  }
0x61: {  	[tilespmem:s13], [sflag:$0x2] =	stream.indirect.gather [hbm4b:s1+s11], $0x80, s18, s11, $0xb8;
	[tilespmem:$0x1F220] =	vst v63  }
0x62: {  	_ =	swait.ge [sflag:s25], $0x1400  }
0x63: {  	[sflag:s25] =	ssyncset.done $0x0  }
0x64: {  	s18 =	sadd.s32 $0x2760, s16;
	[sflag:s25] =	ssyncadd.s32 $0xFFFFEC00  }
0x65: {  	[spmem:s2] =	stream.indirect.scatter.add.f32 [tilespmem:s15], [sflag:$0x6], $0x80, s18, s11, $0xb8;
	[tilespmem:$0x1F220] =	vst v63  }
0x66: {  	_ =	swait.ge [sflag:s8], $0x1400  }
0x67: {  	[sflag:s8] =	ssyncset.done $0x0  }
0x68: {  	s18 =	sadd.s32 $0x118, s16;
	[sflag:s8] =	ssyncadd.s32 $0xFFFFEC00  }
0x69: {  	[tilespmem:s15], [sflag:$0x3] =	stream.indirect.gather [hbm4b:s1+s11], $0x80, s18, s11, $0xb8;
	[tilespmem:$0x1F220] =	vst v63  }
0x6a: {  	_ =	swait.ge [sflag:s26], $0x1400  }
0x6b: {  	[sflag:s26] =	ssyncset.done $0x0  }
0x6c: {  	s18 =	sadd.s32 $0x2788, s16;
	[sflag:s26] =	ssyncadd.s32 $0xFFFFEC00  }
0x6d: {  	[spmem:s2] =	stream.indirect.scatter.add.f32 [tilespmem:s17], [sflag:$0x6], $0x80, s18, s11, $0xb8;
	[tilespmem:$0x1F220] =	vst v63  }
0x6e: {  	_ =	swait.ge [sflag:s8], $0x1400  }
0x6f: {  	[sflag:s8] =	ssyncset.done $0x0  }
0x70: {  	s18 =	sadd.s32 $0x140, s16;
	[sflag:s8] =	ssyncadd.s32 $0xFFFFEC00  }
0x71: {  	[tilespmem:s17], [sflag:$0x4] =	stream.indirect.gather [hbm4b:s1+s11], $0x80, s18, s11, $0xb8;
	[tilespmem:$0x1F220] =	vst v63  }
0x72: {  	_ =	swait.ge [sflag:s28], $0x1400  }
0x73: {  	[sflag:s28] =	ssyncset.done $0x0  }
.Ltmp0:
0x74: {  	s18 =	sadd.s32 $0x27B0, s16;
	[sflag:s28] =	ssyncadd.s32 $0xFFFFEC00;
	(pc) =	sbr.rel @p0 .LBB2_2-.Ltmp0, $4  }
0x75: {  	[spmem:s2] =	stream.indirect.scatter.add.f32 [tilespmem:s19], [sflag:$0x6], $0x80, s18, s11, $0xb8;
	[tilespmem:$0x1F220] =	vst v63  }
0x76: {  	_ =	swait.ge [sflag:s8], $0x1400  }
0x77: {  	[sflag:s8] =	ssyncset.done $0x0  }
0x78: {  	s16 =	sadd.s32 $0x168, s16;
	[sflag:s8] =	ssyncadd.s32 $0xFFFFEC00  }
0x79: {  	[tilespmem:s19], [sflag:$0x5] =	stream.indirect.gather [hbm4b:s1+s11], $0x80, s16, s11, $0xb8;
	[tilespmem:$0x1F220] =	vst v63  }
0x7a: {  	_ =	swait.ge [sflag:s22], $0x1400  }
0x7b: {  	[sflag:s22] =	ssyncset.done $0x0  }
0x7c: {  	[sflag:s22] =	ssyncadd.s32 $0xFFFFEC00  }
0x7d: {  	[spmem:s2] =	stream.indirect.scatter.add.f32 [tilespmem:s12], [sflag:$0x6], $0x80, s29, s11, $0xb8;
	[tilespmem:$0x1F220] =	vst v63  }
0x7e: {  	_ =	swait.ge [sflag:s8], $0x1400  }
0x7f: {  	[sflag:s8] =	ssyncset.done $0x0  }
0x80: {  	[sflag:s8] =	ssyncadd.s32 $0xFFFFEC00  }
0x81: {  	_ =	swait.ge [sflag:s23], $0x1400  }
0x82: {  	[sflag:s23] =	ssyncset.done $0x0  }
0x83: {  	[sflag:s23] =	ssyncadd.s32 $0xFFFFEC00  }
0x84: {  	[spmem:s2] =	stream.indirect.scatter.add.f32 [tilespmem:s13], [sflag:$0x6], $0x80, s30, s11, $0xb8;
	[tilespmem:$0x1F220] =	vst v63  }
0x85: {  	_ =	swait.ge [sflag:s8], $0x1400  }
0x86: {  	[sflag:s8] =	ssyncset.done $0x0  }
0x87: {  	[sflag:s8] =	ssyncadd.s32 $0xFFFFEC00  }
0x88: {  	_ =	swait.ge [sflag:s25], $0x1400  }
0x89: {  	[sflag:s25] =	ssyncset.done $0x0  }
0x8a: {  	[sflag:s25] =	ssyncadd.s32 $0xFFFFEC00  }
0x8b: {  	[spmem:s2] =	stream.indirect.scatter.add.f32 [tilespmem:s15], [sflag:$0x6], $0x80, s31, s11, $0xb8;
	[tilespmem:$0x1F220] =	vst v63  }
0x8c: {  	_ =	swait.ge [sflag:s8], $0x1400  }
0x8d: {  	[sflag:s8] =	ssyncset.done $0x0  }
0x8e: {  	[sflag:s8] =	ssyncadd.s32 $0xFFFFEC00  }
0x8f: {  	_ =	swait.ge [sflag:s26], $0x1400  }
0x90: {  	[sflag:s26] =	ssyncset.done $0x0  }
0x91: {  	[sflag:s26] =	ssyncadd.s32 $0xFFFFEC00  }
0x92: {  	[spmem:s2] =	stream.indirect.scatter.add.f32 [tilespmem:s17], [sflag:$0x6], $0x80, s0, s11, $0xb8;
	[tilespmem:$0x1F220] =	vst v63  }
0x93: {  	_ =	swait.ge [sflag:s8], $0x1400  }
0x94: {  	[sflag:s8] =	ssyncset.done $0x0  }
0x95: {  	[sflag:s8] =	ssyncadd.s32 $0xFFFFEC00  }
0x96: {  	_ =	swait.ge [sflag:s28], $0x1400  }
0x97: {  	[sflag:s28] =	ssyncset.done $0x0  }
0x98: {  	[sflag:s28] =	ssyncadd.s32 $0xFFFFEC00  }
0x99: {  	[spmem:s2] =	stream.indirect.scatter.add.f32 [tilespmem:s19], [sflag:$0x6], $0x80, s4, s11, $0xb8;
	[tilespmem:$0x1F220] =	vst v63  }
0x9a: {  	_ =	swait.ge [sflag:s8], $0x1400  }
0x9b: {  	s10 =	sadd.s32 $0x1, s10;
	[sflag:s8] =	ssyncset.done $0x0  }
0x9c: {  	p0 =	sne.s32 s10, s7;
	[sflag:s8] =	ssyncadd.s32 $0xFFFFEC00  }
.Ltmp1:
0x9d: {  	[bflag:$0x0] =	sbarrier.arrive $0xFFFF;
	(pc) =	sbr.rel @p0 .LBB2_1-.Ltmp1, $4  }
0x9e: {  	[hbm:s24], [sflag:s20] =	dma.local [spmem:s21], $0x2800  }
0x9f: {  	_ =	swait.ge [sflag:s8], $0x2800  }
0xa0: {  	[sflag:s8] =	ssyncset.done $0x0  }
0xa1: {  	[sflag:s8] =	ssyncadd.s32 $0xFFFFD800  }
0xa2: {  	_ =	sfence.sel $0x180000  }
0xa3: {  	[bflag:$0x0] =	sbarrier.arrive $0xFFFF  }
0xa4: {  	_ =	strace $0x9000004A  }
0xa5: {  	s0 =	stileid.u32;
	[bflag:$0x2] =	sbarrier.arrive $0xFFFF  }
0xa6: {  	p0 =	sne.s32 s0, $0x0;
	s0 =	rddreg [dreg:$0x3]  }
0xa7: {  	s0 =	sadd.s32 @!p0 $0x100000, s0  }
0xa8: {  	[sflag:s0] =	ssyncadd.tile.s32 @!p0 $0x1;
	_ =	shalt  }
.Lfunc_end2:
_tile_overlayer_lowered:
.L_overlay_start_2:
0xa9: {  	(tag) =	ssettag $0x2  }
0xaa: {  	s0 =	rddreg [dreg:$0x0];
	s2 =	stileid.u32  }
0xab: {  	s1 =	rddreg [dreg:$0x1];
	p0 =	sne.s32 s2, $0x0  }
0xac: {  	s3 =	rddreg [dreg:$0x2];
	[bflag:$0x3] =	sbarrier.arrive $0xFFFF;
	s2 =	simm.s32 @!p0 $0x1C06  }
0xad: {  	[timem:s3], [sflag:s2] =	dma.local @!p0 [hbm:s0], s1  }
0xae: {  	s0 =	simm.s32 @!p0 $0x6  }
0xaf: {  	_ =	swait.ge @!p0 [sflag:s0], s1  }
0xb0: {  	s1 =	ssub.s32 @!p0 $0x0, s1;
	[sflag:s0] =	ssyncset.done @!p0 $0x0  }
0xb1: {  	[sflag:s0] =	ssyncadd.s32 @!p0 s1  }
0xb2: {  	[bflag:$0x3] =	sbarrier.arrive $0xFFFF  }
0xb3: {  	_ =	shalt  }

// kernel: kernel.15.cloned.1.call-start
scs
__scs_entry_jumppad:
0x0: {  	(pc) =	sbr.rel $0x88, $3  }
0x1: {  	(tag) =	ssettag $0x0;
	lr =	simm.s32 $0x1  }
0x2: {  	[smem:$0x3F89] =	sst lr;
	_ =	strace $0xD0000000  }
0x3: {  	_ = 	snop  }
0x4: {  	_ = 	snop  }
0x5: {  	_ = 	snop  }
0x6: {  	_ = 	snop  }
0x7: {  	_ = 	snop  }
__scs_overlays_trampoline_lowered:
0x8: {  	[smem:$0x3F98] =	sst s0  }
0x9: {  	[smem:$0x3F99] =	sst s1  }
0xa: {  	[smem:$0x3F9A] =	sst s2  }
0xb: {  	[smem:$0x3F9B] =	sst s3  }
0xc: {  	[smem:$0x3F9C] =	sst s4  }
0xd: {  	[smem:$0x3F9D] =	sst s5  }
0xe: {  	[smem:$0x3F9E] =	sst s6  }
0xf: {  	[smem:$0x3F9F] =	sst s7  }
0x10: {  	[smem:$0x3FA0] =	sst s8  }
0x11: {  	[smem:$0x3FA1] =	sst s9;
	s0 =	simm.s32 @!p0 $0x0  }
0x12: {  	s1 =	sld [smem:$0x3F87];
	s0 =	simm.s32 @p0 $0x1  }
0x13: {  	[smem:$0x3FA2] =	sst s0;
	s0 =	simm.s32 @!p1 $0x0  }
0x14: {  	s2 =	sld [smem:$0x3F86];
	s0 =	simm.s32 @p1 $0x1  }
0x15: {  	[smem:$0x3FA3] =	sst s0;
	s0 =	simm.s32 @!p2 $0x0  }
0x16: {  	s3 =	sld [smem:$0x3FDB];
	s0 =	simm.s32 @p2 $0x1  }
0x17: {  	s4 =	simm.s32 $0x1BF5;
	[smem:$0x3FA5] =	sst s0  }
0x18: {  	s0 =	sld [smem:$0x3F88];
	_ =	swait.ge [sflag:s4], $0x0  }
0x19: {  	s7 =	sld [smem:$0x3F89]  }
0x1a: {  	s8 =	sadd.s32 $0xFFFFE003, lr  }
0x1b: {  	s9 =	sadd.s32 $0xFFFFFEF7, lr;
	s5 =	simm.s32 $0xFFFFFFFF;
	p2 =	slt.u32 s8, $0xFFFFF086  }
0x1c: {  	p1 =	slt.u32 s9, $0xF7A;
	s5 =	simm.s32 @!p2 $0x0  }
0x1d: {  	s5 =	simm.s32 @p1 $0x1;
	p0 =	seq.s32 s7, s2  }
0x1e: {  	s7 =	smul.u32 @!p0 $0xF7A, s2;
	p2 =	seq.s32 @!p0 s5, $0x0  }
0x1f: {  	s9 =	smul.u32 $0xF7A, s1;
	s8 =	simm.s32 @!p0 $0x1BF5;
	p2 =	por !p2, p0  }
0x20: {  	[sflag:s8] =	ssyncset.s32 @!p0 $0xFFFFF086;
	s6 =	sadd.s32 @!p0 s3, s7;
	s7 =	simm.s32 @!p0 $0x108  }
0x21: {  	s3 =	sadd.s32 s3, s9;
	s6 =	sadd.s32 @!p0 $0x88, s6;
	s7 =	simm.s32 @p2 $0x1082  }
0x22: {  	[simem:s7], [sflag:s8] =	dma.local @!p0 [hbm:s6], $0xF7A  }
0x23: {  	s9 =	sor.u32 $0xD0000000, s2;
	s6 =	simm.s32 $0x108;
	_ =	swait.ge @!p0 [sflag:s8], $0x0  }
0x24: {  	s3 =	sadd.s32 $0x88, s3;
	s6 =	simm.s32 @!p1 $0x1082;
	[sflag:s4] =	ssyncset.s32 $0xFFFFF086  }
0x25: {  	[simem:s6], [sflag:s4] =	dma.local [hbm:s3], $0xF7A  }
0x26: {  	[smem:$0x3F89] =	sst s1;
	(tag) =	ssettag s2;
	_ =	strace s9  }
0x27: {  	s1 =	sld [smem:$0x3F99]  }
0x28: {  	s2 =	sld [smem:$0x3F9A]  }
0x29: {  	s4 =	sld [smem:$0x3F9C]  }
0x2a: {  	p0 =	seq.s32 s5, $0x0;
	s5 =	sld [smem:$0x3F9D]  }
0x2b: {  	s6 =	sld [smem:$0x3F9E]  }
0x2c: {  	s7 =	sld [smem:$0x3F9F]  }
0x2d: {  	s3 =	simm.s32 $0x108;
	s8 =	sld [smem:$0x3FA0]  }
0x2e: {  	s3 =	simm.s32 @!p0 $0x1082;
	s9 =	sld [smem:$0x3FA1]  }
0x2f: {  	lr =	sadd.s32 s0, s3;
	s0 =	sld [smem:$0x3F98]  }
0x30: {  	s3 =	sld [smem:$0x3F9B]  }
0x31: {  	[smem:$0x3FA4] =	sst s10  }
0x32: {  	s10 =	sld [smem:$0x3FA2];
	_ =	sdelay $0x3  }
0x33: {  	p0 =	seq.s32 s10, $0x1;
	s10 =	sld [smem:$0x3FA4];
	_ =	sdelay $0x3  }
0x34: {  	[smem:$0x3FA4] =	sst s10  }
0x35: {  	s10 =	sld [smem:$0x3FA3];
	_ =	sdelay $0x3  }
0x36: {  	p1 =	seq.s32 s10, $0x1;
	s10 =	sld [smem:$0x3FA4];
	_ =	sdelay $0x3  }
0x37: {  	[smem:$0x3FA4] =	sst s10  }
0x38: {  	s10 =	sld [smem:$0x3FA5]  }
0x39: {  	_ = 	snop;
	(pc) =	sbr.ind lr, $3  }
0x3a: {  	_ = 	snop  }
0x3b: {  	_ = 	snop  }
0x3c: {  	p2 =	seq.s32 s10, $0x1;
	s10 =	sld [smem:$0x3FA4]  }
0x3d: {  	_ =	shalt  }
0x3e: {  	_ =	shalt  }
0x3f: {  	_ =	shalt  }
0x40: {  	_ =	shalt  }
0x41: {  	_ =	shalt  }
0x42: {  	_ =	shalt  }
0x43: {  	_ =	shalt  }
0x44: {  	_ =	shalt  }
0x45: {  	_ =	shalt  }
0x46: {  	_ =	shalt  }
0x47: {  	_ =	shalt  }
0x48: {  	_ =	shalt  }
0x49: {  	_ =	shalt  }
0x4a: {  	_ =	shalt  }
0x4b: {  	_ =	shalt  }
0x4c: {  	_ =	shalt  }
0x4d: {  	_ =	shalt  }
0x4e: {  	_ =	shalt  }
0x4f: {  	_ =	shalt  }
0x50: {  	_ =	shalt  }
0x51: {  	_ =	shalt  }
0x52: {  	_ =	shalt  }
0x53: {  	_ =	shalt  }
0x54: {  	_ =	shalt  }
0x55: {  	_ =	shalt  }
0x56: {  	_ =	shalt  }
0x57: {  	_ =	shalt  }
0x58: {  	_ =	shalt  }
0x59: {  	_ =	shalt  }
0x5a: {  	_ =	shalt  }
0x5b: {  	_ =	shalt  }
0x5c: {  	_ =	shalt  }
0x5d: {  	_ =	shalt  }
0x5e: {  	_ =	shalt  }
0x5f: {  	_ =	shalt  }
0x60: {  	_ =	shalt  }
0x61: {  	_ =	shalt  }
0x62: {  	_ =	shalt  }
0x63: {  	_ =	shalt  }
0x64: {  	_ =	shalt  }
0x65: {  	_ =	shalt  }
0x66: {  	_ =	shalt  }
0x67: {  	_ =	shalt  }
0x68: {  	_ =	shalt  }
0x69: {  	_ =	shalt  }
0x6a: {  	_ =	shalt  }
0x6b: {  	_ =	shalt  }
0x6c: {  	_ =	shalt  }
0x6d: {  	_ =	shalt  }
0x6e: {  	_ =	shalt  }
0x6f: {  	_ =	shalt  }
0x70: {  	_ =	shalt  }
0x71: {  	_ =	shalt  }
0x72: {  	_ =	shalt  }
0x73: {  	_ =	shalt  }
0x74: {  	_ =	shalt  }
0x75: {  	_ =	shalt  }
0x76: {  	_ =	shalt  }
0x77: {  	_ =	shalt  }
0x78: {  	_ =	shalt  }
0x79: {  	_ =	shalt  }
0x7a: {  	_ =	shalt  }
0x7b: {  	_ =	shalt  }
0x7c: {  	_ =	shalt  }
0x7d: {  	_ =	shalt  }
0x7e: {  	_ =	shalt  }
0x7f: {  	_ =	shalt  }
0x80: {  	_ =	shalt  }
0x81: {  	_ =	shalt  }
0x82: {  	_ =	shalt  }
0x83: {  	_ =	shalt  }
0x84: {  	_ =	shalt  }
0x85: {  	_ =	shalt  }
0x86: {  	_ =	shalt  }
0x87: {  	_ =	shalt  }
.Lfunc_end0:
.L_simem_size_0:
called_computation.2_lowered:
.L_overlay_start_0:
0x88: {  	s2 =	sld [smem:$0x3FD9]  }
0x89: {  	s3 =	sld [smem:$0x3FFE];
	_ =	sdelay $0x1  }
0x8a: {  	s1 =	srdreg.scid  }
0x8b: {  	s0 =	sand.u32 $0x1, s1  }
0x8c: {  	s17 =	sshll.u32 s0, $0xA;
	s2 =	sadd.s32 s3, s2  }
0x8d: {  	s2 =	sadd.s32 s2, s17  }
0x8e: {  	[smem:$0x3FB0] =	sst s2  }
0x8f: {  	_ = 	snop  }
0x90: {  	s2 =	sld [smem:$0x3FD0];
	(tm) =	ssettm $0x1  }
0x91: {  	s18 =	sld [smem:$0x3FFB];
	_ =	sdelay $0x3  }
0x92: {  	_ =	strace s18  }
0x93: {  	s3 =	sld [smem:$0x3FFC];
	_ =	sdelay $0x3  }
0x94: {  	_ =	strace s3  }
0x95: {  	s3 =	sld [smem:$0x3FFD];
	_ =	sdelay $0x3  }
0x96: {  	_ =	strace s3  }
0x97: {  	_ =	strace $0x8FFFFFFF  }
0x98: {  	s19 =	sld [smem:$0x3FDB];
	_ =	sdelay $0x1  }
0x99: {  	s4 =	simm.s32 $_scs_section_size  }
0x9a: {  	s5 =	simm.s32 $_size__tile_overlayer_lowered;
	s6 =	simm.s32 $_tile_overlayer_lowered  }
0x9b: {  	s22 =	simm.s32 $0x1BFF;
	s21 =	sshll.u32 s6, $0x1;
	s3 =	sadd.s32 s4, s19  }
0x9c: {  	s7 =	simm.s32 $0x0;
	s20 =	sshll.u32 s5, $0x1;
	s5 =	sadd.s32 s21, s3  }
0x9d: {  	[timem:s7], [sflag:s22] =	dma.local [hbm:s5], s20  }
0x9e: {  	_ =	swait.ge [sflag:s22], s20  }
0x9f: {  	s4 =	ssub.s32 $0x0, s20;
	[sflag:s22] =	ssyncset.done $0x0  }
0xa0: {  	[sflag:s22] =	ssyncadd.s32 s4;
	_ =	sdelay $0x1  }
0xa1: {  	s23 =	simm.s32 $0x1B8B  }
0xa2: {  	_ =	swait.ge [sflag:s23], $0x1  }
0xa3: {  	[sflag:s23] =	ssyncset.done $0x0  }
0xa4: {  	s25 =	simm.s32 $0x1B8E;
	s24 =	sld [smem:$0x3FFE];
	[sflag:s23] =	ssyncadd.s32 $0xFFFFFFFF  }
0xa5: {  	s26 =	simm.s32 $execute0_lowered;
	[smem:$0x3FD2] =	sst s25  }
0xa6: {  	s5 =	sshll.u32 s26, $0x1;
	_ =	strace $0x8000004C;
	[dreg:$0x1] =	wrdreg $0xFFFFFFFF  }
0xa7: {  	s28 =	simm.s32 $_size_execute0_lowered;
	s3 =	sadd.s32 s3, s5;
	[dreg:$0x0] =	wrdreg $0x0  }
0xa8: {  	s5 =	sshll.u32 s28, $0x1;
	[dreg:$0x2] =	wrdreg s3  }
0xa9: {  	[dreg:$0x3] =	wrdreg s5  }
0xaa: {  	[dreg:$0x4] =	wrdreg $0xC0  }
0xab: {  	_ =	task [dreg:s7], $0x5FFFF  }
0xac: {  	[dreg:$0x1] =	wrdreg $0xFFFFFFFF  }
0xad: {  	[dreg:$0x0] =	wrdreg $0x60  }
0xae: {  	[dreg:$0x2] =	wrdreg s2  }
0xaf: {  	[dreg:$0x3] =	wrdreg s24  }
0xb0: {  	[dreg:$0x4] =	wrdreg $0xB2200  }
0xb1: {  	[dreg:$0x5] =	wrdreg $0x9  }
0xb2: {  	_ =	task.clear_ibuf [dreg:s7], $0x6FFFF;
	_ =	strace $0x9000004C  }
0xb3: {  	s29 =	simm.s32 $0x9;
	_ =	strace $0x8000004E  }
0xb4: {  	_ =	swait.ge [sflag:s29], $0x1  }
0xb5: {  	[sflag:s29] =	ssyncadd.s32 $0xFFFFFFFF  }
0xb6: {  	_ =	strace $0x9000004E  }
0xb7: {  	_ =	sfence  }
0xb8: {  	s30 =	sld [smem:$0x0];
	_ =	sdelay $0x2  }
0xb9: {  	s31 =	sshll.u32 s1, $0xD;
	s1 =	sshrl.u32 s1, $0x2  }
0xba: {  	s3 =	sand.u32 $0x4000, s31;
	s1 =	sadd.s32 s1, s30  }
0xbb: {  	s0 =	sor.u32 s3, s0;
	s1 =	sshll.u32 s1, $0x11  }
0xbc: {  	s0 =	sor.u32 s1, s0  }
0xbd: {  	s0 =	sadd.s32 $0x8F2B, s0  }
0xbe: {  	[sflag:s0] =	ssyncadd.remote.s32 $0x1  }
0xbf: {  	_ =	sfence.sel $0xFFFF  }
0xc0: {  	[dreg:$0x0] =	wrdreg $0xFFFFFFFF;
	(pc) =	sbr.abs _section_cstart, $3  }
0xc1: {  	[dreg:$0x1] =	wrdreg $0xFFFFFFFF  }
0xc2: {  	_ =	task.clear_ibuf [dreg:s7], $0x2FFFF;
	_ =	strace $0x9FFFFFFF  }
0xc3: {  	(tm) =	ssettm $0x7FFFFFFF  }
tec
execute0_lowered:
.L_overlay_start_1:
0x0: {  	(tag) =	ssettag $0x1  }
0x1: {  	s1 =	rddreg [dreg:$0x0]  }
0x2: {  	s0 =	rddreg [dreg:$0x1]  }
0x3: {  	s2 =	rddreg [dreg:$0x2];
	s4 =	srdreg.scid  }
0x4: {  	s3 =	simm.s32 $0x0;
	s16 =	stileid.u32;
	s12 =	simm.s32 $0x4E20  }
0x5: {  	s13 =	simm.s32 $0x6220;
	s15 =	simm.s32 $0x7620;
	s17 =	simm.s32 $0x8A20  }
0x6: {  	s19 =	simm.s32 $0x9E20;
	s22 =	simm.s32 $0x1;
	s23 =	simm.s32 $0x2  }
0x7: {  	s28 =	simm.s32 $0x5;
	s29 =	simm.s32 $0x4D58;
	s9 =	smul.u32 $0x4E2, s16  }
0x8: {  	s30 =	simm.s32 $0x4D80;
	s4 =	sand.u32 $0x1, s4;
	s10 =	smul.u32 $0x14000, s16  }
0x9: {  	s31 =	simm.s32 $0x4DA8;
	[smem:$0x7FF] =	sst s3;
	s5 =	smul.u32 $0x4E20, s4  }
0xa: {  	s26 =	sshll.u32 s16, $0x6;
	_ =	strace $0x8000004D;
	s6 =	smul.u32 $0x28000, s4  }
0xb: {  	s4 =	ssub.s32 $0x2, s4;
	s20 =	sor.u32 $0x1C06, s26;
	s26 =	simm.s32 $0x4  }
0xc: {  	s8 =	sshrl.u32 s4, $0x1;
	s14 =	sadd.s32 s10, s2;
	s10 =	sshrl.u32 s10, $0x3  }
0xd: {  	s7 =	sadd.s32 s5, s0;
	s5 =	sadd.s32 $0x19800, s0;
	s0 =	sadd.s32 s6, s0  }
0xe: {  	s4 =	ssub.s32 s4, s8;
	s8 =	simm.s32 $0x6;
	s21 =	sshrl.u32 s14, $0x3  }
0xf: {  	s25 =	sadd.s32 s9, s7;
	s11 =	sadd.s32 $0xFA00, s7;
	s0 =	sadd.s32 $0x1C000, s0  }
0x10: {  	s7 =	smax.u32 s4, $0x1;
	s4 =	simm.s32 $0x4DF8;
	s6 =	sadd.s32 $0x5C00, s25  }
0x11: {  	s9 =	sadd.s32 s9, s11;
	s11 =	simm.s32 $0x28;
	s24 =	sadd.s32 s10, s0  }
0x12: {  	s25 =	simm.s32 $0x3;
	s0 =	simm.s32 $0x4DD0;
	s10 =	simm.s32 $0x0  }
.LBB2_1:
0x13: {  	[tilespmem:s3], [sflag:$0x6] =	stream.linear.gather [hbm4b:s6+s3], $0x2710, $0x38;
	[tilespmem:$0x1F220] =	vst v63  }
0x14: {  	_ =	swait.ge [sflag:s8], $0x2710  }
0x15: {  	[sflag:s8] =	ssyncset.done $0x0  }
0x16: {  	s14 =	simm.s32 $0x2710;
	[sflag:s8] =	ssyncadd.s32 $0xFFFFD8F0  }
0x17: {  	[tilespmem:s14], [sflag:$0x6] =	stream.linear.gather [hbm4b:s9+s3], $0x2710, $0x38;
	[tilespmem:$0x1F220] =	vst v63  }
0x18: {  	_ =	swait.ge [sflag:s8], $0x2710  }
0x19: {  	[sflag:s8] =	ssyncset.done $0x0  }
0x1a: {  	[sflag:s8] =	ssyncadd.s32 $0xFFFFD8F0  }
0x1b: {  	[tilespmem:s12], [sflag:$0x1] =	stream.indirect.gather [hbm4b:s1+s11], $0x80, s3, s11, $0xb8;
	[tilespmem:$0x1F220] =	vst v63  }
0x1c: {  	_ = 	snop  }
0x1d: {  	[tilespmem:s13], [sflag:$0x2] =	stream.indirect.gather [hbm4b:s1+s11], $0x80, s11, s11, $0xb8;
	[tilespmem:$0x1F220] =	vst v63  }
0x1e: {  	s16 =	simm.s32 $0x50  }
0x1f: {  	[tilespmem:s15], [sflag:$0x3] =	stream.indirect.gather [hbm4b:s1+s11], $0x80, s16, s11, $0xb8;
	[tilespmem:$0x1F220] =	vst v63  }
0x20: {  	s18 =	simm.s32 $0x78  }
0x21: {  	[tilespmem:s17], [sflag:$0x4] =	stream.indirect.gather [hbm4b:s1+s11], $0x80, s18, s11, $0xb8;
	[tilespmem:$0x1F220] =	vst v63  }
0x22: {  	s16 =	simm.s32 $0xA0  }
0x23: {  	[tilespmem:s19], [sflag:$0x5] =	stream.indirect.gather [hbm4b:s1+s11], $0x80, s16, s11, $0xb8;
	[tilespmem:$0x1F220] =	vst v63  }
0x24: {  	[spmem:s21], [sflag:s20] =	dma.local [hbm:s5], $0x2800  }
0x25: {  	_ =	swait.ge [sflag:s8], $0x2800  }
0x26: {  	[sflag:s8] =	ssyncset.done $0x0  }
0x27: {  	[sflag:s8] =	ssyncadd.s32 $0xFFFFD800  }
0x28: {  	[bflag:$0x0] =	sbarrier.arrive $0xFFFF  }
0x29: {  	_ =	swait.ge [sflag:s22], $0x1400  }
0x2a: {  	[sflag:s22] =	ssyncset.done $0x0  }
0x2b: {  	s18 =	simm.s32 $0x2710;
	[sflag:s22] =	ssyncadd.s32 $0xFFFFEC00  }
0x2c: {  	[spmem:s2] =	stream.indirect.scatter.add.f32 [tilespmem:s12], [sflag:$0x6], $0x80, s18, s11, $0xb8;
	[tilespmem:$0x1F220] =	vst v63  }
0x2d: {  	_ =	swait.ge [sflag:s8], $0x1400  }
0x2e: {  	[sflag:s8] =	ssyncset.done $0x0  }
0x2f: {  	s16 =	simm.s32 $0xC8;
	[sflag:s8] =	ssyncadd.s32 $0xFFFFEC00  }
0x30: {  	[tilespmem:s12], [sflag:$0x1] =	stream.indirect.gather [hbm4b:s1+s11], $0x80, s16, s11, $0xb8;
	[tilespmem:$0x1F220] =	vst v63  }
0x31: {  	_ =	swait.ge [sflag:s23], $0x1400  }
0x32: {  	[sflag:s23] =	ssyncset.done $0x0  }
0x33: {  	s18 =	simm.s32 $0x2738;
	[sflag:s23] =	ssyncadd.s32 $0xFFFFEC00  }
0x34: {  	[spmem:s2] =	stream.indirect.scatter.add.f32 [tilespmem:s13], [sflag:$0x6], $0x80, s18, s11, $0xb8;
	[tilespmem:$0x1F220] =	vst v63  }
0x35: {  	_ =	swait.ge [sflag:s8], $0x1400  }
0x36: {  	[sflag:s8] =	ssyncset.done $0x0  }
0x37: {  	s16 =	simm.s32 $0xF0;
	[sflag:s8] =	ssyncadd.s32 $0xFFFFEC00  }
0x38: {  	[tilespmem:s13], [sflag:$0x2] =	stream.indirect.gather [hbm4b:s1+s11], $0x80, s16, s11, $0xb8;
	[tilespmem:$0x1F220] =	vst v63  }
0x39: {  	_ =	swait.ge [sflag:s25], $0x1400  }
0x3a: {  	[sflag:s25] =	ssyncset.done $0x0  }
0x3b: {  	s18 =	simm.s32 $0x2760;
	[sflag:s25] =	ssyncadd.s32 $0xFFFFEC00  }
0x3c: {  	[spmem:s2] =	stream.indirect.scatter.add.f32 [tilespmem:s15], [sflag:$0x6], $0x80, s18, s11, $0xb8;
	[tilespmem:$0x1F220] =	vst v63  }
0x3d: {  	_ =	swait.ge [sflag:s8], $0x1400  }
0x3e: {  	[sflag:s8] =	ssyncset.done $0x0  }
0x3f: {  	s16 =	simm.s32 $0x118;
	[sflag:s8] =	ssyncadd.s32 $0xFFFFEC00  }
0x40: {  	[tilespmem:s15], [sflag:$0x3] =	stream.indirect.gather [hbm4b:s1+s11], $0x80, s16, s11, $0xb8;
	[tilespmem:$0x1F220] =	vst v63  }
0x41: {  	_ =	swait.ge [sflag:s26], $0x1400  }
0x42: {  	[sflag:s26] =	ssyncset.done $0x0  }
0x43: {  	s18 =	simm.s32 $0x2788;
	[sflag:s26] =	ssyncadd.s32 $0xFFFFEC00  }
0x44: {  	[spmem:s2] =	stream.indirect.scatter.add.f32 [tilespmem:s17], [sflag:$0x6], $0x80, s18, s11, $0xb8;
	[tilespmem:$0x1F220] =	vst v63  }
0x45: {  	_ =	swait.ge [sflag:s8], $0x1400  }
0x46: {  	[sflag:s8] =	ssyncset.done $0x0  }
0x47: {  	s16 =	simm.s32 $0x140;
	[sflag:s8] =	ssyncadd.s32 $0xFFFFEC00  }
0x48: {  	[tilespmem:s17], [sflag:$0x4] =	stream.indirect.gather [hbm4b:s1+s11], $0x80, s16, s11, $0xb8;
	[tilespmem:$0x1F220] =	vst v63  }
0x49: {  	_ =	swait.ge [sflag:s28], $0x1400  }
0x4a: {  	[sflag:s28] =	ssyncset.done $0x0  }
0x4b: {  	s18 =	simm.s32 $0x27B0;
	[sflag:s28] =	ssyncadd.s32 $0xFFFFEC00  }
0x4c: {  	[spmem:s2] =	stream.indirect.scatter.add.f32 [tilespmem:s19], [sflag:$0x6], $0x80, s18, s11, $0xb8;
	[tilespmem:$0x1F220] =	vst v63  }
0x4d: {  	_ =	swait.ge [sflag:s8], $0x1400  }
0x4e: {  	[sflag:s8] =	ssyncset.done $0x0  }
0x4f: {  	s14 =	simm.s32 $0x320;
	s16 =	simm.s32 $0x168;
	[sflag:s8] =	ssyncadd.s32 $0xFFFFEC00  }
.LBB2_2:
0x50: {  	[tilespmem:s19], [sflag:$0x5] =	stream.indirect.gather [hbm4b:s1+s11], $0x80, s16, s11, $0xb8;
	[tilespmem:$0x1F220] =	vst v63  }
0x51: {  	s16 =	smov.u32 s14  }
0x52: {  	p0 =	sne.s32 s14, $0x9600;
	s14 =	sadd.s32 $0x320, s14;
	_ =	swait.ge [sflag:s22], $0x1400  }
0x53: {  	s16 =	sshra.s32 s16, $0x2;
	[sflag:s22] =	ssyncset.done $0x0  }
0x54: {  	s18 =	sadd.s32 $0x2710, s16;
	[sflag:s22] =	ssyncadd.s32 $0xFFFFEC00  }
0x55: {  	[spmem:s2] =	stream.indirect.scatter.add.f32 [tilespmem:s12], [sflag:$0x6], $0x80, s18, s11, $0xb8;
	[tilespmem:$0x1F220] =	vst v63  }
0x56: {  	_ =	swait.ge [sflag:s8], $0x1400  }
0x57: {  	[sflag:s8] =	ssyncset.done $0x0  }
0x58: {  	s18 =	sadd.s32 $0xC8, s16;
	[sflag:s8] =	ssyncadd.s32 $0xFFFFEC00  }
0x59: {  	[tilespmem:s12], [sflag:$0x1] =	stream.indirect.gather [hbm4b:s1+s11], $0x80, s18, s11, $0xb8;
	[tilespmem:$0x1F220] =	vst v63  }
0x5a: {  	_ =	swait.ge [sflag:s23], $0x1400  }
0x5b: {  	[sflag:s23] =	ssyncset.done $0x0  }
0x5c: {  	s18 =	sadd.s32 $0x2738, s16;
	[sflag:s23] =	ssyncadd.s32 $0xFFFFEC00  }
0x5d: {  	[spmem:s2] =	stream.indirect.scatter.add.f32 [tilespmem:s13], [sflag:$0x6], $0x80, s18, s11, $0xb8;
	[tilespmem:$0x1F220] =	vst v63  }
0x5e: {  	_ =	swait.ge [sflag:s8], $0x1400  }
0x5f: {  	[sflag:s8] =	ssyncset.done $0x0  }
0x60: {  	s18 =	sadd.s32 $0xF0, s16;
	[sflag:s8] =	ssyncadd.s32 $0xFFFFEC00  }
0x61: {  	[tilespmem:s13], [sflag:$0x2] =	stream.indirect.gather [hbm4b:s1+s11], $0x80, s18, s11, $0xb8;
	[tilespmem:$0x1F220] =	vst v63  }
0x62: {  	_ =	swait.ge [sflag:s25], $0x1400  }
0x63: {  	[sflag:s25] =	ssyncset.done $0x0  }
0x64: {  	s18 =	sadd.s32 $0x2760, s16;
	[sflag:s25] =	ssyncadd.s32 $0xFFFFEC00  }
0x65: {  	[spmem:s2] =	stream.indirect.scatter.add.f32 [tilespmem:s15], [sflag:$0x6], $0x80, s18, s11, $0xb8;
	[tilespmem:$0x1F220] =	vst v63  }
0x66: {  	_ =	swait.ge [sflag:s8], $0x1400  }
0x67: {  	[sflag:s8] =	ssyncset.done $0x0  }
0x68: {  	s18 =	sadd.s32 $0x118, s16;
	[sflag:s8] =	ssyncadd.s32 $0xFFFFEC00  }
0x69: {  	[tilespmem:s15], [sflag:$0x3] =	stream.indirect.gather [hbm4b:s1+s11], $0x80, s18, s11, $0xb8;
	[tilespmem:$0x1F220] =	vst v63  }
0x6a: {  	_ =	swait.ge [sflag:s26], $0x1400  }
0x6b: {  	[sflag:s26] =	ssyncset.done $0x0  }
0x6c: {  	s18 =	sadd.s32 $0x2788, s16;
	[sflag:s26] =	ssyncadd.s32 $0xFFFFEC00  }
0x6d: {  	[spmem:s2] =	stream.indirect.scatter.add.f32 [tilespmem:s17], [sflag:$0x6], $0x80, s18, s11, $0xb8;
	[tilespmem:$0x1F220] =	vst v63  }
0x6e: {  	_ =	swait.ge [sflag:s8], $0x1400  }
0x6f: {  	[sflag:s8] =	ssyncset.done $0x0  }
0x70: {  	s18 =	sadd.s32 $0x140, s16;
	[sflag:s8] =	ssyncadd.s32 $0xFFFFEC00  }
0x71: {  	[tilespmem:s17], [sflag:$0x4] =	stream.indirect.gather [hbm4b:s1+s11], $0x80, s18, s11, $0xb8;
	[tilespmem:$0x1F220] =	vst v63  }
0x72: {  	_ =	swait.ge [sflag:s28], $0x1400  }
0x73: {  	[sflag:s28] =	ssyncset.done $0x0  }
.Ltmp0:
0x74: {  	s18 =	sadd.s32 $0x27B0, s16;
	[sflag:s28] =	ssyncadd.s32 $0xFFFFEC00;
	(pc) =	sbr.rel @p0 .LBB2_2-.Ltmp0, $4  }
0x75: {  	[spmem:s2] =	stream.indirect.scatter.add.f32 [tilespmem:s19], [sflag:$0x6], $0x80, s18, s11, $0xb8;
	[tilespmem:$0x1F220] =	vst v63  }
0x76: {  	_ =	swait.ge [sflag:s8], $0x1400  }
0x77: {  	[sflag:s8] =	ssyncset.done $0x0  }
0x78: {  	s16 =	sadd.s32 $0x168, s16;
	[sflag:s8] =	ssyncadd.s32 $0xFFFFEC00  }
0x79: {  	[tilespmem:s19], [sflag:$0x5] =	stream.indirect.gather [hbm4b:s1+s11], $0x80, s16, s11, $0xb8;
	[tilespmem:$0x1F220] =	vst v63  }
0x7a: {  	_ =	swait.ge [sflag:s22], $0x1400  }
0x7b: {  	[sflag:s22] =	ssyncset.done $0x0  }
0x7c: {  	[sflag:s22] =	ssyncadd.s32 $0xFFFFEC00  }
0x7d: {  	[spmem:s2] =	stream.indirect.scatter.add.f32 [tilespmem:s12], [sflag:$0x6], $0x80, s29, s11, $0xb8;
	[tilespmem:$0x1F220] =	vst v63  }
0x7e: {  	_ =	swait.ge [sflag:s8], $0x1400  }
0x7f: {  	[sflag:s8] =	ssyncset.done $0x0  }
0x80: {  	[sflag:s8] =	ssyncadd.s32 $0xFFFFEC00  }
0x81: {  	_ =	swait.ge [sflag:s23], $0x1400  }
0x82: {  	[sflag:s23] =	ssyncset.done $0x0  }
0x83: {  	[sflag:s23] =	ssyncadd.s32 $0xFFFFEC00  }
0x84: {  	[spmem:s2] =	stream.indirect.scatter.add.f32 [tilespmem:s13], [sflag:$0x6], $0x80, s30, s11, $0xb8;
	[tilespmem:$0x1F220] =	vst v63  }
0x85: {  	_ =	swait.ge [sflag:s8], $0x1400  }
0x86: {  	[sflag:s8] =	ssyncset.done $0x0  }
0x87: {  	[sflag:s8] =	ssyncadd.s32 $0xFFFFEC00  }
0x88: {  	_ =	swait.ge [sflag:s25], $0x1400  }
0x89: {  	[sflag:s25] =	ssyncset.done $0x0  }
0x8a: {  	[sflag:s25] =	ssyncadd.s32 $0xFFFFEC00  }
0x8b: {  	[spmem:s2] =	stream.indirect.scatter.add.f32 [tilespmem:s15], [sflag:$0x6], $0x80, s31, s11, $0xb8;
	[tilespmem:$0x1F220] =	vst v63  }
0x8c: {  	_ =	swait.ge [sflag:s8], $0x1400  }
0x8d: {  	[sflag:s8] =	ssyncset.done $0x0  }
0x8e: {  	[sflag:s8] =	ssyncadd.s32 $0xFFFFEC00  }
0x8f: {  	_ =	swait.ge [sflag:s26], $0x1400  }
0x90: {  	[sflag:s26] =	ssyncset.done $0x0  }
0x91: {  	[sflag:s26] =	ssyncadd.s32 $0xFFFFEC00  }
0x92: {  	[spmem:s2] =	stream.indirect.scatter.add.f32 [tilespmem:s17], [sflag:$0x6], $0x80, s0, s11, $0xb8;
	[tilespmem:$0x1F220] =	vst v63  }
0x93: {  	_ =	swait.ge [sflag:s8], $0x1400  }
0x94: {  	[sflag:s8] =	ssyncset.done $0x0  }
0x95: {  	[sflag:s8] =	ssyncadd.s32 $0xFFFFEC00  }
0x96: {  	_ =	swait.ge [sflag:s28], $0x1400  }
0x97: {  	[sflag:s28] =	ssyncset.done $0x0  }
0x98: {  	[sflag:s28] =	ssyncadd.s32 $0xFFFFEC00  }
0x99: {  	[spmem:s2] =	stream.indirect.scatter.add.f32 [tilespmem:s19], [sflag:$0x6], $0x80, s4, s11, $0xb8;
	[tilespmem:$0x1F220] =	vst v63  }
0x9a: {  	_ =	swait.ge [sflag:s8], $0x1400  }
0x9b: {  	s10 =	sadd.s32 $0x1, s10;
	[sflag:s8] =	ssyncset.done $0x0  }
0x9c: {  	p0 =	sne.s32 s10, s7;
	[sflag:s8] =	ssyncadd.s32 $0xFFFFEC00  }
.Ltmp1:
0x9d: {  	[bflag:$0x0] =	sbarrier.arrive $0xFFFF;
	(pc) =	sbr.rel @p0 .LBB2_1-.Ltmp1, $4  }
0x9e: {  	[hbm:s24], [sflag:s20] =	dma.local [spmem:s21], $0x2800  }
0x9f: {  	_ =	swait.ge [sflag:s8], $0x2800  }
0xa0: {  	[sflag:s8] =	ssyncset.done $0x0  }
0xa1: {  	[sflag:s8] =	ssyncadd.s32 $0xFFFFD800  }
0xa2: {  	_ =	sfence.sel $0x180000  }
0xa3: {  	[bflag:$0x0] =	sbarrier.arrive $0xFFFF  }
0xa4: {  	_ =	strace $0x9000004D  }
0xa5: {  	s0 =	stileid.u32;
	[bflag:$0x2] =	sbarrier.arrive $0xFFFF  }
0xa6: {  	p0 =	sne.s32 s0, $0x0;
	s0 =	rddreg [dreg:$0x3]  }
0xa7: {  	s0 =	sadd.s32 @!p0 $0x100000, s0  }
0xa8: {  	[sflag:s0] =	ssyncadd.tile.s32 @!p0 $0x1;
	_ =	shalt  }
.Lfunc_end2:
_tile_overlayer_lowered:
.L_overlay_start_2:
0xa9: {  	(tag) =	ssettag $0x2  }
0xaa: {  	s0 =	rddreg [dreg:$0x0];
	s2 =	stileid.u32  }
0xab: {  	s1 =	rddreg [dreg:$0x1];
	p0 =	sne.s32 s2, $0x0  }
0xac: {  	s3 =	rddreg [dreg:$0x2];
	[bflag:$0x3] =	sbarrier.arrive $0xFFFF;
	s2 =	simm.s32 @!p0 $0x1C06  }
0xad: {  	[timem:s3], [sflag:s2] =	dma.local @!p0 [hbm:s0], s1  }
0xae: {  	s0 =	simm.s32 @!p0 $0x6  }
0xaf: {  	_ =	swait.ge @!p0 [sflag:s0], s1  }
0xb0: {  	s1 =	ssub.s32 @!p0 $0x0, s1;
	[sflag:s0] =	ssyncset.done @!p0 $0x0  }
0xb1: {  	[sflag:s0] =	ssyncadd.s32 @!p0 s1  }
0xb2: {  	[bflag:$0x3] =	sbarrier.arrive $0xFFFF  }
0xb3: {  	_ =	shalt  }

// kernel: kernel.9.cloned.1.call-start
scs
__scs_entry_jumppad:
0x0: {  	(pc) =	sbr.rel $0x88, $3  }
0x1: {  	(tag) =	ssettag $0x0;
	lr =	simm.s32 $0x1  }
0x2: {  	[smem:$0x3F89] =	sst lr;
	_ =	strace $0xD0000000  }
0x3: {  	_ = 	snop  }
0x4: {  	_ = 	snop  }
0x5: {  	_ = 	snop  }
0x6: {  	_ = 	snop  }
0x7: {  	_ = 	snop  }
__scs_overlays_trampoline_lowered:
0x8: {  	[smem:$0x3F98] =	sst s0  }
0x9: {  	[smem:$0x3F99] =	sst s1  }
0xa: {  	[smem:$0x3F9A] =	sst s2  }
0xb: {  	[smem:$0x3F9B] =	sst s3  }
0xc: {  	[smem:$0x3F9C] =	sst s4  }
0xd: {  	[smem:$0x3F9D] =	sst s5  }
0xe: {  	[smem:$0x3F9E] =	sst s6  }
0xf: {  	[smem:$0x3F9F] =	sst s7  }
0x10: {  	[smem:$0x3FA0] =	sst s8  }
0x11: {  	[smem:$0x3FA1] =	sst s9;
	s0 =	simm.s32 @!p0 $0x0  }
0x12: {  	s1 =	sld [smem:$0x3F87];
	s0 =	simm.s32 @p0 $0x1  }
0x13: {  	[smem:$0x3FA2] =	sst s0;
	s0 =	simm.s32 @!p1 $0x0  }
0x14: {  	s2 =	sld [smem:$0x3F86];
	s0 =	simm.s32 @p1 $0x1  }
0x15: {  	[smem:$0x3FA3] =	sst s0;
	s0 =	simm.s32 @!p2 $0x0  }
0x16: {  	s3 =	sld [smem:$0x3FDB];
	s0 =	simm.s32 @p2 $0x1  }
0x17: {  	s4 =	simm.s32 $0x1BF5;
	[smem:$0x3FA5] =	sst s0  }
0x18: {  	s0 =	sld [smem:$0x3F88];
	_ =	swait.ge [sflag:s4], $0x0  }
0x19: {  	s7 =	sld [smem:$0x3F89]  }
0x1a: {  	s8 =	sadd.s32 $0xFFFFE003, lr  }
0x1b: {  	s9 =	sadd.s32 $0xFFFFFEF7, lr;
	s5 =	simm.s32 $0xFFFFFFFF;
	p2 =	slt.u32 s8, $0xFFFFF086  }
0x1c: {  	p1 =	slt.u32 s9, $0xF7A;
	s5 =	simm.s32 @!p2 $0x0  }
0x1d: {  	s5 =	simm.s32 @p1 $0x1;
	p0 =	seq.s32 s7, s2  }
0x1e: {  	s7 =	smul.u32 @!p0 $0xF7A, s2;
	p2 =	seq.s32 @!p0 s5, $0x0  }
0x1f: {  	s9 =	smul.u32 $0xF7A, s1;
	s8 =	simm.s32 @!p0 $0x1BF5;
	p2 =	por !p2, p0  }
0x20: {  	[sflag:s8] =	ssyncset.s32 @!p0 $0xFFFFF086;
	s6 =	sadd.s32 @!p0 s3, s7;
	s7 =	simm.s32 @!p0 $0x108  }
0x21: {  	s3 =	sadd.s32 s3, s9;
	s6 =	sadd.s32 @!p0 $0x88, s6;
	s7 =	simm.s32 @p2 $0x1082  }
0x22: {  	[simem:s7], [sflag:s8] =	dma.local @!p0 [hbm:s6], $0xF7A  }
0x23: {  	s9 =	sor.u32 $0xD0000000, s2;
	s6 =	simm.s32 $0x108;
	_ =	swait.ge @!p0 [sflag:s8], $0x0  }
0x24: {  	s3 =	sadd.s32 $0x88, s3;
	s6 =	simm.s32 @!p1 $0x1082;
	[sflag:s4] =	ssyncset.s32 $0xFFFFF086  }
0x25: {  	[simem:s6], [sflag:s4] =	dma.local [hbm:s3], $0xF7A  }
0x26: {  	[smem:$0x3F89] =	sst s1;
	(tag) =	ssettag s2;
	_ =	strace s9  }
0x27: {  	s1 =	sld [smem:$0x3F99]  }
0x28: {  	s2 =	sld [smem:$0x3F9A]  }
0x29: {  	s4 =	sld [smem:$0x3F9C]  }
0x2a: {  	p0 =	seq.s32 s5, $0x0;
	s5 =	sld [smem:$0x3F9D]  }
0x2b: {  	s6 =	sld [smem:$0x3F9E]  }
0x2c: {  	s7 =	sld [smem:$0x3F9F]  }
0x2d: {  	s3 =	simm.s32 $0x108;
	s8 =	sld [smem:$0x3FA0]  }
0x2e: {  	s3 =	simm.s32 @!p0 $0x1082;
	s9 =	sld [smem:$0x3FA1]  }
0x2f: {  	lr =	sadd.s32 s0, s3;
	s0 =	sld [smem:$0x3F98]  }
0x30: {  	s3 =	sld [smem:$0x3F9B]  }
0x31: {  	[smem:$0x3FA4] =	sst s10  }
0x32: {  	s10 =	sld [smem:$0x3FA2];
	_ =	sdelay $0x3  }
0x33: {  	p0 =	seq.s32 s10, $0x1;
	s10 =	sld [smem:$0x3FA4];
	_ =	sdelay $0x3  }
0x34: {  	[smem:$0x3FA4] =	sst s10  }
0x35: {  	s10 =	sld [smem:$0x3FA3];
	_ =	sdelay $0x3  }
0x36: {  	p1 =	seq.s32 s10, $0x1;
	s10 =	sld [smem:$0x3FA4];
	_ =	sdelay $0x3  }
0x37: {  	[smem:$0x3FA4] =	sst s10  }
0x38: {  	s10 =	sld [smem:$0x3FA5]  }
0x39: {  	_ = 	snop;
	(pc) =	sbr.ind lr, $3  }
0x3a: {  	_ = 	snop  }
0x3b: {  	_ = 	snop  }
0x3c: {  	p2 =	seq.s32 s10, $0x1;
	s10 =	sld [smem:$0x3FA4]  }
0x3d: {  	_ =	shalt  }
0x3e: {  	_ =	shalt  }
0x3f: {  	_ =	shalt  }
0x40: {  	_ =	shalt  }
0x41: {  	_ =	shalt  }
0x42: {  	_ =	shalt  }
0x43: {  	_ =	shalt  }
0x44: {  	_ =	shalt  }
0x45: {  	_ =	shalt  }
0x46: {  	_ =	shalt  }
0x47: {  	_ =	shalt  }
0x48: {  	_ =	shalt  }
0x49: {  	_ =	shalt  }
0x4a: {  	_ =	shalt  }
0x4b: {  	_ =	shalt  }
0x4c: {  	_ =	shalt  }
0x4d: {  	_ =	shalt  }
0x4e: {  	_ =	shalt  }
0x4f: {  	_ =	shalt  }
0x50: {  	_ =	shalt  }
0x51: {  	_ =	shalt  }
0x52: {  	_ =	shalt  }
0x53: {  	_ =	shalt  }
0x54: {  	_ =	shalt  }
0x55: {  	_ =	shalt  }
0x56: {  	_ =	shalt  }
0x57: {  	_ =	shalt  }
0x58: {  	_ =	shalt  }
0x59: {  	_ =	shalt  }
0x5a: {  	_ =	shalt  }
0x5b: {  	_ =	shalt  }
0x5c: {  	_ =	shalt  }
0x5d: {  	_ =	shalt  }
0x5e: {  	_ =	shalt  }
0x5f: {  	_ =	shalt  }
0x60: {  	_ =	shalt  }
0x61: {  	_ =	shalt  }
0x62: {  	_ =	shalt  }
0x63: {  	_ =	shalt  }
0x64: {  	_ =	shalt  }
0x65: {  	_ =	shalt  }
0x66: {  	_ =	shalt  }
0x67: {  	_ =	shalt  }
0x68: {  	_ =	shalt  }
0x69: {  	_ =	shalt  }
0x6a: {  	_ =	shalt  }
0x6b: {  	_ =	shalt  }
0x6c: {  	_ =	shalt  }
0x6d: {  	_ =	shalt  }
0x6e: {  	_ =	shalt  }
0x6f: {  	_ =	shalt  }
0x70: {  	_ =	shalt  }
0x71: {  	_ =	shalt  }
0x72: {  	_ =	shalt  }
0x73: {  	_ =	shalt  }
0x74: {  	_ =	shalt  }
0x75: {  	_ =	shalt  }
0x76: {  	_ =	shalt  }
0x77: {  	_ =	shalt  }
0x78: {  	_ =	shalt  }
0x79: {  	_ =	shalt  }
0x7a: {  	_ =	shalt  }
0x7b: {  	_ =	shalt  }
0x7c: {  	_ =	shalt  }
0x7d: {  	_ =	shalt  }
0x7e: {  	_ =	shalt  }
0x7f: {  	_ =	shalt  }
0x80: {  	_ =	shalt  }
0x81: {  	_ =	shalt  }
0x82: {  	_ =	shalt  }
0x83: {  	_ =	shalt  }
0x84: {  	_ =	shalt  }
0x85: {  	_ =	shalt  }
0x86: {  	_ =	shalt  }
0x87: {  	_ =	shalt  }
.Lfunc_end0:
.L_simem_size_0:
called_computation_lowered:
.L_overlay_start_0:
0x88: {  	s2 =	sld [smem:$0x3FD9]  }
0x89: {  	s3 =	sld [smem:$0x3FFE];
	_ =	sdelay $0x1  }
0x8a: {  	s1 =	srdreg.scid  }
0x8b: {  	s0 =	sand.u32 $0x1, s1  }
0x8c: {  	s17 =	sshll.u32 s0, $0xA;
	s2 =	sadd.s32 s3, s2  }
0x8d: {  	s2 =	sadd.s32 s2, s17  }
0x8e: {  	[smem:$0x3FB0] =	sst s2  }
0x8f: {  	_ = 	snop  }
0x90: {  	s2 =	sld [smem:$0x3FC9];
	(tm) =	ssettm $0x1  }
0x91: {  	s18 =	sld [smem:$0x3FFB];
	_ =	sdelay $0x3  }
0x92: {  	_ =	strace s18  }
0x93: {  	s3 =	sld [smem:$0x3FFC];
	_ =	sdelay $0x3  }
0x94: {  	_ =	strace s3  }
0x95: {  	s3 =	sld [smem:$0x3FFD];
	_ =	sdelay $0x3  }
0x96: {  	_ =	strace s3  }
0x97: {  	_ =	strace $0x8FFFFFFF  }
0x98: {  	s19 =	sld [smem:$0x3FDB];
	_ =	sdelay $0x1  }
0x99: {  	s4 =	simm.s32 $_scs_section_size  }
0x9a: {  	s5 =	simm.s32 $_size__tile_overlayer_lowered;
	s6 =	simm.s32 $_tile_overlayer_lowered  }
0x9b: {  	s22 =	simm.s32 $0x1BFF;
	s21 =	sshll.u32 s6, $0x1;
	s3 =	sadd.s32 s4, s19  }
0x9c: {  	s7 =	simm.s32 $0x0;
	s20 =	sshll.u32 s5, $0x1;
	s5 =	sadd.s32 s21, s3  }
0x9d: {  	[timem:s7], [sflag:s22] =	dma.local [hbm:s5], s20  }
0x9e: {  	_ =	swait.ge [sflag:s22], s20  }
0x9f: {  	s4 =	ssub.s32 $0x0, s20;
	[sflag:s22] =	ssyncset.done $0x0  }
0xa0: {  	[sflag:s22] =	ssyncadd.s32 s4;
	_ =	sdelay $0x1  }
0xa1: {  	s23 =	simm.s32 $0x1B8B  }
0xa2: {  	_ =	swait.ge [sflag:s23], $0x1  }
0xa3: {  	[sflag:s23] =	ssyncset.done $0x0  }
0xa4: {  	s25 =	simm.s32 $0x1B8E;
	s24 =	sld [smem:$0x3FFE];
	[sflag:s23] =	ssyncadd.s32 $0xFFFFFFFF  }
0xa5: {  	s26 =	simm.s32 $execute0_lowered;
	[smem:$0x3FD2] =	sst s25  }
0xa6: {  	s5 =	sshll.u32 s26, $0x1;
	_ =	strace $0x80000046;
	[dreg:$0x1] =	wrdreg $0xFFFFFFFF  }
0xa7: {  	s28 =	simm.s32 $_size_execute0_lowered;
	s3 =	sadd.s32 s3, s5;
	[dreg:$0x0] =	wrdreg $0x0  }
0xa8: {  	s5 =	sshll.u32 s28, $0x1;
	[dreg:$0x2] =	wrdreg s3  }
0xa9: {  	[dreg:$0x3] =	wrdreg s5  }
0xaa: {  	[dreg:$0x4] =	wrdreg $0xC0  }
0xab: {  	_ =	task [dreg:s7], $0x5FFFF  }
0xac: {  	[dreg:$0x1] =	wrdreg $0xFFFFFFFF  }
0xad: {  	[dreg:$0x0] =	wrdreg $0x60  }
0xae: {  	[dreg:$0x2] =	wrdreg s2  }
0xaf: {  	[dreg:$0x3] =	wrdreg s24  }
0xb0: {  	[dreg:$0x4] =	wrdreg $0xB2200  }
0xb1: {  	[dreg:$0x5] =	wrdreg $0x9  }
0xb2: {  	_ =	task.clear_ibuf [dreg:s7], $0x6FFFF;
	_ =	strace $0x90000046  }
0xb3: {  	s29 =	simm.s32 $0x9;
	_ =	strace $0x80000048  }
0xb4: {  	_ =	swait.ge [sflag:s29], $0x1  }
0xb5: {  	[sflag:s29] =	ssyncadd.s32 $0xFFFFFFFF  }
0xb6: {  	_ =	strace $0x90000048  }
0xb7: {  	_ =	sfence  }
0xb8: {  	s30 =	sld [smem:$0x0];
	_ =	sdelay $0x2  }
0xb9: {  	s31 =	sshll.u32 s1, $0xD;
	s1 =	sshrl.u32 s1, $0x2  }
0xba: {  	s3 =	sand.u32 $0x4000, s31;
	s1 =	sadd.s32 s1, s30  }
0xbb: {  	s0 =	sor.u32 s3, s0;
	s1 =	sshll.u32 s1, $0x11  }
0xbc: {  	s0 =	sor.u32 s1, s0  }
0xbd: {  	s0 =	sadd.s32 $0x8F2B, s0  }
0xbe: {  	[sflag:s0] =	ssyncadd.remote.s32 $0x1  }
0xbf: {  	_ =	sfence.sel $0xFFFF  }
0xc0: {  	[dreg:$0x0] =	wrdreg $0xFFFFFFFF;
	(pc) =	sbr.abs _section_cstart, $3  }
0xc1: {  	[dreg:$0x1] =	wrdreg $0xFFFFFFFF  }
0xc2: {  	_ =	task.clear_ibuf [dreg:s7], $0x2FFFF;
	_ =	strace $0x9FFFFFFF  }
0xc3: {  	(tm) =	ssettm $0x7FFFFFFF  }
tec
execute0_lowered:
.L_overlay_start_1:
0x0: {  	(tag) =	ssettag $0x1  }
0x1: {  	s1 =	rddreg [dreg:$0x0]  }
0x2: {  	s0 =	rddreg [dreg:$0x1]  }
0x3: {  	s2 =	rddreg [dreg:$0x2];
	s4 =	srdreg.scid  }
0x4: {  	s3 =	simm.s32 $0x0;
	s16 =	stileid.u32;
	s12 =	simm.s32 $0x4E20  }
0x5: {  	s13 =	simm.s32 $0x6220;
	s15 =	simm.s32 $0x7620;
	s17 =	simm.s32 $0x8A20  }
0x6: {  	s19 =	simm.s32 $0x9E20;
	s22 =	simm.s32 $0x1;
	s23 =	simm.s32 $0x2  }
0x7: {  	s28 =	simm.s32 $0x5;
	s29 =	simm.s32 $0x4D58;
	s9 =	smul.u32 $0x4E2, s16  }
0x8: {  	s30 =	simm.s32 $0x4D80;
	s4 =	sand.u32 $0x1, s4;
	s10 =	smul.u32 $0x14000, s16  }
0x9: {  	s31 =	simm.s32 $0x4DA8;
	[smem:$0x7FF] =	sst s3;
	s5 =	smul.u32 $0x4E20, s4  }
0xa: {  	s26 =	sshll.u32 s16, $0x6;
	_ =	strace $0x80000047;
	s6 =	smul.u32 $0x28000, s4  }
0xb: {  	s4 =	ssub.s32 $0x2, s4;
	s20 =	sor.u32 $0x1C06, s26;
	s26 =	simm.s32 $0x4  }
0xc: {  	s8 =	sshrl.u32 s4, $0x1;
	s14 =	sadd.s32 s10, s2;
	s10 =	sshrl.u32 s10, $0x3  }
0xd: {  	s7 =	sadd.s32 s5, s0;
	s5 =	sadd.s32 $0x19800, s0;
	s0 =	sadd.s32 s6, s0  }
0xe: {  	s4 =	ssub.s32 s4, s8;
	s8 =	simm.s32 $0x6;
	s21 =	sshrl.u32 s14, $0x3  }
0xf: {  	s25 =	sadd.s32 s9, s7;
	s11 =	sadd.s32 $0xFA00, s7;
	s0 =	sadd.s32 $0x1C000, s0  }
0x10: {  	s7 =	smax.u32 s4, $0x1;
	s4 =	simm.s32 $0x4DF8;
	s6 =	sadd.s32 $0x5C00, s25  }
0x11: {  	s9 =	sadd.s32 s9, s11;
	s11 =	simm.s32 $0x28;
	s24 =	sadd.s32 s10, s0  }
0x12: {  	s25 =	simm.s32 $0x3;
	s0 =	simm.s32 $0x4DD0;
	s10 =	simm.s32 $0x0  }
.LBB2_1:
0x13: {  	[tilespmem:s3], [sflag:$0x6] =	stream.linear.gather [hbm4b:s6+s3], $0x2710, $0x38;
	[tilespmem:$0x1F220] =	vst v63  }
0x14: {  	_ =	swait.ge [sflag:s8], $0x2710  }
0x15: {  	[sflag:s8] =	ssyncset.done $0x0  }
0x16: {  	s14 =	simm.s32 $0x2710;
	[sflag:s8] =	ssyncadd.s32 $0xFFFFD8F0  }
0x17: {  	[tilespmem:s14], [sflag:$0x6] =	stream.linear.gather [hbm4b:s9+s3], $0x2710, $0x38;
	[tilespmem:$0x1F220] =	vst v63  }
0x18: {  	_ =	swait.ge [sflag:s8], $0x2710  }
0x19: {  	[sflag:s8] =	ssyncset.done $0x0  }
0x1a: {  	[sflag:s8] =	ssyncadd.s32 $0xFFFFD8F0  }
0x1b: {  	[tilespmem:s12], [sflag:$0x1] =	stream.indirect.gather [hbm4b:s1+s11], $0x80, s3, s11, $0xb8;
	[tilespmem:$0x1F220] =	vst v63  }
0x1c: {  	_ = 	snop  }
0x1d: {  	[tilespmem:s13], [sflag:$0x2] =	stream.indirect.gather [hbm4b:s1+s11], $0x80, s11, s11, $0xb8;
	[tilespmem:$0x1F220] =	vst v63  }
0x1e: {  	s16 =	simm.s32 $0x50  }
0x1f: {  	[tilespmem:s15], [sflag:$0x3] =	stream.indirect.gather [hbm4b:s1+s11], $0x80, s16, s11, $0xb8;
	[tilespmem:$0x1F220] =	vst v63  }
0x20: {  	s18 =	simm.s32 $0x78  }
0x21: {  	[tilespmem:s17], [sflag:$0x4] =	stream.indirect.gather [hbm4b:s1+s11], $0x80, s18, s11, $0xb8;
	[tilespmem:$0x1F220] =	vst v63  }
0x22: {  	s16 =	simm.s32 $0xA0  }
0x23: {  	[tilespmem:s19], [sflag:$0x5] =	stream.indirect.gather [hbm4b:s1+s11], $0x80, s16, s11, $0xb8;
	[tilespmem:$0x1F220] =	vst v63  }
0x24: {  	[spmem:s21], [sflag:s20] =	dma.local [hbm:s5], $0x2800  }
0x25: {  	_ =	swait.ge [sflag:s8], $0x2800  }
0x26: {  	[sflag:s8] =	ssyncset.done $0x0  }
0x27: {  	[sflag:s8] =	ssyncadd.s32 $0xFFFFD800  }
0x28: {  	[bflag:$0x0] =	sbarrier.arrive $0xFFFF  }
0x29: {  	_ =	swait.ge [sflag:s22], $0x1400  }
0x2a: {  	[sflag:s22] =	ssyncset.done $0x0  }
0x2b: {  	s18 =	simm.s32 $0x2710;
	[sflag:s22] =	ssyncadd.s32 $0xFFFFEC00  }
0x2c: {  	[spmem:s2] =	stream.indirect.scatter.add.f32 [tilespmem:s12], [sflag:$0x6], $0x80, s18, s11, $0xb8;
	[tilespmem:$0x1F220] =	vst v63  }
0x2d: {  	_ =	swait.ge [sflag:s8], $0x1400  }
0x2e: {  	[sflag:s8] =	ssyncset.done $0x0  }
0x2f: {  	s16 =	simm.s32 $0xC8;
	[sflag:s8] =	ssyncadd.s32 $0xFFFFEC00  }
0x30: {  	[tilespmem:s12], [sflag:$0x1] =	stream.indirect.gather [hbm4b:s1+s11], $0x80, s16, s11, $0xb8;
	[tilespmem:$0x1F220] =	vst v63  }
0x31: {  	_ =	swait.ge [sflag:s23], $0x1400  }
0x32: {  	[sflag:s23] =	ssyncset.done $0x0  }
0x33: {  	s18 =	simm.s32 $0x2738;
	[sflag:s23] =	ssyncadd.s32 $0xFFFFEC00  }
0x34: {  	[spmem:s2] =	stream.indirect.scatter.add.f32 [tilespmem:s13], [sflag:$0x6], $0x80, s18, s11, $0xb8;
	[tilespmem:$0x1F220] =	vst v63  }
0x35: {  	_ =	swait.ge [sflag:s8], $0x1400  }
0x36: {  	[sflag:s8] =	ssyncset.done $0x0  }
0x37: {  	s16 =	simm.s32 $0xF0;
	[sflag:s8] =	ssyncadd.s32 $0xFFFFEC00  }
0x38: {  	[tilespmem:s13], [sflag:$0x2] =	stream.indirect.gather [hbm4b:s1+s11], $0x80, s16, s11, $0xb8;
	[tilespmem:$0x1F220] =	vst v63  }
0x39: {  	_ =	swait.ge [sflag:s25], $0x1400  }
0x3a: {  	[sflag:s25] =	ssyncset.done $0x0  }
0x3b: {  	s18 =	simm.s32 $0x2760;
	[sflag:s25] =	ssyncadd.s32 $0xFFFFEC00  }
0x3c: {  	[spmem:s2] =	stream.indirect.scatter.add.f32 [tilespmem:s15], [sflag:$0x6], $0x80, s18, s11, $0xb8;
	[tilespmem:$0x1F220] =	vst v63  }
0x3d: {  	_ =	swait.ge [sflag:s8], $0x1400  }
0x3e: {  	[sflag:s8] =	ssyncset.done $0x0  }
0x3f: {  	s16 =	simm.s32 $0x118;
	[sflag:s8] =	ssyncadd.s32 $0xFFFFEC00  }
0x40: {  	[tilespmem:s15], [sflag:$0x3] =	stream.indirect.gather [hbm4b:s1+s11], $0x80, s16, s11, $0xb8;
	[tilespmem:$0x1F220] =	vst v63  }
0x41: {  	_ =	swait.ge [sflag:s26], $0x1400  }
0x42: {  	[sflag:s26] =	ssyncset.done $0x0  }
0x43: {  	s18 =	simm.s32 $0x2788;
	[sflag:s26] =	ssyncadd.s32 $0xFFFFEC00  }
0x44: {  	[spmem:s2] =	stream.indirect.scatter.add.f32 [tilespmem:s17], [sflag:$0x6], $0x80, s18, s11, $0xb8;
	[tilespmem:$0x1F220] =	vst v63  }
0x45: {  	_ =	swait.ge [sflag:s8], $0x1400  }
0x46: {  	[sflag:s8] =	ssyncset.done $0x0  }
0x47: {  	s16 =	simm.s32 $0x140;
	[sflag:s8] =	ssyncadd.s32 $0xFFFFEC00  }
0x48: {  	[tilespmem:s17], [sflag:$0x4] =	stream.indirect.gather [hbm4b:s1+s11], $0x80, s16, s11, $0xb8;
	[tilespmem:$0x1F220] =	vst v63  }
0x49: {  	_ =	swait.ge [sflag:s28], $0x1400  }
0x4a: {  	[sflag:s28] =	ssyncset.done $0x0  }
0x4b: {  	s18 =	simm.s32 $0x27B0;
	[sflag:s28] =	ssyncadd.s32 $0xFFFFEC00  }
0x4c: {  	[spmem:s2] =	stream.indirect.scatter.add.f32 [tilespmem:s19], [sflag:$0x6], $0x80, s18, s11, $0xb8;
	[tilespmem:$0x1F220] =	vst v63  }
0x4d: {  	_ =	swait.ge [sflag:s8], $0x1400  }
0x4e: {  	[sflag:s8] =	ssyncset.done $0x0  }
0x4f: {  	s14 =	simm.s32 $0x320;
	s16 =	simm.s32 $0x168;
	[sflag:s8] =	ssyncadd.s32 $0xFFFFEC00  }
.LBB2_2:
0x50: {  	[tilespmem:s19], [sflag:$0x5] =	stream.indirect.gather [hbm4b:s1+s11], $0x80, s16, s11, $0xb8;
	[tilespmem:$0x1F220] =	vst v63  }
0x51: {  	s16 =	smov.u32 s14  }
0x52: {  	p0 =	sne.s32 s14, $0x9600;
	s14 =	sadd.s32 $0x320, s14;
	_ =	swait.ge [sflag:s22], $0x1400  }
0x53: {  	s16 =	sshra.s32 s16, $0x2;
	[sflag:s22] =	ssyncset.done $0x0  }
0x54: {  	s18 =	sadd.s32 $0x2710, s16;
	[sflag:s22] =	ssyncadd.s32 $0xFFFFEC00  }
0x55: {  	[spmem:s2] =	stream.indirect.scatter.add.f32 [tilespmem:s12], [sflag:$0x6], $0x80, s18, s11, $0xb8;
	[tilespmem:$0x1F220] =	vst v63  }
0x56: {  	_ =	swait.ge [sflag:s8], $0x1400  }
0x57: {  	[sflag:s8] =	ssyncset.done $0x0  }
0x58: {  	s18 =	sadd.s32 $0xC8, s16;
	[sflag:s8] =	ssyncadd.s32 $0xFFFFEC00  }
0x59: {  	[tilespmem:s12], [sflag:$0x1] =	stream.indirect.gather [hbm4b:s1+s11], $0x80, s18, s11, $0xb8;
	[tilespmem:$0x1F220] =	vst v63  }
0x5a: {  	_ =	swait.ge [sflag:s23], $0x1400  }
0x5b: {  	[sflag:s23] =	ssyncset.done $0x0  }
0x5c: {  	s18 =	sadd.s32 $0x2738, s16;
	[sflag:s23] =	ssyncadd.s32 $0xFFFFEC00  }
0x5d: {  	[spmem:s2] =	stream.indirect.scatter.add.f32 [tilespmem:s13], [sflag:$0x6], $0x80, s18, s11, $0xb8;
	[tilespmem:$0x1F220] =	vst v63  }
0x5e: {  	_ =	swait.ge [sflag:s8], $0x1400  }
0x5f: {  	[sflag:s8] =	ssyncset.done $0x0  }
0x60: {  	s18 =	sadd.s32 $0xF0, s16;
	[sflag:s8] =	ssyncadd.s32 $0xFFFFEC00  }
0x61: {  	[tilespmem:s13], [sflag:$0x2] =	stream.indirect.gather [hbm4b:s1+s11], $0x80, s18, s11, $0xb8;
	[tilespmem:$0x1F220] =	vst v63  }
0x62: {  	_ =	swait.ge [sflag:s25], $0x1400  }
0x63: {  	[sflag:s25] =	ssyncset.done $0x0  }
0x64: {  	s18 =	sadd.s32 $0x2760, s16;
	[sflag:s25] =	ssyncadd.s32 $0xFFFFEC00  }
0x65: {  	[spmem:s2] =	stream.indirect.scatter.add.f32 [tilespmem:s15], [sflag:$0x6], $0x80, s18, s11, $0xb8;
	[tilespmem:$0x1F220] =	vst v63  }
0x66: {  	_ =	swait.ge [sflag:s8], $0x1400  }
0x67: {  	[sflag:s8] =	ssyncset.done $0x0  }
0x68: {  	s18 =	sadd.s32 $0x118, s16;
	[sflag:s8] =	ssyncadd.s32 $0xFFFFEC00  }
0x69: {  	[tilespmem:s15], [sflag:$0x3] =	stream.indirect.gather [hbm4b:s1+s11], $0x80, s18, s11, $0xb8;
	[tilespmem:$0x1F220] =	vst v63  }
0x6a: {  	_ =	swait.ge [sflag:s26], $0x1400  }
0x6b: {  	[sflag:s26] =	ssyncset.done $0x0  }
0x6c: {  	s18 =	sadd.s32 $0x2788, s16;
	[sflag:s26] =	ssyncadd.s32 $0xFFFFEC00  }
0x6d: {  	[spmem:s2] =	stream.indirect.scatter.add.f32 [tilespmem:s17], [sflag:$0x6], $0x80, s18, s11, $0xb8;
	[tilespmem:$0x1F220] =	vst v63  }
0x6e: {  	_ =	swait.ge [sflag:s8], $0x1400  }
0x6f: {  	[sflag:s8] =	ssyncset.done $0x0  }
0x70: {  	s18 =	sadd.s32 $0x140, s16;
	[sflag:s8] =	ssyncadd.s32 $0xFFFFEC00  }
0x71: {  	[tilespmem:s17], [sflag:$0x4] =	stream.indirect.gather [hbm4b:s1+s11], $0x80, s18, s11, $0xb8;
	[tilespmem:$0x1F220] =	vst v63  }
0x72: {  	_ =	swait.ge [sflag:s28], $0x1400  }
0x73: {  	[sflag:s28] =	ssyncset.done $0x0  }
.Ltmp0:
0x74: {  	s18 =	sadd.s32 $0x27B0, s16;
	[sflag:s28] =	ssyncadd.s32 $0xFFFFEC00;
	(pc) =	sbr.rel @p0 .LBB2_2-.Ltmp0, $4  }
0x75: {  	[spmem:s2] =	stream.indirect.scatter.add.f32 [tilespmem:s19], [sflag:$0x6], $0x80, s18, s11, $0xb8;
	[tilespmem:$0x1F220] =	vst v63  }
0x76: {  	_ =	swait.ge [sflag:s8], $0x1400  }
0x77: {  	[sflag:s8] =	ssyncset.done $0x0  }
0x78: {  	s16 =	sadd.s32 $0x168, s16;
	[sflag:s8] =	ssyncadd.s32 $0xFFFFEC00  }
0x79: {  	[tilespmem:s19], [sflag:$0x5] =	stream.indirect.gather [hbm4b:s1+s11], $0x80, s16, s11, $0xb8;
	[tilespmem:$0x1F220] =	vst v63  }
0x7a: {  	_ =	swait.ge [sflag:s22], $0x1400  }
0x7b: {  	[sflag:s22] =	ssyncset.done $0x0  }
0x7c: {  	[sflag:s22] =	ssyncadd.s32 $0xFFFFEC00  }
0x7d: {  	[spmem:s2] =	stream.indirect.scatter.add.f32 [tilespmem:s12], [sflag:$0x6], $0x80, s29, s11, $0xb8;
	[tilespmem:$0x1F220] =	vst v63  }
0x7e: {  	_ =	swait.ge [sflag:s8], $0x1400  }
0x7f: {  	[sflag:s8] =	ssyncset.done $0x0  }
0x80: {  	[sflag:s8] =	ssyncadd.s32 $0xFFFFEC00  }
0x81: {  	_ =	swait.ge [sflag:s23], $0x1400  }
0x82: {  	[sflag:s23] =	ssyncset.done $0x0  }
0x83: {  	[sflag:s23] =	ssyncadd.s32 $0xFFFFEC00  }
0x84: {  	[spmem:s2] =	stream.indirect.scatter.add.f32 [tilespmem:s13], [sflag:$0x6], $0x80, s30, s11, $0xb8;
	[tilespmem:$0x1F220] =	vst v63  }
0x85: {  	_ =	swait.ge [sflag:s8], $0x1400  }
0x86: {  	[sflag:s8] =	ssyncset.done $0x0  }
0x87: {  	[sflag:s8] =	ssyncadd.s32 $0xFFFFEC00  }
0x88: {  	_ =	swait.ge [sflag:s25], $0x1400  }
0x89: {  	[sflag:s25] =	ssyncset.done $0x0  }
0x8a: {  	[sflag:s25] =	ssyncadd.s32 $0xFFFFEC00  }
0x8b: {  	[spmem:s2] =	stream.indirect.scatter.add.f32 [tilespmem:s15], [sflag:$0x6], $0x80, s31, s11, $0xb8;
	[tilespmem:$0x1F220] =	vst v63  }
0x8c: {  	_ =	swait.ge [sflag:s8], $0x1400  }
0x8d: {  	[sflag:s8] =	ssyncset.done $0x0  }
0x8e: {  	[sflag:s8] =	ssyncadd.s32 $0xFFFFEC00  }
0x8f: {  	_ =	swait.ge [sflag:s26], $0x1400  }
0x90: {  	[sflag:s26] =	ssyncset.done $0x0  }
0x91: {  	[sflag:s26] =	ssyncadd.s32 $0xFFFFEC00  }
0x92: {  	[spmem:s2] =	stream.indirect.scatter.add.f32 [tilespmem:s17], [sflag:$0x6], $0x80, s0, s11, $0xb8;
	[tilespmem:$0x1F220] =	vst v63  }
0x93: {  	_ =	swait.ge [sflag:s8], $0x1400  }
0x94: {  	[sflag:s8] =	ssyncset.done $0x0  }
0x95: {  	[sflag:s8] =	ssyncadd.s32 $0xFFFFEC00  }
0x96: {  	_ =	swait.ge [sflag:s28], $0x1400  }
0x97: {  	[sflag:s28] =	ssyncset.done $0x0  }
0x98: {  	[sflag:s28] =	ssyncadd.s32 $0xFFFFEC00  }
0x99: {  	[spmem:s2] =	stream.indirect.scatter.add.f32 [tilespmem:s19], [sflag:$0x6], $0x80, s4, s11, $0xb8;
	[tilespmem:$0x1F220] =	vst v63  }
0x9a: {  	_ =	swait.ge [sflag:s8], $0x1400  }
0x9b: {  	s10 =	sadd.s32 $0x1, s10;
	[sflag:s8] =	ssyncset.done $0x0  }
0x9c: {  	p0 =	sne.s32 s10, s7;
	[sflag:s8] =	ssyncadd.s32 $0xFFFFEC00  }
.Ltmp1:
0x9d: {  	[bflag:$0x0] =	sbarrier.arrive $0xFFFF;
	(pc) =	sbr.rel @p0 .LBB2_1-.Ltmp1, $4  }
0x9e: {  	[hbm:s24], [sflag:s20] =	dma.local [spmem:s21], $0x2800  }
0x9f: {  	_ =	swait.ge [sflag:s8], $0x2800  }
0xa0: {  	[sflag:s8] =	ssyncset.done $0x0  }
0xa1: {  	[sflag:s8] =	ssyncadd.s32 $0xFFFFD800  }
0xa2: {  	_ =	sfence.sel $0x180000  }
0xa3: {  	[bflag:$0x0] =	sbarrier.arrive $0xFFFF  }
0xa4: {  	_ =	strace $0x90000047  }
0xa5: {  	s0 =	stileid.u32;
	[bflag:$0x2] =	sbarrier.arrive $0xFFFF  }
0xa6: {  	p0 =	sne.s32 s0, $0x0;
	s0 =	rddreg [dreg:$0x3]  }
0xa7: {  	s0 =	sadd.s32 @!p0 $0x100000, s0  }
0xa8: {  	[sflag:s0] =	ssyncadd.tile.s32 @!p0 $0x1;
	_ =	shalt  }
.Lfunc_end2:
_tile_overlayer_lowered:
.L_overlay_start_2:
0xa9: {  	(tag) =	ssettag $0x2  }
0xaa: {  	s0 =	rddreg [dreg:$0x0];
	s2 =	stileid.u32  }
0xab: {  	s1 =	rddreg [dreg:$0x1];
	p0 =	sne.s32 s2, $0x0  }
0xac: {  	s3 =	rddreg [dreg:$0x2];
	[bflag:$0x3] =	sbarrier.arrive $0xFFFF;
	s2 =	simm.s32 @!p0 $0x1C06  }
0xad: {  	[timem:s3], [sflag:s2] =	dma.local @!p0 [hbm:s0], s1  }
0xae: {  	s0 =	simm.s32 @!p0 $0x6  }
0xaf: {  	_ =	swait.ge @!p0 [sflag:s0], s1  }
0xb0: {  	s1 =	ssub.s32 @!p0 $0x0, s1;
	[sflag:s0] =	ssyncset.done @!p0 $0x0  }
0xb1: {  	[sflag:s0] =	ssyncadd.s32 @!p0 s1  }
0xb2: {  	[bflag:$0x3] =	sbarrier.arrive $0xFFFF  }
0xb3: {  	_ =	shalt  }

</sc_bundles>
